<compile_context>
chip_gen: v7x
topology: tpu7x:2x2x1
jax: 0.10.2.dev20260603
libtpu: 0.0.44.dev20260713+nightly
codegen_flags: <defaults>
</compile_context>

<pallas_src>
import functools

import jax
import jax.numpy as jnp
from jax import lax
from jax.experimental import pallas as pl
from jax.experimental.pallas import tpu as pltpu
from jax.experimental.pallas import tpu_sc as plsc

B, S, D = 4096, 200, 64
NC, NS = 2, 16
NW = NC * NS
R = S * D
DCH = 4
SPS = D // DCH
SPW = (S * SPS) // NW
RPW = SPW * DCH
NBUF = 3
G = SPW // NBUF
TAIL = SPW - G * NBUF
LANES = 16
NSL = B // LANES

_mesh = plsc.VectorSubcoreMesh(
    core_axis_name="c", subcore_axis_name="s", num_cores=NC, num_subcores=NS
)


@functools.partial(
    pl.kernel,
    out_type=jax.ShapeDtypeStruct((S, D, B), jnp.float32),
    mesh=_mesh,
    compiler_params=pltpu.CompilerParams(use_tc_tiling_on_sc=True),
    scratch_types=(
        [pltpu.VMEM((DCH, B), jnp.float32) for _ in range(2 * NBUF)]
        + [pltpu.VMEM((DCH, LANES), jnp.float32) for _ in range(NBUF)]
        + [pltpu.SemaphoreType.DMA for _ in range(3 * NBUF)]
    ),
)
def _pos_add_t(xt_hbm, ex_hbm, out_hbm, *rest):
    in_bufs = rest[:NBUF]
    out_bufs = rest[NBUF : 2 * NBUF]
    emb_bufs = rest[2 * NBUF : 3 * NBUF]
    in_sems = rest[3 * NBUF : 4 * NBUF]
    out_sems = rest[4 * NBUF : 5 * NBUF]
    emb_sems = rest[5 * NBUF :]

    wid = lax.axis_index("s") * NC + lax.axis_index("c")
    base = wid * SPW

    def coords(i):
        slab = base + i
        return slab // SPS, (slab % SPS) * DCH

    def start_in(k, i):
        s, d0 = coords(i)
        pltpu.async_copy(xt_hbm.at[s, pl.ds(d0, DCH)], in_bufs[k], in_sems[k])
        pltpu.async_copy(
            ex_hbm.at[pl.ds((base + i) * DCH, DCH)], emb_bufs[k], emb_sems[k]
        )

    def wait_in(k):
        pltpu.make_async_copy(
            xt_hbm.at[0, pl.ds(0, DCH)], in_bufs[k], in_sems[k]
        ).wait()
        pltpu.make_async_copy(
            ex_hbm.at[pl.ds(0, DCH)], emb_bufs[k], emb_sems[k]
        ).wait()

    def start_out(k, i):
        s, d0 = coords(i)
        pltpu.async_copy(out_bufs[k], out_hbm.at[s, pl.ds(d0, DCH)], out_sems[k])

    def wait_out(k):
        pltpu.make_async_copy(
            out_bufs[k], out_hbm.at[0, pl.ds(0, DCH)], out_sems[k]
        ).wait()

    def add_slab(k, i):
        src = in_bufs[k]
        dst = out_bufs[k]
        vecs = [emb_bufs[k][j] for j in range(DCH)]

        @plsc.parallel_loop(0, NSL, unroll=8)
        def body(u):
            sl = pl.ds(u * LANES, LANES)
            for j in range(DCH):
                dst[j, sl] = src[j, sl] + vecs[j]

    for k in range(NBUF):
        start_in(k, k)

    for k in range(NBUF):
        wait_in(k)
        add_slab(k, k)
        start_out(k, k)
        start_in(k, NBUF + k)

    def group(g, _):
        for k in range(NBUF):
            i = g * NBUF + k
            wait_in(k)
            wait_out(k)
            add_slab(k, i)
            start_out(k, i)
            start_in(k, i + NBUF)
        return 0

    lax.fori_loop(1, G - 1, group, 0)

    for k in range(NBUF):
        i = (G - 1) * NBUF + k
        wait_in(k)
        wait_out(k)
        add_slab(k, i)
        start_out(k, i)
        if i + NBUF < SPW:
            start_in(k, i + NBUF)

    for i in range(G * NBUF, SPW):
        k = i % NBUF
        wait_in(k)
        wait_out(k)
        add_slab(k, i)
        start_out(k, i)
    for k in range(NBUF):
        wait_out(k)


def kernel(x, emb):
    xt = jnp.transpose(x, (1, 2, 0))
    ex = jnp.broadcast_to(jnp.reshape(emb, (R, 1)), (R, LANES))
    out_t = _pos_add_t(xt, ex)
    return jnp.transpose(out_t, (2, 0, 1))

# --- scband reference (transcript-rebuilt; emitter-appended) ---
"""Pipeline reference for scband-learnable-positional-encoding-79053168050239 (READ-ONLY COPY).

The authoritative reference and input builder live on the scoring server;
editing this copy changes nothing except your own understanding.
"""

import jax, jax.numpy as jnp
import numpy as np


def setup_inputs(seed: int = 0) -> dict:
    key = jax.random.key(seed)
    k1, k2 = jax.random.split(key)
    x = jax.random.normal(k1, (4096, 200, 64), dtype=jnp.float32)
    # nn.Embedding(max_len=200, d_model=64) weight, default init N(0,1)
    emb = jax.random.normal(k2, (200, 64), dtype=jnp.float32)
    return {"x": x, "emb": emb}


def reference(x, emb):
    seq_len = x.shape[1]
    pos = jnp.arange(seq_len)  # [S]
    pos_emb = jnp.take(emb, pos, axis=0)  # [S, d_model] embedding lookup
    return x + pos_emb[None, :, :]  # broadcast over batch, matches emb(pos.unsqueeze(0))

if __name__ == "__main__":
    import jax
    _d = setup_inputs()
    print(jax.jit(kernel)(*tuple(_d.values())))

</pallas_src>

<mosaic_0001>
#map = affine_map<(d0, d1) -> (0, 0, 0)>
#map1 = affine_map<(d0, d1) -> (0, 0)>
module attributes {stable_mosaic.version = 14 : i64} {
  func.func @_pos_add_t(%arg0: i32, %arg1: i32, %arg2: memref<200x64x4096xf32, #tpu.memory_space<hbm>>, %arg3: memref<12800x16xf32, #tpu.memory_space<hbm>>, %arg4: memref<200x64x4096xf32, #tpu.memory_space<hbm>>, %arg5: memref<4x4096xf32, #tpu.memory_space<vmem>>, %arg6: memref<4x4096xf32, #tpu.memory_space<vmem>>, %arg7: memref<4x4096xf32, #tpu.memory_space<vmem>>, %arg8: memref<4x4096xf32, #tpu.memory_space<vmem>>, %arg9: memref<4x4096xf32, #tpu.memory_space<vmem>>, %arg10: memref<4x4096xf32, #tpu.memory_space<vmem>>, %arg11: memref<4x16xf32, #tpu.memory_space<vmem>>, %arg12: memref<4x16xf32, #tpu.memory_space<vmem>>, %arg13: memref<4x16xf32, #tpu.memory_space<vmem>>, %arg14: memref<!tpu.dma_semaphore, #tpu.memory_space<semaphore_mem>>, %arg15: memref<!tpu.dma_semaphore, #tpu.memory_space<semaphore_mem>>, %arg16: memref<!tpu.dma_semaphore, #tpu.memory_space<semaphore_mem>>, %arg17: memref<!tpu.dma_semaphore, #tpu.memory_space<semaphore_mem>>, %arg18: memref<!tpu.dma_semaphore, #tpu.memory_space<semaphore_mem>>, %arg19: memref<!tpu.dma_semaphore, #tpu.memory_space<semaphore_mem>>, %arg20: memref<!tpu.dma_semaphore, #tpu.memory_space<semaphore_mem>>, %arg21: memref<!tpu.dma_semaphore, #tpu.memory_space<semaphore_mem>>, %arg22: memref<!tpu.dma_semaphore, #tpu.memory_space<semaphore_mem>>) attributes {dimension_semantics = [#tpu.dimension_semantics<core_parallel>, #tpu.dimension_semantics<subcore_parallel>], iteration_bounds = array<i64: 2, 16>, scalar_prefetch = 0 : i64, scratch_operands = 18 : i64, tpu.core_type = #tpu.core_type<sc_vector_subcore>, window_params = [{transform_indices = #map}, {transform_indices = #map1}, {transform_indices = #map}]} {
    %mul3A = arith.constant 2 : i32
    %mul3A_0 = arith.muli %arg1, %mul3A : i32
    %add3A = arith.addi %mul3A_0, %arg0 : i32
    %mul3A_1 = arith.constant 100 : i32
    %mul3A_2 = arith.muli %add3A, %mul3A_1 : i32
    %add3A_3 = arith.constant 0 : i32
    %add3A_4 = arith.addi %mul3A_2, %add3A_3 : i32
    %jit3A = arith.constant 16 : i32
    %div3A = arith.divsi %add3A_4, %jit3A : i32
    %sign3A = arith.constant 0 : i32
    %sign3A_5 = arith.cmpi sgt, %add3A_4, %sign3A : i32
    %sign3A_6 = arith.extui %sign3A_5 : i1 to i32
    %sign3A_7 = arith.constant 0 : i32
    %sign3A_8 = arith.cmpi slt, %add3A_4, %sign3A_7 : i32
    %sign3A_9 = arith.extui %sign3A_8 : i1 to i32
    %sign3A_10 = arith.subi %sign3A_6, %sign3A_9 : i32
    %sign3A_11 = arith.constant 0 : i32
    %sign3A_12 = arith.cmpi sgt, %jit3A, %sign3A_11 : i32
    %sign3A_13 = arith.extui %sign3A_12 : i1 to i32
    %sign3A_14 = arith.constant 0 : i32
    %sign3A_15 = arith.cmpi slt, %jit3A, %sign3A_14 : i32
    %sign3A_16 = arith.extui %sign3A_15 : i1 to i32
    %sign3A_17 = arith.subi %sign3A_13, %sign3A_16 : i32
    %ne3A = arith.cmpi ne, %sign3A_10, %sign3A_17 : i32
    %rem3A = arith.remsi %add3A_4, %jit3A : i32
    %ne3A_18 = arith.constant 0 : i32
    %ne3A_19 = arith.cmpi ne, %rem3A, %ne3A_18 : i32
    %and3A = arith.andi %ne3A, %ne3A_19 : i1
    %sub3A = arith.constant 1 : i32
    %sub3A_20 = arith.subi %div3A, %sub3A : i32
    %select_n3A = arith.select %and3A, %sub3A_20, %div3A : i32
    %jit3A_21 = arith.constant 16 : i32
    %eq3A = arith.constant 0 : i32
    %eq3A_22 = arith.cmpi eq, %jit3A_21, %eq3A : i32
    %jit3A_23 = arith.constant 1 : i32
    %select_n3A_24 = arith.select %eq3A_22, %jit3A_23, %jit3A_21 : i32
    %rem3A_25 = arith.remsi %add3A_4, %select_n3A_24 : i32
    %ne3A_26 = arith.constant 0 : i32
    %ne3A_27 = arith.cmpi ne, %rem3A_25, %ne3A_26 : i32
    %lt3A = arith.constant 0 : i32
    %lt3A_28 = arith.cmpi slt, %rem3A_25, %lt3A : i32
    %lt3A_29 = arith.constant 0 : i32
    %lt3A_30 = arith.cmpi slt, %select_n3A_24, %lt3A_29 : i32
    %ne3A_31 = arith.xori %lt3A_28, %lt3A_30 : i1
    %and3A_32 = arith.andi %ne3A_31, %ne3A_27 : i1
    %add3A_33 = arith.addi %rem3A_25, %select_n3A_24 : i32
    %select_n3A_34 = arith.select %and3A_32, %add3A_33, %rem3A_25 : i32
    %mul3A_35 = arith.constant 4 : i32
    %mul3A_36 = arith.muli %select_n3A_34, %mul3A_35 : i32
    %dma_start3A = arith.constant 0 : i32
    %dma_start3A_37 = tpu.memref_slice %arg2[%select_n3A, %mul3A_36, %dma_start3A] : memref<200x64x4096xf32, #tpu.memory_space<hbm>> -> memref<1x4x4096xf32, #tpu.memory_space<hbm>>
    %dma_start3A_38 = tpu.memref_squeeze %dma_start3A_37 : memref<1x4x4096xf32, #tpu.memory_space<hbm>> -> memref<4x4096xf32, #tpu.memory_space<hbm>>
    %dma_start3A_39 = arith.constant 0 : i32
    %dma_start3A_40 = tpu.memref_slice %arg2[%select_n3A, %mul3A_36, %dma_start3A_39] : memref<200x64x4096xf32, #tpu.memory_space<hbm>> -> memref<1x4x4096xf32, #tpu.memory_space<hbm>>
    %dma_start3A_41 = tpu.memref_squeeze %dma_start3A_40 : memref<1x4x4096xf32, #tpu.memory_space<hbm>> -> memref<4x4096xf32, #tpu.memory_space<hbm>>
    tpu.enqueue_dma source(%dma_start3A_41 : memref<4x4096xf32, #tpu.memory_space<hbm>>) target(%arg5 : memref<4x4096xf32, #tpu.memory_space<vmem>>) target_semaphore(%arg14 : memref<!tpu.dma_semaphore, #tpu.memory_space<semaphore_mem>>)
    %add3A_42 = arith.constant 0 : i32
    %add3A_43 = arith.addi %mul3A_2, %add3A_42 : i32
    %mul3A_44 = arith.constant 4 : i32
    %mul3A_45 = arith.muli %add3A_43, %mul3A_44 : i32
    %dma_start3A_46 = arith.constant 0 : i32
    %dma_start3A_47 = tpu.memref_slice %arg3[%mul3A_45, %dma_start3A_46] : memref<12800x16xf32, #tpu.memory_space<hbm>> -> memref<4x16xf32, #tpu.memory_space<hbm>>
    %dma_start3A_48 = arith.constant 0 : i32
    %dma_start3A_49 = tpu.memref_slice %arg3[%mul3A_45, %dma_start3A_48] : memref<12800x16xf32, #tpu.memory_space<hbm>> -> memref<4x16xf32, #tpu.memory_space<hbm>>
    tpu.enqueue_dma source(%dma_start3A_49 : memref<4x16xf32, #tpu.memory_space<hbm>>) target(%arg11 : memref<4x16xf32, #tpu.memory_space<vmem>>) target_semaphore(%arg20 : memref<!tpu.dma_semaphore, #tpu.memory_space<semaphore_mem>>)
    %add3A_50 = arith.constant 1 : i32
    %add3A_51 = arith.addi %mul3A_2, %add3A_50 : i32
    %jit3A_52 = arith.constant 16 : i32
    %div3A_53 = arith.divsi %add3A_51, %jit3A_52 : i32
    %sign3A_54 = arith.constant 0 : i32
    %sign3A_55 = arith.cmpi sgt, %add3A_51, %sign3A_54 : i32
    %sign3A_56 = arith.extui %sign3A_55 : i1 to i32
    %sign3A_57 = arith.constant 0 : i32
    %sign3A_58 = arith.cmpi slt, %add3A_51, %sign3A_57 : i32
    %sign3A_59 = arith.extui %sign3A_58 : i1 to i32
    %sign3A_60 = arith.subi %sign3A_56, %sign3A_59 : i32
    %sign3A_61 = arith.constant 0 : i32
    %sign3A_62 = arith.cmpi sgt, %jit3A_52, %sign3A_61 : i32
    %sign3A_63 = arith.extui %sign3A_62 : i1 to i32
    %sign3A_64 = arith.constant 0 : i32
    %sign3A_65 = arith.cmpi slt, %jit3A_52, %sign3A_64 : i32
    %sign3A_66 = arith.extui %sign3A_65 : i1 to i32
    %sign3A_67 = arith.subi %sign3A_63, %sign3A_66 : i32
    %ne3A_68 = arith.cmpi ne, %sign3A_60, %sign3A_67 : i32
    %rem3A_69 = arith.remsi %add3A_51, %jit3A_52 : i32
    %ne3A_70 = arith.constant 0 : i32
    %ne3A_71 = arith.cmpi ne, %rem3A_69, %ne3A_70 : i32
    %and3A_72 = arith.andi %ne3A_68, %ne3A_71 : i1
    %sub3A_73 = arith.constant 1 : i32
    %sub3A_74 = arith.subi %div3A_53, %sub3A_73 : i32
    %select_n3A_75 = arith.select %and3A_72, %sub3A_74, %div3A_53 : i32
    %jit3A_76 = arith.constant 16 : i32
    %eq3A_77 = arith.constant 0 : i32
    %eq3A_78 = arith.cmpi eq, %jit3A_76, %eq3A_77 : i32
    %jit3A_79 = arith.constant 1 : i32
    %select_n3A_80 = arith.select %eq3A_78, %jit3A_79, %jit3A_76 : i32
    %rem3A_81 = arith.remsi %add3A_51, %select_n3A_80 : i32
    %ne3A_82 = arith.constant 0 : i32
    %ne3A_83 = arith.cmpi ne, %rem3A_81, %ne3A_82 : i32
    %lt3A_84 = arith.constant 0 : i32
    %lt3A_85 = arith.cmpi slt, %rem3A_81, %lt3A_84 : i32
    %lt3A_86 = arith.constant 0 : i32
    %lt3A_87 = arith.cmpi slt, %select_n3A_80, %lt3A_86 : i32
    %ne3A_88 = arith.xori %lt3A_85, %lt3A_87 : i1
    %and3A_89 = arith.andi %ne3A_88, %ne3A_83 : i1
    %add3A_90 = arith.addi %rem3A_81, %select_n3A_80 : i32
    %select_n3A_91 = arith.select %and3A_89, %add3A_90, %rem3A_81 : i32
    %mul3A_92 = arith.constant 4 : i32
    %mul3A_93 = arith.muli %select_n3A_91, %mul3A_92 : i32
    %dma_start3A_94 = arith.constant 0 : i32
    %dma_start3A_95 = tpu.memref_slice %arg2[%select_n3A_75, %mul3A_93, %dma_start3A_94] : memref<200x64x4096xf32, #tpu.memory_space<hbm>> -> memref<1x4x4096xf32, #tpu.memory_space<hbm>>
    %dma_start3A_96 = tpu.memref_squeeze %dma_start3A_95 : memref<1x4x4096xf32, #tpu.memory_space<hbm>> -> memref<4x4096xf32, #tpu.memory_space<hbm>>
    %dma_start3A_97 = arith.constant 0 : i32
    %dma_start3A_98 = tpu.memref_slice %arg2[%select_n3A_75, %mul3A_93, %dma_start3A_97] : memref<200x64x4096xf32, #tpu.memory_space<hbm>> -> memref<1x4x4096xf32, #tpu.memory_space<hbm>>
    %dma_start3A_99 = tpu.memref_squeeze %dma_start3A_98 : memref<1x4x4096xf32, #tpu.memory_space<hbm>> -> memref<4x4096xf32, #tpu.memory_space<hbm>>
    tpu.enqueue_dma source(%dma_start3A_99 : memref<4x4096xf32, #tpu.memory_space<hbm>>) target(%arg6 : memref<4x4096xf32, #tpu.memory_space<vmem>>) target_semaphore(%arg15 : memref<!tpu.dma_semaphore, #tpu.memory_space<semaphore_mem>>)
    %add3A_100 = arith.constant 1 : i32
    %add3A_101 = arith.addi %mul3A_2, %add3A_100 : i32
    %mul3A_102 = arith.constant 4 : i32
    %mul3A_103 = arith.muli %add3A_101, %mul3A_102 : i32
    %dma_start3A_104 = arith.constant 0 : i32
    %dma_start3A_105 = tpu.memref_slice %arg3[%mul3A_103, %dma_start3A_104] : memref<12800x16xf32, #tpu.memory_space<hbm>> -> memref<4x16xf32, #tpu.memory_space<hbm>>
    %dma_start3A_106 = arith.constant 0 : i32
    %dma_start3A_107 = tpu.memref_slice %arg3[%mul3A_103, %dma_start3A_106] : memref<12800x16xf32, #tpu.memory_space<hbm>> -> memref<4x16xf32, #tpu.memory_space<hbm>>
    tpu.enqueue_dma source(%dma_start3A_107 : memref<4x16xf32, #tpu.memory_space<hbm>>) target(%arg12 : memref<4x16xf32, #tpu.memory_space<vmem>>) target_semaphore(%arg21 : memref<!tpu.dma_semaphore, #tpu.memory_space<semaphore_mem>>)
    %add3A_108 = arith.constant 2 : i32
    %add3A_109 = arith.addi %mul3A_2, %add3A_108 : i32
    %jit3A_110 = arith.constant 16 : i32
    %div3A_111 = arith.divsi %add3A_109, %jit3A_110 : i32
    %sign3A_112 = arith.constant 0 : i32
    %sign3A_113 = arith.cmpi sgt, %add3A_109, %sign3A_112 : i32
    %sign3A_114 = arith.extui %sign3A_113 : i1 to i32
    %sign3A_115 = arith.constant 0 : i32
    %sign3A_116 = arith.cmpi slt, %add3A_109, %sign3A_115 : i32
    %sign3A_117 = arith.extui %sign3A_116 : i1 to i32
    %sign3A_118 = arith.subi %sign3A_114, %sign3A_117 : i32
    %sign3A_119 = arith.constant 0 : i32
    %sign3A_120 = arith.cmpi sgt, %jit3A_110, %sign3A_119 : i32
    %sign3A_121 = arith.extui %sign3A_120 : i1 to i32
    %sign3A_122 = arith.constant 0 : i32
    %sign3A_123 = arith.cmpi slt, %jit3A_110, %sign3A_122 : i32
    %sign3A_124 = arith.extui %sign3A_123 : i1 to i32
    %sign3A_125 = arith.subi %sign3A_121, %sign3A_124 : i32
    %ne3A_126 = arith.cmpi ne, %sign3A_118, %sign3A_125 : i32
    %rem3A_127 = arith.remsi %add3A_109, %jit3A_110 : i32
    %ne3A_128 = arith.constant 0 : i32
    %ne3A_129 = arith.cmpi ne, %rem3A_127, %ne3A_128 : i32
    %and3A_130 = arith.andi %ne3A_126, %ne3A_129 : i1
    %sub3A_131 = arith.constant 1 : i32
    %sub3A_132 = arith.subi %div3A_111, %sub3A_131 : i32
    %select_n3A_133 = arith.select %and3A_130, %sub3A_132, %div3A_111 : i32
    %jit3A_134 = arith.constant 16 : i32
    %eq3A_135 = arith.constant 0 : i32
    %eq3A_136 = arith.cmpi eq, %jit3A_134, %eq3A_135 : i32
    %jit3A_137 = arith.constant 1 : i32
    %select_n3A_138 = arith.select %eq3A_136, %jit3A_137, %jit3A_134 : i32
    %rem3A_139 = arith.remsi %add3A_109, %select_n3A_138 : i32
    %ne3A_140 = arith.constant 0 : i32
    %ne3A_141 = arith.cmpi ne, %rem3A_139, %ne3A_140 : i32
    %lt3A_142 = arith.constant 0 : i32
    %lt3A_143 = arith.cmpi slt, %rem3A_139, %lt3A_142 : i32
    %lt3A_144 = arith.constant 0 : i32
    %lt3A_145 = arith.cmpi slt, %select_n3A_138, %lt3A_144 : i32
    %ne3A_146 = arith.xori %lt3A_143, %lt3A_145 : i1
    %and3A_147 = arith.andi %ne3A_146, %ne3A_141 : i1
    %add3A_148 = arith.addi %rem3A_139, %select_n3A_138 : i32
    %select_n3A_149 = arith.select %and3A_147, %add3A_148, %rem3A_139 : i32
    %mul3A_150 = arith.constant 4 : i32
    %mul3A_151 = arith.muli %select_n3A_149, %mul3A_150 : i32
    %dma_start3A_152 = arith.constant 0 : i32
    %dma_start3A_153 = tpu.memref_slice %arg2[%select_n3A_133, %mul3A_151, %dma_start3A_152] : memref<200x64x4096xf32, #tpu.memory_space<hbm>> -> memref<1x4x4096xf32, #tpu.memory_space<hbm>>
    %dma_start3A_154 = tpu.memref_squeeze %dma_start3A_153 : memref<1x4x4096xf32, #tpu.memory_space<hbm>> -> memref<4x4096xf32, #tpu.memory_space<hbm>>
    %dma_start3A_155 = arith.constant 0 : i32
    %dma_start3A_156 = tpu.memref_slice %arg2[%select_n3A_133, %mul3A_151, %dma_start3A_155] : memref<200x64x4096xf32, #tpu.memory_space<hbm>> -> memref<1x4x4096xf32, #tpu.memory_space<hbm>>
    %dma_start3A_157 = tpu.memref_squeeze %dma_start3A_156 : memref<1x4x4096xf32, #tpu.memory_space<hbm>> -> memref<4x4096xf32, #tpu.memory_space<hbm>>
    tpu.enqueue_dma source(%dma_start3A_157 : memref<4x4096xf32, #tpu.memory_space<hbm>>) target(%arg7 : memref<4x4096xf32, #tpu.memory_space<vmem>>) target_semaphore(%arg16 : memref<!tpu.dma_semaphore, #tpu.memory_space<semaphore_mem>>)
    %add3A_158 = arith.constant 2 : i32
    %add3A_159 = arith.addi %mul3A_2, %add3A_158 : i32
    %mul3A_160 = arith.constant 4 : i32
    %mul3A_161 = arith.muli %add3A_159, %mul3A_160 : i32
    %dma_start3A_162 = arith.constant 0 : i32
    %dma_start3A_163 = tpu.memref_slice %arg3[%mul3A_161, %dma_start3A_162] : memref<12800x16xf32, #tpu.memory_space<hbm>> -> memref<4x16xf32, #tpu.memory_space<hbm>>
    %dma_start3A_164 = arith.constant 0 : i32
    %dma_start3A_165 = tpu.memref_slice %arg3[%mul3A_161, %dma_start3A_164] : memref<12800x16xf32, #tpu.memory_space<hbm>> -> memref<4x16xf32, #tpu.memory_space<hbm>>
    tpu.enqueue_dma source(%dma_start3A_165 : memref<4x16xf32, #tpu.memory_space<hbm>>) target(%arg13 : memref<4x16xf32, #tpu.memory_space<vmem>>) target_semaphore(%arg22 : memref<!tpu.dma_semaphore, #tpu.memory_space<semaphore_mem>>)
    %dma_wait3A = arith.constant 0 : i32
    %dma_wait3A_166 = arith.constant 0 : i32
    %dma_wait3A_167 = arith.constant 0 : i32
    %dma_wait3A_168 = tpu.memref_slice %arg2[%dma_wait3A, %dma_wait3A_166, %dma_wait3A_167] : memref<200x64x4096xf32, #tpu.memory_space<hbm>> -> memref<1x4x4096xf32, #tpu.memory_space<hbm>>
    %dma_wait3A_169 = tpu.memref_squeeze %dma_wait3A_168 : memref<1x4x4096xf32, #tpu.memory_space<hbm>> -> memref<4x4096xf32, #tpu.memory_space<hbm>>
    %dma_wait3A_170 = arith.constant 0 : i32
    %dma_wait3A_171 = arith.constant 0 : i32
    %dma_wait3A_172 = tpu.memref_slice %arg2[%dma_wait3A, %dma_wait3A_170, %dma_wait3A_171] : memref<200x64x4096xf32, #tpu.memory_space<hbm>> -> memref<1x4x4096xf32, #tpu.memory_space<hbm>>
    %dma_wait3A_173 = tpu.memref_squeeze %dma_wait3A_172 : memref<1x4x4096xf32, #tpu.memory_space<hbm>> -> memref<4x4096xf32, #tpu.memory_space<hbm>>
    tpu.wait_dma2 semaphore(%arg14 : memref<!tpu.dma_semaphore, #tpu.memory_space<semaphore_mem>>) src(%dma_wait3A_173 : memref<4x4096xf32, #tpu.memory_space<hbm>>) dst(%arg5 : memref<4x4096xf32, #tpu.memory_space<vmem>>)
    %dma_wait3A_174 = arith.constant 0 : i32
    %dma_wait3A_175 = arith.constant 0 : i32
    %dma_wait3A_176 = tpu.memref_slice %arg3[%dma_wait3A_174, %dma_wait3A_175] : memref<12800x16xf32, #tpu.memory_space<hbm>> -> memref<4x16xf32, #tpu.memory_space<hbm>>
    %dma_wait3A_177 = arith.constant 0 : i32
    %dma_wait3A_178 = arith.constant 0 : i32
    %dma_wait3A_179 = tpu.memref_slice %arg3[%dma_wait3A_177, %dma_wait3A_178] : memref<12800x16xf32, #tpu.memory_space<hbm>> -> memref<4x16xf32, #tpu.memory_space<hbm>>
    tpu.wait_dma2 semaphore(%arg20 : memref<!tpu.dma_semaphore, #tpu.memory_space<semaphore_mem>>) src(%dma_wait3A_179 : memref<4x16xf32, #tpu.memory_space<hbm>>) dst(%arg11 : memref<4x16xf32, #tpu.memory_space<vmem>>)
    %get3A = arith.constant 0 : i32
    %get3A_180 = arith.index_cast %get3A : i32 to index
    %get3A_181 = arith.constant 0 : index
    %get3A_182 = tpu.vector_load %arg11[%get3A_180, %get3A_181] {strides = array<i32>} : memref<4x16xf32, #tpu.memory_space<vmem>>, vector<1x16xf32>,
    %get3A_183 = vector.shape_cast %get3A_182 : vector<1x16xf32> to vector<16xf32>
    %get3A_184 = arith.constant 1 : i32
    %get3A_185 = arith.index_cast %get3A_184 : i32 to index
    %get3A_186 = arith.constant 0 : index
    %get3A_187 = tpu.vector_load %arg11[%get3A_185, %get3A_186] {strides = array<i32>} : memref<4x16xf32, #tpu.memory_space<vmem>>, vector<1x16xf32>,
    %get3A_188 = vector.shape_cast %get3A_187 : vector<1x16xf32> to vector<16xf32>
    %get3A_189 = arith.constant 2 : i32
    %get3A_190 = arith.index_cast %get3A_189 : i32 to index
    %get3A_191 = arith.constant 0 : index
    %get3A_192 = tpu.vector_load %arg11[%get3A_190, %get3A_191] {strides = array<i32>} : memref<4x16xf32, #tpu.memory_space<vmem>>, vector<1x16xf32>,
    %get3A_193 = vector.shape_cast %get3A_192 : vector<1x16xf32> to vector<16xf32>
    %get3A_194 = arith.constant 3 : i32
    %get3A_195 = arith.index_cast %get3A_194 : i32 to index
    %get3A_196 = arith.constant 0 : index
    %get3A_197 = tpu.vector_load %arg11[%get3A_195, %get3A_196] {strides = array<i32>} : memref<4x16xf32, #tpu.memory_space<vmem>>, vector<1x16xf32>,
    %get3A_198 = vector.shape_cast %get3A_197 : vector<1x16xf32> to vector<16xf32>
    %parallel_loop3A = arith.constant 0 : i32
    %parallel_loop3A_199 = arith.constant 256 : i32
    %parallel_loop3A_200 = arith.constant 1 : i32
    scf.for %parallel_loop3A_1080 = %parallel_loop3A to %parallel_loop3A_199 step %parallel_loop3A_200  : i32 {
      %parallel_loop3A_1081 = arith.constant 16 : i32
      %parallel_loop3A_1082 = arith.muli %parallel_loop3A_1080, %parallel_loop3A_1081 : i32
      %parallel_loop3A_1083 = arith.constant 0 : i32
      %parallel_loop3A_1084 = arith.index_cast %parallel_loop3A_1083 : i32 to index
      %parallel_loop3A_1085 = arith.index_cast %parallel_loop3A_1082 : i32 to index
      %parallel_loop3A_1086 = tpu.vector_load %arg5[%parallel_loop3A_1084, %parallel_loop3A_1085] {strides = array<i32>} : memref<4x4096xf32, #tpu.memory_space<vmem>>, vector<1x16xf32>,
      %parallel_loop3A_1087 = vector.shape_cast %parallel_loop3A_1086 : vector<1x16xf32> to vector<16xf32>
      %parallel_loop3A_1088 = arith.addf %parallel_loop3A_1087, %get3A_183 : vector<16xf32>
      %parallel_loop3A_1089 = arith.constant 0 : i32
      %parallel_loop3A_1090 = arith.index_cast %parallel_loop3A_1089 : i32 to index
      %parallel_loop3A_1091 = arith.index_cast %parallel_loop3A_1082 : i32 to index
      %parallel_loop3A_1092 = tpu.vector_load %arg8[%parallel_loop3A_1090, %parallel_loop3A_1091] {strides = array<i32>} : memref<4x4096xf32, #tpu.memory_space<vmem>>, vector<1x16xf32>,
      %parallel_loop3A_1093 = vector.shape_cast %parallel_loop3A_1092 : vector<1x16xf32> to vector<16xf32>
      %parallel_loop3A_1094 = vector.shape_cast %parallel_loop3A_1088 : vector<16xf32> to vector<1x16xf32>
      tpu.vector_store %arg8[%parallel_loop3A_1090, %parallel_loop3A_1091], %parallel_loop3A_1094 {strides = array<i32>} : memref<4x4096xf32, #tpu.memory_space<vmem>>, vector<1x16xf32>,
      %parallel_loop3A_1095 = arith.constant 1 : i32
      %parallel_loop3A_1096 = arith.index_cast %parallel_loop3A_1095 : i32 to index
      %parallel_loop3A_1097 = arith.index_cast %parallel_loop3A_1082 : i32 to index
      %parallel_loop3A_1098 = tpu.vector_load %arg5[%parallel_loop3A_1096, %parallel_loop3A_1097] {strides = array<i32>} : memref<4x4096xf32, #tpu.memory_space<vmem>>, vector<1x16xf32>,
      %parallel_loop3A_1099 = vector.shape_cast %parallel_loop3A_1098 : vector<1x16xf32> to vector<16xf32>
      %parallel_loop3A_1100 = arith.addf %parallel_loop3A_1099, %get3A_188 : vector<16xf32>
      %parallel_loop3A_1101 = arith.constant 1 : i32
      %parallel_loop3A_1102 = arith.index_cast %parallel_loop3A_1101 : i32 to index
      %parallel_loop3A_1103 = arith.index_cast %parallel_loop3A_1082 : i32 to index
      %parallel_loop3A_1104 = tpu.vector_load %arg8[%parallel_loop3A_1102, %parallel_loop3A_1103] {strides = array<i32>} : memref<4x4096xf32, #tpu.memory_space<vmem>>, vector<1x16xf32>,
      %parallel_loop3A_1105 = vector.shape_cast %parallel_loop3A_1104 : vector<1x16xf32> to vector<16xf32>
      %parallel_loop3A_1106 = vector.shape_cast %parallel_loop3A_1100 : vector<16xf32> to vector<1x16xf32>
      tpu.vector_store %arg8[%parallel_loop3A_1102, %parallel_loop3A_1103], %parallel_loop3A_1106 {strides = array<i32>} : memref<4x4096xf32, #tpu.memory_space<vmem>>, vector<1x16xf32>,
      %parallel_loop3A_1107 = arith.constant 2 : i32
      %parallel_loop3A_1108 = arith.index_cast %parallel_loop3A_1107 : i32 to index
      %parallel_loop3A_1109 = arith.index_cast %parallel_loop3A_1082 : i32 to index
      %parallel_loop3A_1110 = tpu.vector_load %arg5[%parallel_loop3A_1108, %parallel_loop3A_1109] {strides = array<i32>} : memref<4x4096xf32, #tpu.memory_space<vmem>>, vector<1x16xf32>,
      %parallel_loop3A_1111 = vector.shape_cast %parallel_loop3A_1110 : vector<1x16xf32> to vector<16xf32>
      %parallel_loop3A_1112 = arith.addf %parallel_loop3A_1111, %get3A_193 : vector<16xf32>
      %parallel_loop3A_1113 = arith.constant 2 : i32
      %parallel_loop3A_1114 = arith.index_cast %parallel_loop3A_1113 : i32 to index
      %parallel_loop3A_1115 = arith.index_cast %parallel_loop3A_1082 : i32 to index
      %parallel_loop3A_1116 = tpu.vector_load %arg8[%parallel_loop3A_1114, %parallel_loop3A_1115] {strides = array<i32>} : memref<4x4096xf32, #tpu.memory_space<vmem>>, vector<1x16xf32>,
      %parallel_loop3A_1117 = vector.shape_cast %parallel_loop3A_1116 : vector<1x16xf32> to vector<16xf32>
      %parallel_loop3A_1118 = vector.shape_cast %parallel_loop3A_1112 : vector<16xf32> to vector<1x16xf32>
      tpu.vector_store %arg8[%parallel_loop3A_1114, %parallel_loop3A_1115], %parallel_loop3A_1118 {strides = array<i32>} : memref<4x4096xf32, #tpu.memory_space<vmem>>, vector<1x16xf32>,
      %parallel_loop3A_1119 = arith.constant 3 : i32
      %parallel_loop3A_1120 = arith.index_cast %parallel_loop3A_1119 : i32 to index
      %parallel_loop3A_1121 = arith.index_cast %parallel_loop3A_1082 : i32 to index
      %parallel_loop3A_1122 = tpu.vector_load %arg5[%parallel_loop3A_1120, %parallel_loop3A_1121] {strides = array<i32>} : memref<4x4096xf32, #tpu.memory_space<vmem>>, vector<1x16xf32>,
      %parallel_loop3A_1123 = vector.shape_cast %parallel_loop3A_1122 : vector<1x16xf32> to vector<16xf32>
      %parallel_loop3A_1124 = arith.addf %parallel_loop3A_1123, %get3A_198 : vector<16xf32>
      %parallel_loop3A_1125 = arith.constant 3 : i32
      %parallel_loop3A_1126 = arith.index_cast %parallel_loop3A_1125 : i32 to index
      %parallel_loop3A_1127 = arith.index_cast %parallel_loop3A_1082 : i32 to index
      %parallel_loop3A_1128 = tpu.vector_load %arg8[%parallel_loop3A_1126, %parallel_loop3A_1127] {strides = array<i32>} : memref<4x4096xf32, #tpu.memory_space<vmem>>, vector<1x16xf32>,
      %parallel_loop3A_1129 = vector.shape_cast %parallel_loop3A_1128 : vector<1x16xf32> to vector<16xf32>
      %parallel_loop3A_1130 = vector.shape_cast %parallel_loop3A_1124 : vector<16xf32> to vector<1x16xf32>
      tpu.vector_store %arg8[%parallel_loop3A_1126, %parallel_loop3A_1127], %parallel_loop3A_1130 {strides = array<i32>} : memref<4x4096xf32, #tpu.memory_space<vmem>>, vector<1x16xf32>,
    } {sc.loop_unroll_factor = 8 : i64, sc.parallel_access}
    %add3A_201 = arith.constant 0 : i32
    %add3A_202 = arith.addi %mul3A_2, %add3A_201 : i32
    %jit3A_203 = arith.constant 16 : i32
    %div3A_204 = arith.divsi %add3A_202, %jit3A_203 : i32
    %sign3A_205 = arith.constant 0 : i32
    %sign3A_206 = arith.cmpi sgt, %add3A_202, %sign3A_205 : i32
    %sign3A_207 = arith.extui %sign3A_206 : i1 to i32
    %sign3A_208 = arith.constant 0 : i32
    %sign3A_209 = arith.cmpi slt, %add3A_202, %sign3A_208 : i32
    %sign3A_210 = arith.extui %sign3A_209 : i1 to i32
    %sign3A_211 = arith.subi %sign3A_207, %sign3A_210 : i32
    %sign3A_212 = arith.constant 0 : i32
    %sign3A_213 = arith.cmpi sgt, %jit3A_203, %sign3A_212 : i32
    %sign3A_214 = arith.extui %sign3A_213 : i1 to i32
    %sign3A_215 = arith.constant 0 : i32
    %sign3A_216 = arith.cmpi slt, %jit3A_203, %sign3A_215 : i32
    %sign3A_217 = arith.extui %sign3A_216 : i1 to i32
    %sign3A_218 = arith.subi %sign3A_214, %sign3A_217 : i32
    %ne3A_219 = arith.cmpi ne, %sign3A_211, %sign3A_218 : i32
    %rem3A_220 = arith.remsi %add3A_202, %jit3A_203 : i32
    %ne3A_221 = arith.constant 0 : i32
    %ne3A_222 = arith.cmpi ne, %rem3A_220, %ne3A_221 : i32
    %and3A_223 = arith.andi %ne3A_219, %ne3A_222 : i1
    %sub3A_224 = arith.constant 1 : i32
    %sub3A_225 = arith.subi %div3A_204, %sub3A_224 : i32
    %select_n3A_226 = arith.select %and3A_223, %sub3A_225, %div3A_204 : i32
    %jit3A_227 = arith.constant 16 : i32
    %eq3A_228 = arith.constant 0 : i32
    %eq3A_229 = arith.cmpi eq, %jit3A_227, %eq3A_228 : i32
    %jit3A_230 = arith.constant 1 : i32
    %select_n3A_231 = arith.select %eq3A_229, %jit3A_230, %jit3A_227 : i32
    %rem3A_232 = arith.remsi %add3A_202, %select_n3A_231 : i32
    %ne3A_233 = arith.constant 0 : i32
    %ne3A_234 = arith.cmpi ne, %rem3A_232, %ne3A_233 : i32
    %lt3A_235 = arith.constant 0 : i32
    %lt3A_236 = arith.cmpi slt, %rem3A_232, %lt3A_235 : i32
    %lt3A_237 = arith.constant 0 : i32
    %lt3A_238 = arith.cmpi slt, %select_n3A_231, %lt3A_237 : i32
    %ne3A_239 = arith.xori %lt3A_236, %lt3A_238 : i1
    %and3A_240 = arith.andi %ne3A_239, %ne3A_234 : i1
    %add3A_241 = arith.addi %rem3A_232, %select_n3A_231 : i32
    %select_n3A_242 = arith.select %and3A_240, %add3A_241, %rem3A_232 : i32
    %mul3A_243 = arith.constant 4 : i32
    %mul3A_244 = arith.muli %select_n3A_242, %mul3A_243 : i32
    %dma_start3A_245 = arith.constant 0 : i32
    %dma_start3A_246 = tpu.memref_slice %arg4[%select_n3A_226, %mul3A_244, %dma_start3A_245] : memref<200x64x4096xf32, #tpu.memory_space<hbm>> -> memref<1x4x4096xf32, #tpu.memory_space<hbm>>
    %dma_start3A_247 = tpu.memref_squeeze %dma_start3A_246 : memref<1x4x4096xf32, #tpu.memory_space<hbm>> -> memref<4x4096xf32, #tpu.memory_space<hbm>>
    %dma_start3A_248 = arith.constant 0 : i32
    %dma_start3A_249 = tpu.memref_slice %arg4[%select_n3A_226, %mul3A_244, %dma_start3A_248] : memref<200x64x4096xf32, #tpu.memory_space<hbm>> -> memref<1x4x4096xf32, #tpu.memory_space<hbm>>
    %dma_start3A_250 = tpu.memref_squeeze %dma_start3A_249 : memref<1x4x4096xf32, #tpu.memory_space<hbm>> -> memref<4x4096xf32, #tpu.memory_space<hbm>>
    tpu.enqueue_dma source(%arg8 : memref<4x4096xf32, #tpu.memory_space<vmem>>) target(%dma_start3A_250 : memref<4x4096xf32, #tpu.memory_space<hbm>>) target_semaphore(%arg17 : memref<!tpu.dma_semaphore, #tpu.memory_space<semaphore_mem>>)
    %add3A_251 = arith.constant 3 : i32
    %add3A_252 = arith.addi %mul3A_2, %add3A_251 : i32
    %jit3A_253 = arith.constant 16 : i32
    %div3A_254 = arith.divsi %add3A_252, %jit3A_253 : i32
    %sign3A_255 = arith.constant 0 : i32
    %sign3A_256 = arith.cmpi sgt, %add3A_252, %sign3A_255 : i32
    %sign3A_257 = arith.extui %sign3A_256 : i1 to i32
    %sign3A_258 = arith.constant 0 : i32
    %sign3A_259 = arith.cmpi slt, %add3A_252, %sign3A_258 : i32
    %sign3A_260 = arith.extui %sign3A_259 : i1 to i32
    %sign3A_261 = arith.subi %sign3A_257, %sign3A_260 : i32
    %sign3A_262 = arith.constant 0 : i32
    %sign3A_263 = arith.cmpi sgt, %jit3A_253, %sign3A_262 : i32
    %sign3A_264 = arith.extui %sign3A_263 : i1 to i32
    %sign3A_265 = arith.constant 0 : i32
    %sign3A_266 = arith.cmpi slt, %jit3A_253, %sign3A_265 : i32
    %sign3A_267 = arith.extui %sign3A_266 : i1 to i32
    %sign3A_268 = arith.subi %sign3A_264, %sign3A_267 : i32
    %ne3A_269 = arith.cmpi ne, %sign3A_261, %sign3A_268 : i32
    %rem3A_270 = arith.remsi %add3A_252, %jit3A_253 : i32
    %ne3A_271 = arith.constant 0 : i32
    %ne3A_272 = arith.cmpi ne, %rem3A_270, %ne3A_271 : i32
    %and3A_273 = arith.andi %ne3A_269, %ne3A_272 : i1
    %sub3A_274 = arith.constant 1 : i32
    %sub3A_275 = arith.subi %div3A_254, %sub3A_274 : i32
    %select_n3A_276 = arith.select %and3A_273, %sub3A_275, %div3A_254 : i32
    %jit3A_277 = arith.constant 16 : i32
    %eq3A_278 = arith.constant 0 : i32
    %eq3A_279 = arith.cmpi eq, %jit3A_277, %eq3A_278 : i32
    %jit3A_280 = arith.constant 1 : i32
    %select_n3A_281 = arith.select %eq3A_279, %jit3A_280, %jit3A_277 : i32
    %rem3A_282 = arith.remsi %add3A_252, %select_n3A_281 : i32
    %ne3A_283 = arith.constant 0 : i32
    %ne3A_284 = arith.cmpi ne, %rem3A_282, %ne3A_283 : i32
    %lt3A_285 = arith.constant 0 : i32
    %lt3A_286 = arith.cmpi slt, %rem3A_282, %lt3A_285 : i32
    %lt3A_287 = arith.constant 0 : i32
    %lt3A_288 = arith.cmpi slt, %select_n3A_281, %lt3A_287 : i32
    %ne3A_289 = arith.xori %lt3A_286, %lt3A_288 : i1
    %and3A_290 = arith.andi %ne3A_289, %ne3A_284 : i1
    %add3A_291 = arith.addi %rem3A_282, %select_n3A_281 : i32
    %select_n3A_292 = arith.select %and3A_290, %add3A_291, %rem3A_282 : i32
    %mul3A_293 = arith.constant 4 : i32
    %mul3A_294 = arith.muli %select_n3A_292, %mul3A_293 : i32
    %dma_start3A_295 = arith.constant 0 : i32
    %dma_start3A_296 = tpu.memref_slice %arg2[%select_n3A_276, %mul3A_294, %dma_start3A_295] : memref<200x64x4096xf32, #tpu.memory_space<hbm>> -> memref<1x4x4096xf32, #tpu.memory_space<hbm>>
    %dma_start3A_297 = tpu.memref_squeeze %dma_start3A_296 : memref<1x4x4096xf32, #tpu.memory_space<hbm>> -> memref<4x4096xf32, #tpu.memory_space<hbm>>
    %dma_start3A_298 = arith.constant 0 : i32
    %dma_start3A_299 = tpu.memref_slice %arg2[%select_n3A_276, %mul3A_294, %dma_start3A_298] : memref<200x64x4096xf32, #tpu.memory_space<hbm>> -> memref<1x4x4096xf32, #tpu.memory_space<hbm>>
    %dma_start3A_300 = tpu.memref_squeeze %dma_start3A_299 : memref<1x4x4096xf32, #tpu.memory_space<hbm>> -> memref<4x4096xf32, #tpu.memory_space<hbm>>
    tpu.enqueue_dma source(%dma_start3A_300 : memref<4x4096xf32, #tpu.memory_space<hbm>>) target(%arg5 : memref<4x4096xf32, #tpu.memory_space<vmem>>) target_semaphore(%arg14 : memref<!tpu.dma_semaphore, #tpu.memory_space<semaphore_mem>>)
    %add3A_301 = arith.constant 3 : i32
    %add3A_302 = arith.addi %mul3A_2, %add3A_301 : i32
    %mul3A_303 = arith.constant 4 : i32
    %mul3A_304 = arith.muli %add3A_302, %mul3A_303 : i32
    %dma_start3A_305 = arith.constant 0 : i32
    %dma_start3A_306 = tpu.memref_slice %arg3[%mul3A_304, %dma_start3A_305] : memref<12800x16xf32, #tpu.memory_space<hbm>> -> memref<4x16xf32, #tpu.memory_space<hbm>>
    %dma_start3A_307 = arith.constant 0 : i32
    %dma_start3A_308 = tpu.memref_slice %arg3[%mul3A_304, %dma_start3A_307] : memref<12800x16xf32, #tpu.memory_space<hbm>> -> memref<4x16xf32, #tpu.memory_space<hbm>>
    tpu.enqueue_dma source(%dma_start3A_308 : memref<4x16xf32, #tpu.memory_space<hbm>>) target(%arg11 : memref<4x16xf32, #tpu.memory_space<vmem>>) target_semaphore(%arg20 : memref<!tpu.dma_semaphore, #tpu.memory_space<semaphore_mem>>)
    %dma_wait3A_309 = arith.constant 0 : i32
    %dma_wait3A_310 = arith.constant 0 : i32
    %dma_wait3A_311 = arith.constant 0 : i32
    %dma_wait3A_312 = tpu.memref_slice %arg2[%dma_wait3A_309, %dma_wait3A_310, %dma_wait3A_311] : memref<200x64x4096xf32, #tpu.memory_space<hbm>> -> memref<1x4x4096xf32, #tpu.memory_space<hbm>>
    %dma_wait3A_313 = tpu.memref_squeeze %dma_wait3A_312 : memref<1x4x4096xf32, #tpu.memory_space<hbm>> -> memref<4x4096xf32, #tpu.memory_space<hbm>>
    %dma_wait3A_314 = arith.constant 0 : i32
    %dma_wait3A_315 = arith.constant 0 : i32
    %dma_wait3A_316 = tpu.memref_slice %arg2[%dma_wait3A_309, %dma_wait3A_314, %dma_wait3A_315] : memref<200x64x4096xf32, #tpu.memory_space<hbm>> -> memref<1x4x4096xf32, #tpu.memory_space<hbm>>
    %dma_wait3A_317 = tpu.memref_squeeze %dma_wait3A_316 : memref<1x4x4096xf32, #tpu.memory_space<hbm>> -> memref<4x4096xf32, #tpu.memory_space<hbm>>
    tpu.wait_dma2 semaphore(%arg15 : memref<!tpu.dma_semaphore, #tpu.memory_space<semaphore_mem>>) src(%dma_wait3A_317 : memref<4x4096xf32, #tpu.memory_space<hbm>>) dst(%arg6 : memref<4x4096xf32, #tpu.memory_space<vmem>>)
    %dma_wait3A_318 = arith.constant 0 : i32
    %dma_wait3A_319 = arith.constant 0 : i32
    %dma_wait3A_320 = tpu.memref_slice %arg3[%dma_wait3A_318, %dma_wait3A_319] : memref<12800x16xf32, #tpu.memory_space<hbm>> -> memref<4x16xf32, #tpu.memory_space<hbm>>
    %dma_wait3A_321 = arith.constant 0 : i32
    %dma_wait3A_322 = arith.constant 0 : i32
    %dma_wait3A_323 = tpu.memref_slice %arg3[%dma_wait3A_321, %dma_wait3A_322] : memref<12800x16xf32, #tpu.memory_space<hbm>> -> memref<4x16xf32, #tpu.memory_space<hbm>>
    tpu.wait_dma2 semaphore(%arg21 : memref<!tpu.dma_semaphore, #tpu.memory_space<semaphore_mem>>) src(%dma_wait3A_323 : memref<4x16xf32, #tpu.memory_space<hbm>>) dst(%arg12 : memref<4x16xf32, #tpu.memory_space<vmem>>)
    %get3A_324 = arith.constant 0 : i32
    %get3A_325 = arith.index_cast %get3A_324 : i32 to index
    %get3A_326 = arith.constant 0 : index
    %get3A_327 = tpu.vector_load %arg12[%get3A_325, %get3A_326] {strides = array<i32>} : memref<4x16xf32, #tpu.memory_space<vmem>>, vector<1x16xf32>,
    %get3A_328 = vector.shape_cast %get3A_327 : vector<1x16xf32> to vector<16xf32>
    %get3A_329 = arith.constant 1 : i32
    %get3A_330 = arith.index_cast %get3A_329 : i32 to index
    %get3A_331 = arith.constant 0 : index
    %get3A_332 = tpu.vector_load %arg12[%get3A_330, %get3A_331] {strides = array<i32>} : memref<4x16xf32, #tpu.memory_space<vmem>>, vector<1x16xf32>,
    %get3A_333 = vector.shape_cast %get3A_332 : vector<1x16xf32> to vector<16xf32>
    %get3A_334 = arith.constant 2 : i32
    %get3A_335 = arith.index_cast %get3A_334 : i32 to index
    %get3A_336 = arith.constant 0 : index
    %get3A_337 = tpu.vector_load %arg12[%get3A_335, %get3A_336] {strides = array<i32>} : memref<4x16xf32, #tpu.memory_space<vmem>>, vector<1x16xf32>,
    %get3A_338 = vector.shape_cast %get3A_337 : vector<1x16xf32> to vector<16xf32>
    %get3A_339 = arith.constant 3 : i32
    %get3A_340 = arith.index_cast %get3A_339 : i32 to index
    %get3A_341 = arith.constant 0 : index
    %get3A_342 = tpu.vector_load %arg12[%get3A_340, %get3A_341] {strides = array<i32>} : memref<4x16xf32, #tpu.memory_space<vmem>>, vector<1x16xf32>,
    %get3A_343 = vector.shape_cast %get3A_342 : vector<1x16xf32> to vector<16xf32>
    %parallel_loop3A_344 = arith.constant 0 : i32
    %parallel_loop3A_345 = arith.constant 256 : i32
    %parallel_loop3A_346 = arith.constant 1 : i32
    scf.for %parallel_loop3A_1080 = %parallel_loop3A_344 to %parallel_loop3A_345 step %parallel_loop3A_346  : i32 {
      %parallel_loop3A_1081 = arith.constant 16 : i32
      %parallel_loop3A_1082 = arith.muli %parallel_loop3A_1080, %parallel_loop3A_1081 : i32
      %parallel_loop3A_1083 = arith.constant 0 : i32
      %parallel_loop3A_1084 = arith.index_cast %parallel_loop3A_1083 : i32 to index
      %parallel_loop3A_1085 = arith.index_cast %parallel_loop3A_1082 : i32 to index
      %parallel_loop3A_1086 = tpu.vector_load %arg6[%parallel_loop3A_1084, %parallel_loop3A_1085] {strides = array<i32>} : memref<4x4096xf32, #tpu.memory_space<vmem>>, vector<1x16xf32>,
      %parallel_loop3A_1087 = vector.shape_cast %parallel_loop3A_1086 : vector<1x16xf32> to vector<16xf32>
      %parallel_loop3A_1088 = arith.addf %parallel_loop3A_1087, %get3A_328 : vector<16xf32>
      %parallel_loop3A_1089 = arith.constant 0 : i32
      %parallel_loop3A_1090 = arith.index_cast %parallel_loop3A_1089 : i32 to index
      %parallel_loop3A_1091 = arith.index_cast %parallel_loop3A_1082 : i32 to index
      %parallel_loop3A_1092 = tpu.vector_load %arg9[%parallel_loop3A_1090, %parallel_loop3A_1091] {strides = array<i32>} : memref<4x4096xf32, #tpu.memory_space<vmem>>, vector<1x16xf32>,
      %parallel_loop3A_1093 = vector.shape_cast %parallel_loop3A_1092 : vector<1x16xf32> to vector<16xf32>
      %parallel_loop3A_1094 = vector.shape_cast %parallel_loop3A_1088 : vector<16xf32> to vector<1x16xf32>
      tpu.vector_store %arg9[%parallel_loop3A_1090, %parallel_loop3A_1091], %parallel_loop3A_1094 {strides = array<i32>} : memref<4x4096xf32, #tpu.memory_space<vmem>>, vector<1x16xf32>,
      %parallel_loop3A_1095 = arith.constant 1 : i32
      %parallel_loop3A_1096 = arith.index_cast %parallel_loop3A_1095 : i32 to index
      %parallel_loop3A_1097 = arith.index_cast %parallel_loop3A_1082 : i32 to index
      %parallel_loop3A_1098 = tpu.vector_load %arg6[%parallel_loop3A_1096, %parallel_loop3A_1097] {strides = array<i32>} : memref<4x4096xf32, #tpu.memory_space<vmem>>, vector<1x16xf32>,
      %parallel_loop3A_1099 = vector.shape_cast %parallel_loop3A_1098 : vector<1x16xf32> to vector<16xf32>
      %parallel_loop3A_1100 = arith.addf %parallel_loop3A_1099, %get3A_333 : vector<16xf32>
      %parallel_loop3A_1101 = arith.constant 1 : i32
      %parallel_loop3A_1102 = arith.index_cast %parallel_loop3A_1101 : i32 to index
      %parallel_loop3A_1103 = arith.index_cast %parallel_loop3A_1082 : i32 to index
      %parallel_loop3A_1104 = tpu.vector_load %arg9[%parallel_loop3A_1102, %parallel_loop3A_1103] {strides = array<i32>} : memref<4x4096xf32, #tpu.memory_space<vmem>>, vector<1x16xf32>,
      %parallel_loop3A_1105 = vector.shape_cast %parallel_loop3A_1104 : vector<1x16xf32> to vector<16xf32>
      %parallel_loop3A_1106 = vector.shape_cast %parallel_loop3A_1100 : vector<16xf32> to vector<1x16xf32>
      tpu.vector_store %arg9[%parallel_loop3A_1102, %parallel_loop3A_1103], %parallel_loop3A_1106 {strides = array<i32>} : memref<4x4096xf32, #tpu.memory_space<vmem>>, vector<1x16xf32>,
      %parallel_loop3A_1107 = arith.constant 2 : i32
      %parallel_loop3A_1108 = arith.index_cast %parallel_loop3A_1107 : i32 to index
      %parallel_loop3A_1109 = arith.index_cast %parallel_loop3A_1082 : i32 to index
      %parallel_loop3A_1110 = tpu.vector_load %arg6[%parallel_loop3A_1108, %parallel_loop3A_1109] {strides = array<i32>} : memref<4x4096xf32, #tpu.memory_space<vmem>>, vector<1x16xf32>,
      %parallel_loop3A_1111 = vector.shape_cast %parallel_loop3A_1110 : vector<1x16xf32> to vector<16xf32>
      %parallel_loop3A_1112 = arith.addf %parallel_loop3A_1111, %get3A_338 : vector<16xf32>
      %parallel_loop3A_1113 = arith.constant 2 : i32
      %parallel_loop3A_1114 = arith.index_cast %parallel_loop3A_1113 : i32 to index
      %parallel_loop3A_1115 = arith.index_cast %parallel_loop3A_1082 : i32 to index
      %parallel_loop3A_1116 = tpu.vector_load %arg9[%parallel_loop3A_1114, %parallel_loop3A_1115] {strides = array<i32>} : memref<4x4096xf32, #tpu.memory_space<vmem>>, vector<1x16xf32>,
      %parallel_loop3A_1117 = vector.shape_cast %parallel_loop3A_1116 : vector<1x16xf32> to vector<16xf32>
      %parallel_loop3A_1118 = vector.shape_cast %parallel_loop3A_1112 : vector<16xf32> to vector<1x16xf32>
      tpu.vector_store %arg9[%parallel_loop3A_1114, %parallel_loop3A_1115], %parallel_loop3A_1118 {strides = array<i32>} : memref<4x4096xf32, #tpu.memory_space<vmem>>, vector<1x16xf32>,
      %parallel_loop3A_1119 = arith.constant 3 : i32
      %parallel_loop3A_1120 = arith.index_cast %parallel_loop3A_1119 : i32 to index
      %parallel_loop3A_1121 = arith.index_cast %parallel_loop3A_1082 : i32 to index
      %parallel_loop3A_1122 = tpu.vector_load %arg6[%parallel_loop3A_1120, %parallel_loop3A_1121] {strides = array<i32>} : memref<4x4096xf32, #tpu.memory_space<vmem>>, vector<1x16xf32>,
      %parallel_loop3A_1123 = vector.shape_cast %parallel_loop3A_1122 : vector<1x16xf32> to vector<16xf32>
      %parallel_loop3A_1124 = arith.addf %parallel_loop3A_1123, %get3A_343 : vector<16xf32>
      %parallel_loop3A_1125 = arith.constant 3 : i32
      %parallel_loop3A_1126 = arith.index_cast %parallel_loop3A_1125 : i32 to index
      %parallel_loop3A_1127 = arith.index_cast %parallel_loop3A_1082 : i32 to index
      %parallel_loop3A_1128 = tpu.vector_load %arg9[%parallel_loop3A_1126, %parallel_loop3A_1127] {strides = array<i32>} : memref<4x4096xf32, #tpu.memory_space<vmem>>, vector<1x16xf32>,
      %parallel_loop3A_1129 = vector.shape_cast %parallel_loop3A_1128 : vector<1x16xf32> to vector<16xf32>
      %parallel_loop3A_1130 = vector.shape_cast %parallel_loop3A_1124 : vector<16xf32> to vector<1x16xf32>
      tpu.vector_store %arg9[%parallel_loop3A_1126, %parallel_loop3A_1127], %parallel_loop3A_1130 {strides = array<i32>} : memref<4x4096xf32, #tpu.memory_space<vmem>>, vector<1x16xf32>,
    } {sc.loop_unroll_factor = 8 : i64, sc.parallel_access}
    %add3A_347 = arith.constant 1 : i32
    %add3A_348 = arith.addi %mul3A_2, %add3A_347 : i32
    %jit3A_349 = arith.constant 16 : i32
    %div3A_350 = arith.divsi %add3A_348, %jit3A_349 : i32
    %sign3A_351 = arith.constant 0 : i32
    %sign3A_352 = arith.cmpi sgt, %add3A_348, %sign3A_351 : i32
    %sign3A_353 = arith.extui %sign3A_352 : i1 to i32
    %sign3A_354 = arith.constant 0 : i32
    %sign3A_355 = arith.cmpi slt, %add3A_348, %sign3A_354 : i32
    %sign3A_356 = arith.extui %sign3A_355 : i1 to i32
    %sign3A_357 = arith.subi %sign3A_353, %sign3A_356 : i32
    %sign3A_358 = arith.constant 0 : i32
    %sign3A_359 = arith.cmpi sgt, %jit3A_349, %sign3A_358 : i32
    %sign3A_360 = arith.extui %sign3A_359 : i1 to i32
    %sign3A_361 = arith.constant 0 : i32
    %sign3A_362 = arith.cmpi slt, %jit3A_349, %sign3A_361 : i32
    %sign3A_363 = arith.extui %sign3A_362 : i1 to i32
    %sign3A_364 = arith.subi %sign3A_360, %sign3A_363 : i32
    %ne3A_365 = arith.cmpi ne, %sign3A_357, %sign3A_364 : i32
    %rem3A_366 = arith.remsi %add3A_348, %jit3A_349 : i32
    %ne3A_367 = arith.constant 0 : i32
    %ne3A_368 = arith.cmpi ne, %rem3A_366, %ne3A_367 : i32
    %and3A_369 = arith.andi %ne3A_365, %ne3A_368 : i1
    %sub3A_370 = arith.constant 1 : i32
    %sub3A_371 = arith.subi %div3A_350, %sub3A_370 : i32
    %select_n3A_372 = arith.select %and3A_369, %sub3A_371, %div3A_350 : i32
    %jit3A_373 = arith.constant 16 : i32
    %eq3A_374 = arith.constant 0 : i32
    %eq3A_375 = arith.cmpi eq, %jit3A_373, %eq3A_374 : i32
    %jit3A_376 = arith.constant 1 : i32
    %select_n3A_377 = arith.select %eq3A_375, %jit3A_376, %jit3A_373 : i32
    %rem3A_378 = arith.remsi %add3A_348, %select_n3A_377 : i32
    %ne3A_379 = arith.constant 0 : i32
    %ne3A_380 = arith.cmpi ne, %rem3A_378, %ne3A_379 : i32
    %lt3A_381 = arith.constant 0 : i32
    %lt3A_382 = arith.cmpi slt, %rem3A_378, %lt3A_381 : i32
    %lt3A_383 = arith.constant 0 : i32
    %lt3A_384 = arith.cmpi slt, %select_n3A_377, %lt3A_383 : i32
    %ne3A_385 = arith.xori %lt3A_382, %lt3A_384 : i1
    %and3A_386 = arith.andi %ne3A_385, %ne3A_380 : i1
    %add3A_387 = arith.addi %rem3A_378, %select_n3A_377 : i32
    %select_n3A_388 = arith.select %and3A_386, %add3A_387, %rem3A_378 : i32
    %mul3A_389 = arith.constant 4 : i32
    %mul3A_390 = arith.muli %select_n3A_388, %mul3A_389 : i32
    %dma_start3A_391 = arith.constant 0 : i32
    %dma_start3A_392 = tpu.memref_slice %arg4[%select_n3A_372, %mul3A_390, %dma_start3A_391] : memref<200x64x4096xf32, #tpu.memory_space<hbm>> -> memref<1x4x4096xf32, #tpu.memory_space<hbm>>
    %dma_start3A_393 = tpu.memref_squeeze %dma_start3A_392 : memref<1x4x4096xf32, #tpu.memory_space<hbm>> -> memref<4x4096xf32, #tpu.memory_space<hbm>>
    %dma_start3A_394 = arith.constant 0 : i32
    %dma_start3A_395 = tpu.memref_slice %arg4[%select_n3A_372, %mul3A_390, %dma_start3A_394] : memref<200x64x4096xf32, #tpu.memory_space<hbm>> -> memref<1x4x4096xf32, #tpu.memory_space<hbm>>
    %dma_start3A_396 = tpu.memref_squeeze %dma_start3A_395 : memref<1x4x4096xf32, #tpu.memory_space<hbm>> -> memref<4x4096xf32, #tpu.memory_space<hbm>>
    tpu.enqueue_dma source(%arg9 : memref<4x4096xf32, #tpu.memory_space<vmem>>) target(%dma_start3A_396 : memref<4x4096xf32, #tpu.memory_space<hbm>>) target_semaphore(%arg18 : memref<!tpu.dma_semaphore, #tpu.memory_space<semaphore_mem>>)
    %add3A_397 = arith.constant 4 : i32
    %add3A_398 = arith.addi %mul3A_2, %add3A_397 : i32
    %jit3A_399 = arith.constant 16 : i32
    %div3A_400 = arith.divsi %add3A_398, %jit3A_399 : i32
    %sign3A_401 = arith.constant 0 : i32
    %sign3A_402 = arith.cmpi sgt, %add3A_398, %sign3A_401 : i32
    %sign3A_403 = arith.extui %sign3A_402 : i1 to i32
    %sign3A_404 = arith.constant 0 : i32
    %sign3A_405 = arith.cmpi slt, %add3A_398, %sign3A_404 : i32
    %sign3A_406 = arith.extui %sign3A_405 : i1 to i32
    %sign3A_407 = arith.subi %sign3A_403, %sign3A_406 : i32
    %sign3A_408 = arith.constant 0 : i32
    %sign3A_409 = arith.cmpi sgt, %jit3A_399, %sign3A_408 : i32
    %sign3A_410 = arith.extui %sign3A_409 : i1 to i32
    %sign3A_411 = arith.constant 0 : i32
    %sign3A_412 = arith.cmpi slt, %jit3A_399, %sign3A_411 : i32
    %sign3A_413 = arith.extui %sign3A_412 : i1 to i32
    %sign3A_414 = arith.subi %sign3A_410, %sign3A_413 : i32
    %ne3A_415 = arith.cmpi ne, %sign3A_407, %sign3A_414 : i32
    %rem3A_416 = arith.remsi %add3A_398, %jit3A_399 : i32
    %ne3A_417 = arith.constant 0 : i32
    %ne3A_418 = arith.cmpi ne, %rem3A_416, %ne3A_417 : i32
    %and3A_419 = arith.andi %ne3A_415, %ne3A_418 : i1
    %sub3A_420 = arith.constant 1 : i32
    %sub3A_421 = arith.subi %div3A_400, %sub3A_420 : i32
    %select_n3A_422 = arith.select %and3A_419, %sub3A_421, %div3A_400 : i32
    %jit3A_423 = arith.constant 16 : i32
    %eq3A_424 = arith.constant 0 : i32
    %eq3A_425 = arith.cmpi eq, %jit3A_423, %eq3A_424 : i32
    %jit3A_426 = arith.constant 1 : i32
    %select_n3A_427 = arith.select %eq3A_425, %jit3A_426, %jit3A_423 : i32
    %rem3A_428 = arith.remsi %add3A_398, %select_n3A_427 : i32
    %ne3A_429 = arith.constant 0 : i32
    %ne3A_430 = arith.cmpi ne, %rem3A_428, %ne3A_429 : i32
    %lt3A_431 = arith.constant 0 : i32
    %lt3A_432 = arith.cmpi slt, %rem3A_428, %lt3A_431 : i32
    %lt3A_433 = arith.constant 0 : i32
    %lt3A_434 = arith.cmpi slt, %select_n3A_427, %lt3A_433 : i32
    %ne3A_435 = arith.xori %lt3A_432, %lt3A_434 : i1
    %and3A_436 = arith.andi %ne3A_435, %ne3A_430 : i1
    %add3A_437 = arith.addi %rem3A_428, %select_n3A_427 : i32
    %select_n3A_438 = arith.select %and3A_436, %add3A_437, %rem3A_428 : i32
    %mul3A_439 = arith.constant 4 : i32
    %mul3A_440 = arith.muli %select_n3A_438, %mul3A_439 : i32
    %dma_start3A_441 = arith.constant 0 : i32
    %dma_start3A_442 = tpu.memref_slice %arg2[%select_n3A_422, %mul3A_440, %dma_start3A_441] : memref<200x64x4096xf32, #tpu.memory_space<hbm>> -> memref<1x4x4096xf32, #tpu.memory_space<hbm>>
    %dma_start3A_443 = tpu.memref_squeeze %dma_start3A_442 : memref<1x4x4096xf32, #tpu.memory_space<hbm>> -> memref<4x4096xf32, #tpu.memory_space<hbm>>
    %dma_start3A_444 = arith.constant 0 : i32
    %dma_start3A_445 = tpu.memref_slice %arg2[%select_n3A_422, %mul3A_440, %dma_start3A_444] : memref<200x64x4096xf32, #tpu.memory_space<hbm>> -> memref<1x4x4096xf32, #tpu.memory_space<hbm>>
    %dma_start3A_446 = tpu.memref_squeeze %dma_start3A_445 : memref<1x4x4096xf32, #tpu.memory_space<hbm>> -> memref<4x4096xf32, #tpu.memory_space<hbm>>
    tpu.enqueue_dma source(%dma_start3A_446 : memref<4x4096xf32, #tpu.memory_space<hbm>>) target(%arg6 : memref<4x4096xf32, #tpu.memory_space<vmem>>) target_semaphore(%arg15 : memref<!tpu.dma_semaphore, #tpu.memory_space<semaphore_mem>>)
    %add3A_447 = arith.constant 4 : i32
    %add3A_448 = arith.addi %mul3A_2, %add3A_447 : i32
    %mul3A_449 = arith.constant 4 : i32
    %mul3A_450 = arith.muli %add3A_448, %mul3A_449 : i32
    %dma_start3A_451 = arith.constant 0 : i32
    %dma_start3A_452 = tpu.memref_slice %arg3[%mul3A_450, %dma_start3A_451] : memref<12800x16xf32, #tpu.memory_space<hbm>> -> memref<4x16xf32, #tpu.memory_space<hbm>>
    %dma_start3A_453 = arith.constant 0 : i32
    %dma_start3A_454 = tpu.memref_slice %arg3[%mul3A_450, %dma_start3A_453] : memref<12800x16xf32, #tpu.memory_space<hbm>> -> memref<4x16xf32, #tpu.memory_space<hbm>>
    tpu.enqueue_dma source(%dma_start3A_454 : memref<4x16xf32, #tpu.memory_space<hbm>>) target(%arg12 : memref<4x16xf32, #tpu.memory_space<vmem>>) target_semaphore(%arg21 : memref<!tpu.dma_semaphore, #tpu.memory_space<semaphore_mem>>)
    %dma_wait3A_455 = arith.constant 0 : i32
    %dma_wait3A_456 = arith.constant 0 : i32
    %dma_wait3A_457 = arith.constant 0 : i32
    %dma_wait3A_458 = tpu.memref_slice %arg2[%dma_wait3A_455, %dma_wait3A_456, %dma_wait3A_457] : memref<200x64x4096xf32, #tpu.memory_space<hbm>> -> memref<1x4x4096xf32, #tpu.memory_space<hbm>>
    %dma_wait3A_459 = tpu.memref_squeeze %dma_wait3A_458 : memref<1x4x4096xf32, #tpu.memory_space<hbm>> -> memref<4x4096xf32, #tpu.memory_space<hbm>>
    %dma_wait3A_460 = arith.constant 0 : i32
    %dma_wait3A_461 = arith.constant 0 : i32
    %dma_wait3A_462 = tpu.memref_slice %arg2[%dma_wait3A_455, %dma_wait3A_460, %dma_wait3A_461] : memref<200x64x4096xf32, #tpu.memory_space<hbm>> -> memref<1x4x4096xf32, #tpu.memory_space<hbm>>
    %dma_wait3A_463 = tpu.memref_squeeze %dma_wait3A_462 : memref<1x4x4096xf32, #tpu.memory_space<hbm>> -> memref<4x4096xf32, #tpu.memory_space<hbm>>
    tpu.wait_dma2 semaphore(%arg16 : memref<!tpu.dma_semaphore, #tpu.memory_space<semaphore_mem>>) src(%dma_wait3A_463 : memref<4x4096xf32, #tpu.memory_space<hbm>>) dst(%arg7 : memref<4x4096xf32, #tpu.memory_space<vmem>>)
    %dma_wait3A_464 = arith.constant 0 : i32
    %dma_wait3A_465 = arith.constant 0 : i32
    %dma_wait3A_466 = tpu.memref_slice %arg3[%dma_wait3A_464, %dma_wait3A_465] : memref<12800x16xf32, #tpu.memory_space<hbm>> -> memref<4x16xf32, #tpu.memory_space<hbm>>
    %dma_wait3A_467 = arith.constant 0 : i32
    %dma_wait3A_468 = arith.constant 0 : i32
    %dma_wait3A_469 = tpu.memref_slice %arg3[%dma_wait3A_467, %dma_wait3A_468] : memref<12800x16xf32, #tpu.memory_space<hbm>> -> memref<4x16xf32, #tpu.memory_space<hbm>>
    tpu.wait_dma2 semaphore(%arg22 : memref<!tpu.dma_semaphore, #tpu.memory_space<semaphore_mem>>) src(%dma_wait3A_469 : memref<4x16xf32, #tpu.memory_space<hbm>>) dst(%arg13 : memref<4x16xf32, #tpu.memory_space<vmem>>)
    %get3A_470 = arith.constant 0 : i32
    %get3A_471 = arith.index_cast %get3A_470 : i32 to index
    %get3A_472 = arith.constant 0 : index
    %get3A_473 = tpu.vector_load %arg13[%get3A_471, %get3A_472] {strides = array<i32>} : memref<4x16xf32, #tpu.memory_space<vmem>>, vector<1x16xf32>,
    %get3A_474 = vector.shape_cast %get3A_473 : vector<1x16xf32> to vector<16xf32>
    %get3A_475 = arith.constant 1 : i32
    %get3A_476 = arith.index_cast %get3A_475 : i32 to index
    %get3A_477 = arith.constant 0 : index
    %get3A_478 = tpu.vector_load %arg13[%get3A_476, %get3A_477] {strides = array<i32>} : memref<4x16xf32, #tpu.memory_space<vmem>>, vector<1x16xf32>,
    %get3A_479 = vector.shape_cast %get3A_478 : vector<1x16xf32> to vector<16xf32>
    %get3A_480 = arith.constant 2 : i32
    %get3A_481 = arith.index_cast %get3A_480 : i32 to index
    %get3A_482 = arith.constant 0 : index
    %get3A_483 = tpu.vector_load %arg13[%get3A_481, %get3A_482] {strides = array<i32>} : memref<4x16xf32, #tpu.memory_space<vmem>>, vector<1x16xf32>,
    %get3A_484 = vector.shape_cast %get3A_483 : vector<1x16xf32> to vector<16xf32>
    %get3A_485 = arith.constant 3 : i32
    %get3A_486 = arith.index_cast %get3A_485 : i32 to index
    %get3A_487 = arith.constant 0 : index
    %get3A_488 = tpu.vector_load %arg13[%get3A_486, %get3A_487] {strides = array<i32>} : memref<4x16xf32, #tpu.memory_space<vmem>>, vector<1x16xf32>,
    %get3A_489 = vector.shape_cast %get3A_488 : vector<1x16xf32> to vector<16xf32>
    %parallel_loop3A_490 = arith.constant 0 : i32
    %parallel_loop3A_491 = arith.constant 256 : i32
    %parallel_loop3A_492 = arith.constant 1 : i32
    scf.for %parallel_loop3A_1080 = %parallel_loop3A_490 to %parallel_loop3A_491 step %parallel_loop3A_492  : i32 {
      %parallel_loop3A_1081 = arith.constant 16 : i32
      %parallel_loop3A_1082 = arith.muli %parallel_loop3A_1080, %parallel_loop3A_1081 : i32
      %parallel_loop3A_1083 = arith.constant 0 : i32
      %parallel_loop3A_1084 = arith.index_cast %parallel_loop3A_1083 : i32 to index
      %parallel_loop3A_1085 = arith.index_cast %parallel_loop3A_1082 : i32 to index
      %parallel_loop3A_1086 = tpu.vector_load %arg7[%parallel_loop3A_1084, %parallel_loop3A_1085] {strides = array<i32>} : memref<4x4096xf32, #tpu.memory_space<vmem>>, vector<1x16xf32>,
      %parallel_loop3A_1087 = vector.shape_cast %parallel_loop3A_1086 : vector<1x16xf32> to vector<16xf32>
      %parallel_loop3A_1088 = arith.addf %parallel_loop3A_1087, %get3A_474 : vector<16xf32>
      %parallel_loop3A_1089 = arith.constant 0 : i32
      %parallel_loop3A_1090 = arith.index_cast %parallel_loop3A_1089 : i32 to index
      %parallel_loop3A_1091 = arith.index_cast %parallel_loop3A_1082 : i32 to index
      %parallel_loop3A_1092 = tpu.vector_load %arg10[%parallel_loop3A_1090, %parallel_loop3A_1091] {strides = array<i32>} : memref<4x4096xf32, #tpu.memory_space<vmem>>, vector<1x16xf32>,
      %parallel_loop3A_1093 = vector.shape_cast %parallel_loop3A_1092 : vector<1x16xf32> to vector<16xf32>
      %parallel_loop3A_1094 = vector.shape_cast %parallel_loop3A_1088 : vector<16xf32> to vector<1x16xf32>
      tpu.vector_store %arg10[%parallel_loop3A_1090, %parallel_loop3A_1091], %parallel_loop3A_1094 {strides = array<i32>} : memref<4x4096xf32, #tpu.memory_space<vmem>>, vector<1x16xf32>,
      %parallel_loop3A_1095 = arith.constant 1 : i32
      %parallel_loop3A_1096 = arith.index_cast %parallel_loop3A_1095 : i32 to index
      %parallel_loop3A_1097 = arith.index_cast %parallel_loop3A_1082 : i32 to index
      %parallel_loop3A_1098 = tpu.vector_load %arg7[%parallel_loop3A_1096, %parallel_loop3A_1097] {strides = array<i32>} : memref<4x4096xf32, #tpu.memory_space<vmem>>, vector<1x16xf32>,
      %parallel_loop3A_1099 = vector.shape_cast %parallel_loop3A_1098 : vector<1x16xf32> to vector<16xf32>
      %parallel_loop3A_1100 = arith.addf %parallel_loop3A_1099, %get3A_479 : vector<16xf32>
      %parallel_loop3A_1101 = arith.constant 1 : i32
      %parallel_loop3A_1102 = arith.index_cast %parallel_loop3A_1101 : i32 to index
      %parallel_loop3A_1103 = arith.index_cast %parallel_loop3A_1082 : i32 to index
      %parallel_loop3A_1104 = tpu.vector_load %arg10[%parallel_loop3A_1102, %parallel_loop3A_1103] {strides = array<i32>} : memref<4x4096xf32, #tpu.memory_space<vmem>>, vector<1x16xf32>,
      %parallel_loop3A_1105 = vector.shape_cast %parallel_loop3A_1104 : vector<1x16xf32> to vector<16xf32>
      %parallel_loop3A_1106 = vector.shape_cast %parallel_loop3A_1100 : vector<16xf32> to vector<1x16xf32>
      tpu.vector_store %arg10[%parallel_loop3A_1102, %parallel_loop3A_1103], %parallel_loop3A_1106 {strides = array<i32>} : memref<4x4096xf32, #tpu.memory_space<vmem>>, vector<1x16xf32>,
      %parallel_loop3A_1107 = arith.constant 2 : i32
      %parallel_loop3A_1108 = arith.index_cast %parallel_loop3A_1107 : i32 to index
      %parallel_loop3A_1109 = arith.index_cast %parallel_loop3A_1082 : i32 to index
      %parallel_loop3A_1110 = tpu.vector_load %arg7[%parallel_loop3A_1108, %parallel_loop3A_1109] {strides = array<i32>} : memref<4x4096xf32, #tpu.memory_space<vmem>>, vector<1x16xf32>,
      %parallel_loop3A_1111 = vector.shape_cast %parallel_loop3A_1110 : vector<1x16xf32> to vector<16xf32>
      %parallel_loop3A_1112 = arith.addf %parallel_loop3A_1111, %get3A_484 : vector<16xf32>
      %parallel_loop3A_1113 = arith.constant 2 : i32
      %parallel_loop3A_1114 = arith.index_cast %parallel_loop3A_1113 : i32 to index
      %parallel_loop3A_1115 = arith.index_cast %parallel_loop3A_1082 : i32 to index
      %parallel_loop3A_1116 = tpu.vector_load %arg10[%parallel_loop3A_1114, %parallel_loop3A_1115] {strides = array<i32>} : memref<4x4096xf32, #tpu.memory_space<vmem>>, vector<1x16xf32>,
      %parallel_loop3A_1117 = vector.shape_cast %parallel_loop3A_1116 : vector<1x16xf32> to vector<16xf32>
      %parallel_loop3A_1118 = vector.shape_cast %parallel_loop3A_1112 : vector<16xf32> to vector<1x16xf32>
      tpu.vector_store %arg10[%parallel_loop3A_1114, %parallel_loop3A_1115], %parallel_loop3A_1118 {strides = array<i32>} : memref<4x4096xf32, #tpu.memory_space<vmem>>, vector<1x16xf32>,
      %parallel_loop3A_1119 = arith.constant 3 : i32
      %parallel_loop3A_1120 = arith.index_cast %parallel_loop3A_1119 : i32 to index
      %parallel_loop3A_1121 = arith.index_cast %parallel_loop3A_1082 : i32 to index
      %parallel_loop3A_1122 = tpu.vector_load %arg7[%parallel_loop3A_1120, %parallel_loop3A_1121] {strides = array<i32>} : memref<4x4096xf32, #tpu.memory_space<vmem>>, vector<1x16xf32>,
      %parallel_loop3A_1123 = vector.shape_cast %parallel_loop3A_1122 : vector<1x16xf32> to vector<16xf32>
      %parallel_loop3A_1124 = arith.addf %parallel_loop3A_1123, %get3A_489 : vector<16xf32>
      %parallel_loop3A_1125 = arith.constant 3 : i32
      %parallel_loop3A_1126 = arith.index_cast %parallel_loop3A_1125 : i32 to index
      %parallel_loop3A_1127 = arith.index_cast %parallel_loop3A_1082 : i32 to index
      %parallel_loop3A_1128 = tpu.vector_load %arg10[%parallel_loop3A_1126, %parallel_loop3A_1127] {strides = array<i32>} : memref<4x4096xf32, #tpu.memory_space<vmem>>, vector<1x16xf32>,
      %parallel_loop3A_1129 = vector.shape_cast %parallel_loop3A_1128 : vector<1x16xf32> to vector<16xf32>
      %parallel_loop3A_1130 = vector.shape_cast %parallel_loop3A_1124 : vector<16xf32> to vector<1x16xf32>
      tpu.vector_store %arg10[%parallel_loop3A_1126, %parallel_loop3A_1127], %parallel_loop3A_1130 {strides = array<i32>} : memref<4x4096xf32, #tpu.memory_space<vmem>>, vector<1x16xf32>,
    } {sc.loop_unroll_factor = 8 : i64, sc.parallel_access}
    %add3A_493 = arith.constant 2 : i32
    %add3A_494 = arith.addi %mul3A_2, %add3A_493 : i32
    %jit3A_495 = arith.constant 16 : i32
    %div3A_496 = arith.divsi %add3A_494, %jit3A_495 : i32
    %sign3A_497 = arith.constant 0 : i32
    %sign3A_498 = arith.cmpi sgt, %add3A_494, %sign3A_497 : i32
    %sign3A_499 = arith.extui %sign3A_498 : i1 to i32
    %sign3A_500 = arith.constant 0 : i32
    %sign3A_501 = arith.cmpi slt, %add3A_494, %sign3A_500 : i32
    %sign3A_502 = arith.extui %sign3A_501 : i1 to i32
    %sign3A_503 = arith.subi %sign3A_499, %sign3A_502 : i32
    %sign3A_504 = arith.constant 0 : i32
    %sign3A_505 = arith.cmpi sgt, %jit3A_495, %sign3A_504 : i32
    %sign3A_506 = arith.extui %sign3A_505 : i1 to i32
    %sign3A_507 = arith.constant 0 : i32
    %sign3A_508 = arith.cmpi slt, %jit3A_495, %sign3A_507 : i32
    %sign3A_509 = arith.extui %sign3A_508 : i1 to i32
    %sign3A_510 = arith.subi %sign3A_506, %sign3A_509 : i32
    %ne3A_511 = arith.cmpi ne, %sign3A_503, %sign3A_510 : i32
    %rem3A_512 = arith.remsi %add3A_494, %jit3A_495 : i32
    %ne3A_513 = arith.constant 0 : i32
    %ne3A_514 = arith.cmpi ne, %rem3A_512, %ne3A_513 : i32
    %and3A_515 = arith.andi %ne3A_511, %ne3A_514 : i1
    %sub3A_516 = arith.constant 1 : i32
    %sub3A_517 = arith.subi %div3A_496, %sub3A_516 : i32
    %select_n3A_518 = arith.select %and3A_515, %sub3A_517, %div3A_496 : i32
    %jit3A_519 = arith.constant 16 : i32
    %eq3A_520 = arith.constant 0 : i32
    %eq3A_521 = arith.cmpi eq, %jit3A_519, %eq3A_520 : i32
    %jit3A_522 = arith.constant 1 : i32
    %select_n3A_523 = arith.select %eq3A_521, %jit3A_522, %jit3A_519 : i32
    %rem3A_524 = arith.remsi %add3A_494, %select_n3A_523 : i32
    %ne3A_525 = arith.constant 0 : i32
    %ne3A_526 = arith.cmpi ne, %rem3A_524, %ne3A_525 : i32
    %lt3A_527 = arith.constant 0 : i32
    %lt3A_528 = arith.cmpi slt, %rem3A_524, %lt3A_527 : i32
    %lt3A_529 = arith.constant 0 : i32
    %lt3A_530 = arith.cmpi slt, %select_n3A_523, %lt3A_529 : i32
    %ne3A_531 = arith.xori %lt3A_528, %lt3A_530 : i1
    %and3A_532 = arith.andi %ne3A_531, %ne3A_526 : i1
    %add3A_533 = arith.addi %rem3A_524, %select_n3A_523 : i32
    %select_n3A_534 = arith.select %and3A_532, %add3A_533, %rem3A_524 : i32
    %mul3A_535 = arith.constant 4 : i32
    %mul3A_536 = arith.muli %select_n3A_534, %mul3A_535 : i32
    %dma_start3A_537 = arith.constant 0 : i32
    %dma_start3A_538 = tpu.memref_slice %arg4[%select_n3A_518, %mul3A_536, %dma_start3A_537] : memref<200x64x4096xf32, #tpu.memory_space<hbm>> -> memref<1x4x4096xf32, #tpu.memory_space<hbm>>
    %dma_start3A_539 = tpu.memref_squeeze %dma_start3A_538 : memref<1x4x4096xf32, #tpu.memory_space<hbm>> -> memref<4x4096xf32, #tpu.memory_space<hbm>>
    %dma_start3A_540 = arith.constant 0 : i32
    %dma_start3A_541 = tpu.memref_slice %arg4[%select_n3A_518, %mul3A_536, %dma_start3A_540] : memref<200x64x4096xf32, #tpu.memory_space<hbm>> -> memref<1x4x4096xf32, #tpu.memory_space<hbm>>
    %dma_start3A_542 = tpu.memref_squeeze %dma_start3A_541 : memref<1x4x4096xf32, #tpu.memory_space<hbm>> -> memref<4x4096xf32, #tpu.memory_space<hbm>>
    tpu.enqueue_dma source(%arg10 : memref<4x4096xf32, #tpu.memory_space<vmem>>) target(%dma_start3A_542 : memref<4x4096xf32, #tpu.memory_space<hbm>>) target_semaphore(%arg19 : memref<!tpu.dma_semaphore, #tpu.memory_space<semaphore_mem>>)
    %add3A_543 = arith.constant 5 : i32
    %add3A_544 = arith.addi %mul3A_2, %add3A_543 : i32
    %jit3A_545 = arith.constant 16 : i32
    %div3A_546 = arith.divsi %add3A_544, %jit3A_545 : i32
    %sign3A_547 = arith.constant 0 : i32
    %sign3A_548 = arith.cmpi sgt, %add3A_544, %sign3A_547 : i32
    %sign3A_549 = arith.extui %sign3A_548 : i1 to i32
    %sign3A_550 = arith.constant 0 : i32
    %sign3A_551 = arith.cmpi slt, %add3A_544, %sign3A_550 : i32
    %sign3A_552 = arith.extui %sign3A_551 : i1 to i32
    %sign3A_553 = arith.subi %sign3A_549, %sign3A_552 : i32
    %sign3A_554 = arith.constant 0 : i32
    %sign3A_555 = arith.cmpi sgt, %jit3A_545, %sign3A_554 : i32
    %sign3A_556 = arith.extui %sign3A_555 : i1 to i32
    %sign3A_557 = arith.constant 0 : i32
    %sign3A_558 = arith.cmpi slt, %jit3A_545, %sign3A_557 : i32
    %sign3A_559 = arith.extui %sign3A_558 : i1 to i32
    %sign3A_560 = arith.subi %sign3A_556, %sign3A_559 : i32
    %ne3A_561 = arith.cmpi ne, %sign3A_553, %sign3A_560 : i32
    %rem3A_562 = arith.remsi %add3A_544, %jit3A_545 : i32
    %ne3A_563 = arith.constant 0 : i32
    %ne3A_564 = arith.cmpi ne, %rem3A_562, %ne3A_563 : i32
    %and3A_565 = arith.andi %ne3A_561, %ne3A_564 : i1
    %sub3A_566 = arith.constant 1 : i32
    %sub3A_567 = arith.subi %div3A_546, %sub3A_566 : i32
    %select_n3A_568 = arith.select %and3A_565, %sub3A_567, %div3A_546 : i32
    %jit3A_569 = arith.constant 16 : i32
    %eq3A_570 = arith.constant 0 : i32
    %eq3A_571 = arith.cmpi eq, %jit3A_569, %eq3A_570 : i32
    %jit3A_572 = arith.constant 1 : i32
    %select_n3A_573 = arith.select %eq3A_571, %jit3A_572, %jit3A_569 : i32
    %rem3A_574 = arith.remsi %add3A_544, %select_n3A_573 : i32
    %ne3A_575 = arith.constant 0 : i32
    %ne3A_576 = arith.cmpi ne, %rem3A_574, %ne3A_575 : i32
    %lt3A_577 = arith.constant 0 : i32
    %lt3A_578 = arith.cmpi slt, %rem3A_574, %lt3A_577 : i32
    %lt3A_579 = arith.constant 0 : i32
    %lt3A_580 = arith.cmpi slt, %select_n3A_573, %lt3A_579 : i32
    %ne3A_581 = arith.xori %lt3A_578, %lt3A_580 : i1
    %and3A_582 = arith.andi %ne3A_581, %ne3A_576 : i1
    %add3A_583 = arith.addi %rem3A_574, %select_n3A_573 : i32
    %select_n3A_584 = arith.select %and3A_582, %add3A_583, %rem3A_574 : i32
    %mul3A_585 = arith.constant 4 : i32
    %mul3A_586 = arith.muli %select_n3A_584, %mul3A_585 : i32
    %dma_start3A_587 = arith.constant 0 : i32
    %dma_start3A_588 = tpu.memref_slice %arg2[%select_n3A_568, %mul3A_586, %dma_start3A_587] : memref<200x64x4096xf32, #tpu.memory_space<hbm>> -> memref<1x4x4096xf32, #tpu.memory_space<hbm>>
    %dma_start3A_589 = tpu.memref_squeeze %dma_start3A_588 : memref<1x4x4096xf32, #tpu.memory_space<hbm>> -> memref<4x4096xf32, #tpu.memory_space<hbm>>
    %dma_start3A_590 = arith.constant 0 : i32
    %dma_start3A_591 = tpu.memref_slice %arg2[%select_n3A_568, %mul3A_586, %dma_start3A_590] : memref<200x64x4096xf32, #tpu.memory_space<hbm>> -> memref<1x4x4096xf32, #tpu.memory_space<hbm>>
    %dma_start3A_592 = tpu.memref_squeeze %dma_start3A_591 : memref<1x4x4096xf32, #tpu.memory_space<hbm>> -> memref<4x4096xf32, #tpu.memory_space<hbm>>
    tpu.enqueue_dma source(%dma_start3A_592 : memref<4x4096xf32, #tpu.memory_space<hbm>>) target(%arg7 : memref<4x4096xf32, #tpu.memory_space<vmem>>) target_semaphore(%arg16 : memref<!tpu.dma_semaphore, #tpu.memory_space<semaphore_mem>>)
    %add3A_593 = arith.constant 5 : i32
    %add3A_594 = arith.addi %mul3A_2, %add3A_593 : i32
    %mul3A_595 = arith.constant 4 : i32
    %mul3A_596 = arith.muli %add3A_594, %mul3A_595 : i32
    %dma_start3A_597 = arith.constant 0 : i32
    %dma_start3A_598 = tpu.memref_slice %arg3[%mul3A_596, %dma_start3A_597] : memref<12800x16xf32, #tpu.memory_space<hbm>> -> memref<4x16xf32, #tpu.memory_space<hbm>>
    %dma_start3A_599 = arith.constant 0 : i32
    %dma_start3A_600 = tpu.memref_slice %arg3[%mul3A_596, %dma_start3A_599] : memref<12800x16xf32, #tpu.memory_space<hbm>> -> memref<4x16xf32, #tpu.memory_space<hbm>>
    tpu.enqueue_dma source(%dma_start3A_600 : memref<4x16xf32, #tpu.memory_space<hbm>>) target(%arg13 : memref<4x16xf32, #tpu.memory_space<vmem>>) target_semaphore(%arg22 : memref<!tpu.dma_semaphore, #tpu.memory_space<semaphore_mem>>)
    %scan3A = arith.constant 0 : i32
    %scan3A_601 = arith.constant 1 : i32
    %scan3A_602 = arith.constant 31 : i32
    %scan3A_603 = arith.addi %scan3A_601, %scan3A_602 : i32
    %scan3A_604 = arith.constant 1 : i32
    %scan3A_605 = scf.for %scan3A_1080 = %scan3A_601 to %scan3A_603 step %scan3A_604 iter_args(%scan3A_1081 = %scan3A) -> (i32)  : i32 {
      %mul3A_1082 = arith.constant 3 : i32
      %mul3A_1083 = arith.muli %scan3A_1080, %mul3A_1082 : i32
      %add3A_1084 = arith.constant 0 : i32
      %add3A_1085 = arith.addi %mul3A_1083, %add3A_1084 : i32
      %dma_wait3A_1086 = arith.constant 0 : i32
      %dma_wait3A_1087 = arith.constant 0 : i32
      %dma_wait3A_1088 = arith.constant 0 : i32
      %dma_wait3A_1089 = tpu.memref_slice %arg2[%dma_wait3A_1086, %dma_wait3A_1087, %dma_wait3A_1088] : memref<200x64x4096xf32, #tpu.memory_space<hbm>> -> memref<1x4x4096xf32, #tpu.memory_space<hbm>>
      %dma_wait3A_1090 = tpu.memref_squeeze %dma_wait3A_1089 : memref<1x4x4096xf32, #tpu.memory_space<hbm>> -> memref<4x4096xf32, #tpu.memory_space<hbm>>
      %dma_wait3A_1091 = arith.constant 0 : i32
      %dma_wait3A_1092 = arith.constant 0 : i32
      %dma_wait3A_1093 = tpu.memref_slice %arg2[%dma_wait3A_1086, %dma_wait3A_1091, %dma_wait3A_1092] : memref<200x64x4096xf32, #tpu.memory_space<hbm>> -> memref<1x4x4096xf32, #tpu.memory_space<hbm>>
      %dma_wait3A_1094 = tpu.memref_squeeze %dma_wait3A_1093 : memref<1x4x4096xf32, #tpu.memory_space<hbm>> -> memref<4x4096xf32, #tpu.memory_space<hbm>>
      tpu.wait_dma2 semaphore(%arg14 : memref<!tpu.dma_semaphore, #tpu.memory_space<semaphore_mem>>) src(%dma_wait3A_1094 : memref<4x4096xf32, #tpu.memory_space<hbm>>) dst(%arg5 : memref<4x4096xf32, #tpu.memory_space<vmem>>)
      %dma_wait3A_1095 = arith.constant 0 : i32
      %dma_wait3A_1096 = arith.constant 0 : i32
      %dma_wait3A_1097 = tpu.memref_slice %arg3[%dma_wait3A_1095, %dma_wait3A_1096] : memref<12800x16xf32, #tpu.memory_space<hbm>> -> memref<4x16xf32, #tpu.memory_space<hbm>>
      %dma_wait3A_1098 = arith.constant 0 : i32
      %dma_wait3A_1099 = arith.constant 0 : i32
      %dma_wait3A_1100 = tpu.memref_slice %arg3[%dma_wait3A_1098, %dma_wait3A_1099] : memref<12800x16xf32, #tpu.memory_space<hbm>> -> memref<4x16xf32, #tpu.memory_space<hbm>>
      tpu.wait_dma2 semaphore(%arg20 : memref<!tpu.dma_semaphore, #tpu.memory_space<semaphore_mem>>) src(%dma_wait3A_1100 : memref<4x16xf32, #tpu.memory_space<hbm>>) dst(%arg11 : memref<4x16xf32, #tpu.memory_space<vmem>>)
      %dma_wait3A_1101 = arith.constant 0 : i32
      %dma_wait3A_1102 = arith.constant 0 : i32
      %dma_wait3A_1103 = arith.constant 0 : i32
      %dma_wait3A_1104 = tpu.memref_slice %arg4[%dma_wait3A_1101, %dma_wait3A_1102, %dma_wait3A_1103] : memref<200x64x4096xf32, #tpu.memory_space<hbm>> -> memref<1x4x4096xf32, #tpu.memory_space<hbm>>
      %dma_wait3A_1105 = tpu.memref_squeeze %dma_wait3A_1104 : memref<1x4x4096xf32, #tpu.memory_space<hbm>> -> memref<4x4096xf32, #tpu.memory_space<hbm>>
      %dma_wait3A_1106 = arith.constant 0 : i32
      %dma_wait3A_1107 = arith.constant 0 : i32
      %dma_wait3A_1108 = tpu.memref_slice %arg4[%dma_wait3A_1101, %dma_wait3A_1106, %dma_wait3A_1107] : memref<200x64x4096xf32, #tpu.memory_space<hbm>> -> memref<1x4x4096xf32, #tpu.memory_space<hbm>>
      %dma_wait3A_1109 = tpu.memref_squeeze %dma_wait3A_1108 : memref<1x4x4096xf32, #tpu.memory_space<hbm>> -> memref<4x4096xf32, #tpu.memory_space<hbm>>
      tpu.wait_dma2 semaphore(%arg17 : memref<!tpu.dma_semaphore, #tpu.memory_space<semaphore_mem>>) src(%arg8 : memref<4x4096xf32, #tpu.memory_space<vmem>>) dst(%dma_wait3A_1109 : memref<4x4096xf32, #tpu.memory_space<hbm>>)
      %get3A_1110 = arith.constant 0 : i32
      %get3A_1111 = arith.index_cast %get3A_1110 : i32 to index
      %get3A_1112 = arith.constant 0 : index
      %get3A_1113 = tpu.vector_load %arg11[%get3A_1111, %get3A_1112] {strides = array<i32>} : memref<4x16xf32, #tpu.memory_space<vmem>>, vector<1x16xf32>,
      %get3A_1114 = vector.shape_cast %get3A_1113 : vector<1x16xf32> to vector<16xf32>
      %get3A_1115 = arith.constant 1 : i32
      %get3A_1116 = arith.index_cast %get3A_1115 : i32 to index
      %get3A_1117 = arith.constant 0 : index
      %get3A_1118 = tpu.vector_load %arg11[%get3A_1116, %get3A_1117] {strides = array<i32>} : memref<4x16xf32, #tpu.memory_space<vmem>>, vector<1x16xf32>,
      %get3A_1119 = vector.shape_cast %get3A_1118 : vector<1x16xf32> to vector<16xf32>
      %get3A_1120 = arith.constant 2 : i32
      %get3A_1121 = arith.index_cast %get3A_1120 : i32 to index
      %get3A_1122 = arith.constant 0 : index
      %get3A_1123 = tpu.vector_load %arg11[%get3A_1121, %get3A_1122] {strides = array<i32>} : memref<4x16xf32, #tpu.memory_space<vmem>>, vector<1x16xf32>,
      %get3A_1124 = vector.shape_cast %get3A_1123 : vector<1x16xf32> to vector<16xf32>
      %get3A_1125 = arith.constant 3 : i32
      %get3A_1126 = arith.index_cast %get3A_1125 : i32 to index
      %get3A_1127 = arith.constant 0 : index
      %get3A_1128 = tpu.vector_load %arg11[%get3A_1126, %get3A_1127] {strides = array<i32>} : memref<4x16xf32, #tpu.memory_space<vmem>>, vector<1x16xf32>,
      %get3A_1129 = vector.shape_cast %get3A_1128 : vector<1x16xf32> to vector<16xf32>
      %parallel_loop3A_1130 = arith.constant 0 : i32
      %parallel_loop3A_1131 = arith.constant 256 : i32
      %parallel_loop3A_1132 = arith.constant 1 : i32
      scf.for %parallel_loop3A_1557 = %parallel_loop3A_1130 to %parallel_loop3A_1131 step %parallel_loop3A_1132  : i32 {
        %parallel_loop3A_1558 = arith.constant 16 : i32
        %parallel_loop3A_1559 = arith.muli %parallel_loop3A_1557, %parallel_loop3A_1558 : i32
        %parallel_loop3A_1560 = arith.constant 0 : i32
        %parallel_loop3A_1561 = arith.index_cast %parallel_loop3A_1560 : i32 to index
        %parallel_loop3A_1562 = arith.index_cast %parallel_loop3A_1559 : i32 to index
        %parallel_loop3A_1563 = tpu.vector_load %arg5[%parallel_loop3A_1561, %parallel_loop3A_1562] {strides = array<i32>} : memref<4x4096xf32, #tpu.memory_space<vmem>>, vector<1x16xf32>,
        %parallel_loop3A_1564 = vector.shape_cast %parallel_loop3A_1563 : vector<1x16xf32> to vector<16xf32>
        %parallel_loop3A_1565 = arith.addf %parallel_loop3A_1564, %get3A_1114 : vector<16xf32>
        %parallel_loop3A_1566 = arith.constant 0 : i32
        %parallel_loop3A_1567 = arith.index_cast %parallel_loop3A_1566 : i32 to index
        %parallel_loop3A_1568 = arith.index_cast %parallel_loop3A_1559 : i32 to index
        %parallel_loop3A_1569 = tpu.vector_load %arg8[%parallel_loop3A_1567, %parallel_loop3A_1568] {strides = array<i32>} : memref<4x4096xf32, #tpu.memory_space<vmem>>, vector<1x16xf32>,
        %parallel_loop3A_1570 = vector.shape_cast %parallel_loop3A_1569 : vector<1x16xf32> to vector<16xf32>
        %parallel_loop3A_1571 = vector.shape_cast %parallel_loop3A_1565 : vector<16xf32> to vector<1x16xf32>
        tpu.vector_store %arg8[%parallel_loop3A_1567, %parallel_loop3A_1568], %parallel_loop3A_1571 {strides = array<i32>} : memref<4x4096xf32, #tpu.memory_space<vmem>>, vector<1x16xf32>,
        %parallel_loop3A_1572 = arith.constant 1 : i32
        %parallel_loop3A_1573 = arith.index_cast %parallel_loop3A_1572 : i32 to index
        %parallel_loop3A_1574 = arith.index_cast %parallel_loop3A_1559 : i32 to index
        %parallel_loop3A_1575 = tpu.vector_load %arg5[%parallel_loop3A_1573, %parallel_loop3A_1574] {strides = array<i32>} : memref<4x4096xf32, #tpu.memory_space<vmem>>, vector<1x16xf32>,
        %parallel_loop3A_1576 = vector.shape_cast %parallel_loop3A_1575 : vector<1x16xf32> to vector<16xf32>
        %parallel_loop3A_1577 = arith.addf %parallel_loop3A_1576, %get3A_1119 : vector<16xf32>
        %parallel_loop3A_1578 = arith.constant 1 : i32
        %parallel_loop3A_1579 = arith.index_cast %parallel_loop3A_1578 : i32 to index
        %parallel_loop3A_1580 = arith.index_cast %parallel_loop3A_1559 : i32 to index
        %parallel_loop3A_1581 = tpu.vector_load %arg8[%parallel_loop3A_1579, %parallel_loop3A_1580] {strides = array<i32>} : memref<4x4096xf32, #tpu.memory_space<vmem>>, vector<1x16xf32>,
        %parallel_loop3A_1582 = vector.shape_cast %parallel_loop3A_1581 : vector<1x16xf32> to vector<16xf32>
        %parallel_loop3A_1583 = vector.shape_cast %parallel_loop3A_1577 : vector<16xf32> to vector<1x16xf32>
        tpu.vector_store %arg8[%parallel_loop3A_1579, %parallel_loop3A_1580], %parallel_loop3A_1583 {strides = array<i32>} : memref<4x4096xf32, #tpu.memory_space<vmem>>, vector<1x16xf32>,
        %parallel_loop3A_1584 = arith.constant 2 : i32
        %parallel_loop3A_1585 = arith.index_cast %parallel_loop3A_1584 : i32 to index
        %parallel_loop3A_1586 = arith.index_cast %parallel_loop3A_1559 : i32 to index
        %parallel_loop3A_1587 = tpu.vector_load %arg5[%parallel_loop3A_1585, %parallel_loop3A_1586] {strides = array<i32>} : memref<4x4096xf32, #tpu.memory_space<vmem>>, vector<1x16xf32>,
        %parallel_loop3A_1588 = vector.shape_cast %parallel_loop3A_1587 : vector<1x16xf32> to vector<16xf32>
        %parallel_loop3A_1589 = arith.addf %parallel_loop3A_1588, %get3A_1124 : vector<16xf32>
        %parallel_loop3A_1590 = arith.constant 2 : i32
        %parallel_loop3A_1591 = arith.index_cast %parallel_loop3A_1590 : i32 to index
        %parallel_loop3A_1592 = arith.index_cast %parallel_loop3A_1559 : i32 to index
        %parallel_loop3A_1593 = tpu.vector_load %arg8[%parallel_loop3A_1591, %parallel_loop3A_1592] {strides = array<i32>} : memref<4x4096xf32, #tpu.memory_space<vmem>>, vector<1x16xf32>,
        %parallel_loop3A_1594 = vector.shape_cast %parallel_loop3A_1593 : vector<1x16xf32> to vector<16xf32>
        %parallel_loop3A_1595 = vector.shape_cast %parallel_loop3A_1589 : vector<16xf32> to vector<1x16xf32>
        tpu.vector_store %arg8[%parallel_loop3A_1591, %parallel_loop3A_1592], %parallel_loop3A_1595 {strides = array<i32>} : memref<4x4096xf32, #tpu.memory_space<vmem>>, vector<1x16xf32>,
        %parallel_loop3A_1596 = arith.constant 3 : i32
        %parallel_loop3A_1597 = arith.index_cast %parallel_loop3A_1596 : i32 to index
        %parallel_loop3A_1598 = arith.index_cast %parallel_loop3A_1559 : i32 to index
        %parallel_loop3A_1599 = tpu.vector_load %arg5[%parallel_loop3A_1597, %parallel_loop3A_1598] {strides = array<i32>} : memref<4x4096xf32, #tpu.memory_space<vmem>>, vector<1x16xf32>,
        %parallel_loop3A_1600 = vector.shape_cast %parallel_loop3A_1599 : vector<1x16xf32> to vector<16xf32>
        %parallel_loop3A_1601 = arith.addf %parallel_loop3A_1600, %get3A_1129 : vector<16xf32>
        %parallel_loop3A_1602 = arith.constant 3 : i32
        %parallel_loop3A_1603 = arith.index_cast %parallel_loop3A_1602 : i32 to index
        %parallel_loop3A_1604 = arith.index_cast %parallel_loop3A_1559 : i32 to index
        %parallel_loop3A_1605 = tpu.vector_load %arg8[%parallel_loop3A_1603, %parallel_loop3A_1604] {strides = array<i32>} : memref<4x4096xf32, #tpu.memory_space<vmem>>, vector<1x16xf32>,
        %parallel_loop3A_1606 = vector.shape_cast %parallel_loop3A_1605 : vector<1x16xf32> to vector<16xf32>
        %parallel_loop3A_1607 = vector.shape_cast %parallel_loop3A_1601 : vector<16xf32> to vector<1x16xf32>
        tpu.vector_store %arg8[%parallel_loop3A_1603, %parallel_loop3A_1604], %parallel_loop3A_1607 {strides = array<i32>} : memref<4x4096xf32, #tpu.memory_space<vmem>>, vector<1x16xf32>,
      } {sc.loop_unroll_factor = 8 : i64, sc.parallel_access}
      %add3A_1133 = arith.addi %mul3A_2, %add3A_1085 : i32
      %jit3A_1134 = arith.constant 16 : i32
      %div3A_1135 = arith.divsi %add3A_1133, %jit3A_1134 : i32
      %sign3A_1136 = arith.constant 0 : i32
      %sign3A_1137 = arith.cmpi sgt, %add3A_1133, %sign3A_1136 : i32
      %sign3A_1138 = arith.extui %sign3A_1137 : i1 to i32
      %sign3A_1139 = arith.constant 0 : i32
      %sign3A_1140 = arith.cmpi slt, %add3A_1133, %sign3A_1139 : i32
      %sign3A_1141 = arith.extui %sign3A_1140 : i1 to i32
      %sign3A_1142 = arith.subi %sign3A_1138, %sign3A_1141 : i32
      %sign3A_1143 = arith.constant 0 : i32
      %sign3A_1144 = arith.cmpi sgt, %jit3A_1134, %sign3A_1143 : i32
      %sign3A_1145 = arith.extui %sign3A_1144 : i1 to i32
      %sign3A_1146 = arith.constant 0 : i32
      %sign3A_1147 = arith.cmpi slt, %jit3A_1134, %sign3A_1146 : i32
      %sign3A_1148 = arith.extui %sign3A_1147 : i1 to i32
      %sign3A_1149 = arith.subi %sign3A_1145, %sign3A_1148 : i32
      %ne3A_1150 = arith.cmpi ne, %sign3A_1142, %sign3A_1149 : i32
      %rem3A_1151 = arith.remsi %add3A_1133, %jit3A_1134 : i32
      %ne3A_1152 = arith.constant 0 : i32
      %ne3A_1153 = arith.cmpi ne, %rem3A_1151, %ne3A_1152 : i32
      %and3A_1154 = arith.andi %ne3A_1150, %ne3A_1153 : i1
      %sub3A_1155 = arith.constant 1 : i32
      %sub3A_1156 = arith.subi %div3A_1135, %sub3A_1155 : i32
      %select_n3A_1157 = arith.select %and3A_1154, %sub3A_1156, %div3A_1135 : i32
      %jit3A_1158 = arith.constant 16 : i32
      %eq3A_1159 = arith.constant 0 : i32
      %eq3A_1160 = arith.cmpi eq, %jit3A_1158, %eq3A_1159 : i32
      %jit3A_1161 = arith.constant 1 : i32
      %select_n3A_1162 = arith.select %eq3A_1160, %jit3A_1161, %jit3A_1158 : i32
      %rem3A_1163 = arith.remsi %add3A_1133, %select_n3A_1162 : i32
      %ne3A_1164 = arith.constant 0 : i32
      %ne3A_1165 = arith.cmpi ne, %rem3A_1163, %ne3A_1164 : i32
      %lt3A_1166 = arith.constant 0 : i32
      %lt3A_1167 = arith.cmpi slt, %rem3A_1163, %lt3A_1166 : i32
      %lt3A_1168 = arith.constant 0 : i32
      %lt3A_1169 = arith.cmpi slt, %select_n3A_1162, %lt3A_1168 : i32
      %ne3A_1170 = arith.xori %lt3A_1167, %lt3A_1169 : i1
      %and3A_1171 = arith.andi %ne3A_1170, %ne3A_1165 : i1
      %add3A_1172 = arith.addi %rem3A_1163, %select_n3A_1162 : i32
      %select_n3A_1173 = arith.select %and3A_1171, %add3A_1172, %rem3A_1163 : i32
      %mul3A_1174 = arith.constant 4 : i32
      %mul3A_1175 = arith.muli %select_n3A_1173, %mul3A_1174 : i32
      %dma_start3A_1176 = arith.constant 0 : i32
      %dma_start3A_1177 = tpu.memref_slice %arg4[%select_n3A_1157, %mul3A_1175, %dma_start3A_1176] : memref<200x64x4096xf32, #tpu.memory_space<hbm>> -> memref<1x4x4096xf32, #tpu.memory_space<hbm>>
      %dma_start3A_1178 = tpu.memref_squeeze %dma_start3A_1177 : memref<1x4x4096xf32, #tpu.memory_space<hbm>> -> memref<4x4096xf32, #tpu.memory_space<hbm>>
      %dma_start3A_1179 = arith.constant 0 : i32
      %dma_start3A_1180 = tpu.memref_slice %arg4[%select_n3A_1157, %mul3A_1175, %dma_start3A_1179] : memref<200x64x4096xf32, #tpu.memory_space<hbm>> -> memref<1x4x4096xf32, #tpu.memory_space<hbm>>
      %dma_start3A_1181 = tpu.memref_squeeze %dma_start3A_1180 : memref<1x4x4096xf32, #tpu.memory_space<hbm>> -> memref<4x4096xf32, #tpu.memory_space<hbm>>
      tpu.enqueue_dma source(%arg8 : memref<4x4096xf32, #tpu.memory_space<vmem>>) target(%dma_start3A_1181 : memref<4x4096xf32, #tpu.memory_space<hbm>>) target_semaphore(%arg17 : memref<!tpu.dma_semaphore, #tpu.memory_space<semaphore_mem>>)
      %add3A_1182 = arith.constant 3 : i32
      %add3A_1183 = arith.addi %add3A_1085, %add3A_1182 : i32
      %add3A_1184 = arith.addi %mul3A_2, %add3A_1183 : i32
      %jit3A_1185 = arith.constant 16 : i32
      %div3A_1186 = arith.divsi %add3A_1184, %jit3A_1185 : i32
      %sign3A_1187 = arith.constant 0 : i32
      %sign3A_1188 = arith.cmpi sgt, %add3A_1184, %sign3A_1187 : i32
      %sign3A_1189 = arith.extui %sign3A_1188 : i1 to i32
      %sign3A_1190 = arith.constant 0 : i32
      %sign3A_1191 = arith.cmpi slt, %add3A_1184, %sign3A_1190 : i32
      %sign3A_1192 = arith.extui %sign3A_1191 : i1 to i32
      %sign3A_1193 = arith.subi %sign3A_1189, %sign3A_1192 : i32
      %sign3A_1194 = arith.constant 0 : i32
      %sign3A_1195 = arith.cmpi sgt, %jit3A_1185, %sign3A_1194 : i32
      %sign3A_1196 = arith.extui %sign3A_1195 : i1 to i32
      %sign3A_1197 = arith.constant 0 : i32
      %sign3A_1198 = arith.cmpi slt, %jit3A_1185, %sign3A_1197 : i32
      %sign3A_1199 = arith.extui %sign3A_1198 : i1 to i32
      %sign3A_1200 = arith.subi %sign3A_1196, %sign3A_1199 : i32
      %ne3A_1201 = arith.cmpi ne, %sign3A_1193, %sign3A_1200 : i32
      %rem3A_1202 = arith.remsi %add3A_1184, %jit3A_1185 : i32
      %ne3A_1203 = arith.constant 0 : i32
      %ne3A_1204 = arith.cmpi ne, %rem3A_1202, %ne3A_1203 : i32
      %and3A_1205 = arith.andi %ne3A_1201, %ne3A_1204 : i1
      %sub3A_1206 = arith.constant 1 : i32
      %sub3A_1207 = arith.subi %div3A_1186, %sub3A_1206 : i32
      %select_n3A_1208 = arith.select %and3A_1205, %sub3A_1207, %div3A_1186 : i32
      %jit3A_1209 = arith.constant 16 : i32
      %eq3A_1210 = arith.constant 0 : i32
      %eq3A_1211 = arith.cmpi eq, %jit3A_1209, %eq3A_1210 : i32
      %jit3A_1212 = arith.constant 1 : i32
      %select_n3A_1213 = arith.select %eq3A_1211, %jit3A_1212, %jit3A_1209 : i32
      %rem3A_1214 = arith.remsi %add3A_1184, %select_n3A_1213 : i32
      %ne3A_1215 = arith.constant 0 : i32
      %ne3A_1216 = arith.cmpi ne, %rem3A_1214, %ne3A_1215 : i32
      %lt3A_1217 = arith.constant 0 : i32
      %lt3A_1218 = arith.cmpi slt, %rem3A_1214, %lt3A_1217 : i32
      %lt3A_1219 = arith.constant 0 : i32
      %lt3A_1220 = arith.cmpi slt, %select_n3A_1213, %lt3A_1219 : i32
      %ne3A_1221 = arith.xori %lt3A_1218, %lt3A_1220 : i1
      %and3A_1222 = arith.andi %ne3A_1221, %ne3A_1216 : i1
      %add3A_1223 = arith.addi %rem3A_1214, %select_n3A_1213 : i32
      %select_n3A_1224 = arith.select %and3A_1222, %add3A_1223, %rem3A_1214 : i32
      %mul3A_1225 = arith.constant 4 : i32
      %mul3A_1226 = arith.muli %select_n3A_1224, %mul3A_1225 : i32
      %dma_start3A_1227 = arith.constant 0 : i32
      %dma_start3A_1228 = tpu.memref_slice %arg2[%select_n3A_1208, %mul3A_1226, %dma_start3A_1227] : memref<200x64x4096xf32, #tpu.memory_space<hbm>> -> memref<1x4x4096xf32, #tpu.memory_space<hbm>>
      %dma_start3A_1229 = tpu.memref_squeeze %dma_start3A_1228 : memref<1x4x4096xf32, #tpu.memory_space<hbm>> -> memref<4x4096xf32, #tpu.memory_space<hbm>>
      %dma_start3A_1230 = arith.constant 0 : i32
      %dma_start3A_1231 = tpu.memref_slice %arg2[%select_n3A_1208, %mul3A_1226, %dma_start3A_1230] : memref<200x64x4096xf32, #tpu.memory_space<hbm>> -> memref<1x4x4096xf32, #tpu.memory_space<hbm>>
      %dma_start3A_1232 = tpu.memref_squeeze %dma_start3A_1231 : memref<1x4x4096xf32, #tpu.memory_space<hbm>> -> memref<4x4096xf32, #tpu.memory_space<hbm>>
      tpu.enqueue_dma source(%dma_start3A_1232 : memref<4x4096xf32, #tpu.memory_space<hbm>>) target(%arg5 : memref<4x4096xf32, #tpu.memory_space<vmem>>) target_semaphore(%arg14 : memref<!tpu.dma_semaphore, #tpu.memory_space<semaphore_mem>>)
      %add3A_1233 = arith.addi %mul3A_2, %add3A_1183 : i32
      %mul3A_1234 = arith.constant 4 : i32
      %mul3A_1235 = arith.muli %add3A_1233, %mul3A_1234 : i32
      %dma_start3A_1236 = arith.constant 0 : i32
      %dma_start3A_1237 = tpu.memref_slice %arg3[%mul3A_1235, %dma_start3A_1236] : memref<12800x16xf32, #tpu.memory_space<hbm>> -> memref<4x16xf32, #tpu.memory_space<hbm>>
      %dma_start3A_1238 = arith.constant 0 : i32
      %dma_start3A_1239 = tpu.memref_slice %arg3[%mul3A_1235, %dma_start3A_1238] : memref<12800x16xf32, #tpu.memory_space<hbm>> -> memref<4x16xf32, #tpu.memory_space<hbm>>
      tpu.enqueue_dma source(%dma_start3A_1239 : memref<4x16xf32, #tpu.memory_space<hbm>>) target(%arg11 : memref<4x16xf32, #tpu.memory_space<vmem>>) target_semaphore(%arg20 : memref<!tpu.dma_semaphore, #tpu.memory_space<semaphore_mem>>)
      %mul3A_1240 = arith.constant 3 : i32
      %mul3A_1241 = arith.muli %scan3A_1080, %mul3A_1240 : i32
      %add3A_1242 = arith.constant 1 : i32
      %add3A_1243 = arith.addi %mul3A_1241, %add3A_1242 : i32
      %dma_wait3A_1244 = arith.constant 0 : i32
      %dma_wait3A_1245 = arith.constant 0 : i32
      %dma_wait3A_1246 = arith.constant 0 : i32
      %dma_wait3A_1247 = tpu.memref_slice %arg2[%dma_wait3A_1244, %dma_wait3A_1245, %dma_wait3A_1246] : memref<200x64x4096xf32, #tpu.memory_space<hbm>> -> memref<1x4x4096xf32, #tpu.memory_space<hbm>>
      %dma_wait3A_1248 = tpu.memref_squeeze %dma_wait3A_1247 : memref<1x4x4096xf32, #tpu.memory_space<hbm>> -> memref<4x4096xf32, #tpu.memory_space<hbm>>
      %dma_wait3A_1249 = arith.constant 0 : i32
      %dma_wait3A_1250 = arith.constant 0 : i32
      %dma_wait3A_1251 = tpu.memref_slice %arg2[%dma_wait3A_1244, %dma_wait3A_1249, %dma_wait3A_1250] : memref<200x64x4096xf32, #tpu.memory_space<hbm>> -> memref<1x4x4096xf32, #tpu.memory_space<hbm>>
      %dma_wait3A_1252 = tpu.memref_squeeze %dma_wait3A_1251 : memref<1x4x4096xf32, #tpu.memory_space<hbm>> -> memref<4x4096xf32, #tpu.memory_space<hbm>>
      tpu.wait_dma2 semaphore(%arg15 : memref<!tpu.dma_semaphore, #tpu.memory_space<semaphore_mem>>) src(%dma_wait3A_1252 : memref<4x4096xf32, #tpu.memory_space<hbm>>) dst(%arg6 : memref<4x4096xf32, #tpu.memory_space<vmem>>)
      %dma_wait3A_1253 = arith.constant 0 : i32
      %dma_wait3A_1254 = arith.constant 0 : i32
      %dma_wait3A_1255 = tpu.memref_slice %arg3[%dma_wait3A_1253, %dma_wait3A_1254] : memref<12800x16xf32, #tpu.memory_space<hbm>> -> memref<4x16xf32, #tpu.memory_space<hbm>>
      %dma_wait3A_1256 = arith.constant 0 : i32
      %dma_wait3A_1257 = arith.constant 0 : i32
      %dma_wait3A_1258 = tpu.memref_slice %arg3[%dma_wait3A_1256, %dma_wait3A_1257] : memref<12800x16xf32, #tpu.memory_space<hbm>> -> memref<4x16xf32, #tpu.memory_space<hbm>>
      tpu.wait_dma2 semaphore(%arg21 : memref<!tpu.dma_semaphore, #tpu.memory_space<semaphore_mem>>) src(%dma_wait3A_1258 : memref<4x16xf32, #tpu.memory_space<hbm>>) dst(%arg12 : memref<4x16xf32, #tpu.memory_space<vmem>>)
      %dma_wait3A_1259 = arith.constant 0 : i32
      %dma_wait3A_1260 = arith.constant 0 : i32
      %dma_wait3A_1261 = arith.constant 0 : i32
      %dma_wait3A_1262 = tpu.memref_slice %arg4[%dma_wait3A_1259, %dma_wait3A_1260, %dma_wait3A_1261] : memref<200x64x4096xf32, #tpu.memory_space<hbm>> -> memref<1x4x4096xf32, #tpu.memory_space<hbm>>
      %dma_wait3A_1263 = tpu.memref_squeeze %dma_wait3A_1262 : memref<1x4x4096xf32, #tpu.memory_space<hbm>> -> memref<4x4096xf32, #tpu.memory_space<hbm>>
      %dma_wait3A_1264 = arith.constant 0 : i32
      %dma_wait3A_1265 = arith.constant 0 : i32
      %dma_wait3A_1266 = tpu.memref_slice %arg4[%dma_wait3A_1259, %dma_wait3A_1264, %dma_wait3A_1265] : memref<200x64x4096xf32, #tpu.memory_space<hbm>> -> memref<1x4x4096xf32, #tpu.memory_space<hbm>>
      %dma_wait3A_1267 = tpu.memref_squeeze %dma_wait3A_1266 : memref<1x4x4096xf32, #tpu.memory_space<hbm>> -> memref<4x4096xf32, #tpu.memory_space<hbm>>
      tpu.wait_dma2 semaphore(%arg18 : memref<!tpu.dma_semaphore, #tpu.memory_space<semaphore_mem>>) src(%arg9 : memref<4x4096xf32, #tpu.memory_space<vmem>>) dst(%dma_wait3A_1267 : memref<4x4096xf32, #tpu.memory_space<hbm>>)
      %get3A_1268 = arith.constant 0 : i32
      %get3A_1269 = arith.index_cast %get3A_1268 : i32 to index
      %get3A_1270 = arith.constant 0 : index
      %get3A_1271 = tpu.vector_load %arg12[%get3A_1269, %get3A_1270] {strides = array<i32>} : memref<4x16xf32, #tpu.memory_space<vmem>>, vector<1x16xf32>,
      %get3A_1272 = vector.shape_cast %get3A_1271 : vector<1x16xf32> to vector<16xf32>
      %get3A_1273 = arith.constant 1 : i32
      %get3A_1274 = arith.index_cast %get3A_1273 : i32 to index
      %get3A_1275 = arith.constant 0 : index
      %get3A_1276 = tpu.vector_load %arg12[%get3A_1274, %get3A_1275] {strides = array<i32>} : memref<4x16xf32, #tpu.memory_space<vmem>>, vector<1x16xf32>,
      %get3A_1277 = vector.shape_cast %get3A_1276 : vector<1x16xf32> to vector<16xf32>
      %get3A_1278 = arith.constant 2 : i32
      %get3A_1279 = arith.index_cast %get3A_1278 : i32 to index
      %get3A_1280 = arith.constant 0 : index
      %get3A_1281 = tpu.vector_load %arg12[%get3A_1279, %get3A_1280] {strides = array<i32>} : memref<4x16xf32, #tpu.memory_space<vmem>>, vector<1x16xf32>,
      %get3A_1282 = vector.shape_cast %get3A_1281 : vector<1x16xf32> to vector<16xf32>
      %get3A_1283 = arith.constant 3 : i32
      %get3A_1284 = arith.index_cast %get3A_1283 : i32 to index
      %get3A_1285 = arith.constant 0 : index
      %get3A_1286 = tpu.vector_load %arg12[%get3A_1284, %get3A_1285] {strides = array<i32>} : memref<4x16xf32, #tpu.memory_space<vmem>>, vector<1x16xf32>,
      %get3A_1287 = vector.shape_cast %get3A_1286 : vector<1x16xf32> to vector<16xf32>
      %parallel_loop3A_1288 = arith.constant 0 : i32
      %parallel_loop3A_1289 = arith.constant 256 : i32
      %parallel_loop3A_1290 = arith.constant 1 : i32
      scf.for %parallel_loop3A_1557 = %parallel_loop3A_1288 to %parallel_loop3A_1289 step %parallel_loop3A_1290  : i32 {
        %parallel_loop3A_1558 = arith.constant 16 : i32
        %parallel_loop3A_1559 = arith.muli %parallel_loop3A_1557, %parallel_loop3A_1558 : i32
        %parallel_loop3A_1560 = arith.constant 0 : i32
        %parallel_loop3A_1561 = arith.index_cast %parallel_loop3A_1560 : i32 to index
        %parallel_loop3A_1562 = arith.index_cast %parallel_loop3A_1559 : i32 to index
        %parallel_loop3A_1563 = tpu.vector_load %arg6[%parallel_loop3A_1561, %parallel_loop3A_1562] {strides = array<i32>} : memref<4x4096xf32, #tpu.memory_space<vmem>>, vector<1x16xf32>,
        %parallel_loop3A_1564 = vector.shape_cast %parallel_loop3A_1563 : vector<1x16xf32> to vector<16xf32>
        %parallel_loop3A_1565 = arith.addf %parallel_loop3A_1564, %get3A_1272 : vector<16xf32>
        %parallel_loop3A_1566 = arith.constant 0 : i32
        %parallel_loop3A_1567 = arith.index_cast %parallel_loop3A_1566 : i32 to index
        %parallel_loop3A_1568 = arith.index_cast %parallel_loop3A_1559 : i32 to index
        %parallel_loop3A_1569 = tpu.vector_load %arg9[%parallel_loop3A_1567, %parallel_loop3A_1568] {strides = array<i32>} : memref<4x4096xf32, #tpu.memory_space<vmem>>, vector<1x16xf32>,
        %parallel_loop3A_1570 = vector.shape_cast %parallel_loop3A_1569 : vector<1x16xf32> to vector<16xf32>
        %parallel_loop3A_1571 = vector.shape_cast %parallel_loop3A_1565 : vector<16xf32> to vector<1x16xf32>
        tpu.vector_store %arg9[%parallel_loop3A_1567, %parallel_loop3A_1568], %parallel_loop3A_1571 {strides = array<i32>} : memref<4x4096xf32, #tpu.memory_space<vmem>>, vector<1x16xf32>,
        %parallel_loop3A_1572 = arith.constant 1 : i32
        %parallel_loop3A_1573 = arith.index_cast %parallel_loop3A_1572 : i32 to index
        %parallel_loop3A_1574 = arith.index_cast %parallel_loop3A_1559 : i32 to index
        %parallel_loop3A_1575 = tpu.vector_load %arg6[%parallel_loop3A_1573, %parallel_loop3A_1574] {strides = array<i32>} : memref<4x4096xf32, #tpu.memory_space<vmem>>, vector<1x16xf32>,
        %parallel_loop3A_1576 = vector.shape_cast %parallel_loop3A_1575 : vector<1x16xf32> to vector<16xf32>
        %parallel_loop3A_1577 = arith.addf %parallel_loop3A_1576, %get3A_1277 : vector<16xf32>
        %parallel_loop3A_1578 = arith.constant 1 : i32
        %parallel_loop3A_1579 = arith.index_cast %parallel_loop3A_1578 : i32 to index
        %parallel_loop3A_1580 = arith.index_cast %parallel_loop3A_1559 : i32 to index
        %parallel_loop3A_1581 = tpu.vector_load %arg9[%parallel_loop3A_1579, %parallel_loop3A_1580] {strides = array<i32>} : memref<4x4096xf32, #tpu.memory_space<vmem>>, vector<1x16xf32>,
        %parallel_loop3A_1582 = vector.shape_cast %parallel_loop3A_1581 : vector<1x16xf32> to vector<16xf32>
        %parallel_loop3A_1583 = vector.shape_cast %parallel_loop3A_1577 : vector<16xf32> to vector<1x16xf32>
        tpu.vector_store %arg9[%parallel_loop3A_1579, %parallel_loop3A_1580], %parallel_loop3A_1583 {strides = array<i32>} : memref<4x4096xf32, #tpu.memory_space<vmem>>, vector<1x16xf32>,
        %parallel_loop3A_1584 = arith.constant 2 : i32
        %parallel_loop3A_1585 = arith.index_cast %parallel_loop3A_1584 : i32 to index
        %parallel_loop3A_1586 = arith.index_cast %parallel_loop3A_1559 : i32 to index
        %parallel_loop3A_1587 = tpu.vector_load %arg6[%parallel_loop3A_1585, %parallel_loop3A_1586] {strides = array<i32>} : memref<4x4096xf32, #tpu.memory_space<vmem>>, vector<1x16xf32>,
        %parallel_loop3A_1588 = vector.shape_cast %parallel_loop3A_1587 : vector<1x16xf32> to vector<16xf32>
        %parallel_loop3A_1589 = arith.addf %parallel_loop3A_1588, %get3A_1282 : vector<16xf32>
        %parallel_loop3A_1590 = arith.constant 2 : i32
        %parallel_loop3A_1591 = arith.index_cast %parallel_loop3A_1590 : i32 to index
        %parallel_loop3A_1592 = arith.index_cast %parallel_loop3A_1559 : i32 to index
        %parallel_loop3A_1593 = tpu.vector_load %arg9[%parallel_loop3A_1591, %parallel_loop3A_1592] {strides = array<i32>} : memref<4x4096xf32, #tpu.memory_space<vmem>>, vector<1x16xf32>,
        %parallel_loop3A_1594 = vector.shape_cast %parallel_loop3A_1593 : vector<1x16xf32> to vector<16xf32>
        %parallel_loop3A_1595 = vector.shape_cast %parallel_loop3A_1589 : vector<16xf32> to vector<1x16xf32>
        tpu.vector_store %arg9[%parallel_loop3A_1591, %parallel_loop3A_1592], %parallel_loop3A_1595 {strides = array<i32>} : memref<4x4096xf32, #tpu.memory_space<vmem>>, vector<1x16xf32>,
        %parallel_loop3A_1596 = arith.constant 3 : i32
        %parallel_loop3A_1597 = arith.index_cast %parallel_loop3A_1596 : i32 to index
        %parallel_loop3A_1598 = arith.index_cast %parallel_loop3A_1559 : i32 to index
        %parallel_loop3A_1599 = tpu.vector_load %arg6[%parallel_loop3A_1597, %parallel_loop3A_1598] {strides = array<i32>} : memref<4x4096xf32, #tpu.memory_space<vmem>>, vector<1x16xf32>,
        %parallel_loop3A_1600 = vector.shape_cast %parallel_loop3A_1599 : vector<1x16xf32> to vector<16xf32>
        %parallel_loop3A_1601 = arith.addf %parallel_loop3A_1600, %get3A_1287 : vector<16xf32>
        %parallel_loop3A_1602 = arith.constant 3 : i32
        %parallel_loop3A_1603 = arith.index_cast %parallel_loop3A_1602 : i32 to index
        %parallel_loop3A_1604 = arith.index_cast %parallel_loop3A_1559 : i32 to index
        %parallel_loop3A_1605 = tpu.vector_load %arg9[%parallel_loop3A_1603, %parallel_loop3A_1604] {strides = array<i32>} : memref<4x4096xf32, #tpu.memory_space<vmem>>, vector<1x16xf32>,
        %parallel_loop3A_1606 = vector.shape_cast %parallel_loop3A_1605 : vector<1x16xf32> to vector<16xf32>
        %parallel_loop3A_1607 = vector.shape_cast %parallel_loop3A_1601 : vector<16xf32> to vector<1x16xf32>
        tpu.vector_store %arg9[%parallel_loop3A_1603, %parallel_loop3A_1604], %parallel_loop3A_1607 {strides = array<i32>} : memref<4x4096xf32, #tpu.memory_space<vmem>>, vector<1x16xf32>,
      } {sc.loop_unroll_factor = 8 : i64, sc.parallel_access}
      %add3A_1291 = arith.addi %mul3A_2, %add3A_1243 : i32
      %jit3A_1292 = arith.constant 16 : i32
      %div3A_1293 = arith.divsi %add3A_1291, %jit3A_1292 : i32
      %sign3A_1294 = arith.constant 0 : i32
      %sign3A_1295 = arith.cmpi sgt, %add3A_1291, %sign3A_1294 : i32
      %sign3A_1296 = arith.extui %sign3A_1295 : i1 to i32
      %sign3A_1297 = arith.constant 0 : i32
      %sign3A_1298 = arith.cmpi slt, %add3A_1291, %sign3A_1297 : i32
      %sign3A_1299 = arith.extui %sign3A_1298 : i1 to i32
      %sign3A_1300 = arith.subi %sign3A_1296, %sign3A_1299 : i32
      %sign3A_1301 = arith.constant 0 : i32
      %sign3A_1302 = arith.cmpi sgt, %jit3A_1292, %sign3A_1301 : i32
      %sign3A_1303 = arith.extui %sign3A_1302 : i1 to i32
      %sign3A_1304 = arith.constant 0 : i32
      %sign3A_1305 = arith.cmpi slt, %jit3A_1292, %sign3A_1304 : i32
      %sign3A_1306 = arith.extui %sign3A_1305 : i1 to i32
      %sign3A_1307 = arith.subi %sign3A_1303, %sign3A_1306 : i32
      %ne3A_1308 = arith.cmpi ne, %sign3A_1300, %sign3A_1307 : i32
      %rem3A_1309 = arith.remsi %add3A_1291, %jit3A_1292 : i32
      %ne3A_1310 = arith.constant 0 : i32
      %ne3A_1311 = arith.cmpi ne, %rem3A_1309, %ne3A_1310 : i32
      %and3A_1312 = arith.andi %ne3A_1308, %ne3A_1311 : i1
      %sub3A_1313 = arith.constant 1 : i32
      %sub3A_1314 = arith.subi %div3A_1293, %sub3A_1313 : i32
      %select_n3A_1315 = arith.select %and3A_1312, %sub3A_1314, %div3A_1293 : i32
      %jit3A_1316 = arith.constant 16 : i32
      %eq3A_1317 = arith.constant 0 : i32
      %eq3A_1318 = arith.cmpi eq, %jit3A_1316, %eq3A_1317 : i32
      %jit3A_1319 = arith.constant 1 : i32
      %select_n3A_1320 = arith.select %eq3A_1318, %jit3A_1319, %jit3A_1316 : i32
      %rem3A_1321 = arith.remsi %add3A_1291, %select_n3A_1320 : i32
      %ne3A_1322 = arith.constant 0 : i32
      %ne3A_1323 = arith.cmpi ne, %rem3A_1321, %ne3A_1322 : i32
      %lt3A_1324 = arith.constant 0 : i32
      %lt3A_1325 = arith.cmpi slt, %rem3A_1321, %lt3A_1324 : i32
      %lt3A_1326 = arith.constant 0 : i32
      %lt3A_1327 = arith.cmpi slt, %select_n3A_1320, %lt3A_1326 : i32
      %ne3A_1328 = arith.xori %lt3A_1325, %lt3A_1327 : i1
      %and3A_1329 = arith.andi %ne3A_1328, %ne3A_1323 : i1
      %add3A_1330 = arith.addi %rem3A_1321, %select_n3A_1320 : i32
      %select_n3A_1331 = arith.select %and3A_1329, %add3A_1330, %rem3A_1321 : i32
      %mul3A_1332 = arith.constant 4 : i32
      %mul3A_1333 = arith.muli %select_n3A_1331, %mul3A_1332 : i32
      %dma_start3A_1334 = arith.constant 0 : i32
      %dma_start3A_1335 = tpu.memref_slice %arg4[%select_n3A_1315, %mul3A_1333, %dma_start3A_1334] : memref<200x64x4096xf32, #tpu.memory_space<hbm>> -> memref<1x4x4096xf32, #tpu.memory_space<hbm>>
      %dma_start3A_1336 = tpu.memref_squeeze %dma_start3A_1335 : memref<1x4x4096xf32, #tpu.memory_space<hbm>> -> memref<4x4096xf32, #tpu.memory_space<hbm>>
      %dma_start3A_1337 = arith.constant 0 : i32
      %dma_start3A_1338 = tpu.memref_slice %arg4[%select_n3A_1315, %mul3A_1333, %dma_start3A_1337] : memref<200x64x4096xf32, #tpu.memory_space<hbm>> -> memref<1x4x4096xf32, #tpu.memory_space<hbm>>
      %dma_start3A_1339 = tpu.memref_squeeze %dma_start3A_1338 : memref<1x4x4096xf32, #tpu.memory_space<hbm>> -> memref<4x4096xf32, #tpu.memory_space<hbm>>
      tpu.enqueue_dma source(%arg9 : memref<4x4096xf32, #tpu.memory_space<vmem>>) target(%dma_start3A_1339 : memref<4x4096xf32, #tpu.memory_space<hbm>>) target_semaphore(%arg18 : memref<!tpu.dma_semaphore, #tpu.memory_space<semaphore_mem>>)
      %add3A_1340 = arith.constant 3 : i32
      %add3A_1341 = arith.addi %add3A_1243, %add3A_1340 : i32
      %add3A_1342 = arith.addi %mul3A_2, %add3A_1341 : i32
      %jit3A_1343 = arith.constant 16 : i32
      %div3A_1344 = arith.divsi %add3A_1342, %jit3A_1343 : i32
      %sign3A_1345 = arith.constant 0 : i32
      %sign3A_1346 = arith.cmpi sgt, %add3A_1342, %sign3A_1345 : i32
      %sign3A_1347 = arith.extui %sign3A_1346 : i1 to i32
      %sign3A_1348 = arith.constant 0 : i32
      %sign3A_1349 = arith.cmpi slt, %add3A_1342, %sign3A_1348 : i32
      %sign3A_1350 = arith.extui %sign3A_1349 : i1 to i32
      %sign3A_1351 = arith.subi %sign3A_1347, %sign3A_1350 : i32
      %sign3A_1352 = arith.constant 0 : i32
      %sign3A_1353 = arith.cmpi sgt, %jit3A_1343, %sign3A_1352 : i32
      %sign3A_1354 = arith.extui %sign3A_1353 : i1 to i32
      %sign3A_1355 = arith.constant 0 : i32
      %sign3A_1356 = arith.cmpi slt, %jit3A_1343, %sign3A_1355 : i32
      %sign3A_1357 = arith.extui %sign3A_1356 : i1 to i32
      %sign3A_1358 = arith.subi %sign3A_1354, %sign3A_1357 : i32
      %ne3A_1359 = arith.cmpi ne, %sign3A_1351, %sign3A_1358 : i32
      %rem3A_1360 = arith.remsi %add3A_1342, %jit3A_1343 : i32
      %ne3A_1361 = arith.constant 0 : i32
      %ne3A_1362 = arith.cmpi ne, %rem3A_1360, %ne3A_1361 : i32
      %and3A_1363 = arith.andi %ne3A_1359, %ne3A_1362 : i1
      %sub3A_1364 = arith.constant 1 : i32
      %sub3A_1365 = arith.subi %div3A_1344, %sub3A_1364 : i32
      %select_n3A_1366 = arith.select %and3A_1363, %sub3A_1365, %div3A_1344 : i32
      %jit3A_1367 = arith.constant 16 : i32
      %eq3A_1368 = arith.constant 0 : i32
      %eq3A_1369 = arith.cmpi eq, %jit3A_1367, %eq3A_1368 : i32
      %jit3A_1370 = arith.constant 1 : i32
      %select_n3A_1371 = arith.select %eq3A_1369, %jit3A_1370, %jit3A_1367 : i32
      %rem3A_1372 = arith.remsi %add3A_1342, %select_n3A_1371 : i32
      %ne3A_1373 = arith.constant 0 : i32
      %ne3A_1374 = arith.cmpi ne, %rem3A_1372, %ne3A_1373 : i32
      %lt3A_1375 = arith.constant 0 : i32
      %lt3A_1376 = arith.cmpi slt, %rem3A_1372, %lt3A_1375 : i32
      %lt3A_1377 = arith.constant 0 : i32
      %lt3A_1378 = arith.cmpi slt, %select_n3A_1371, %lt3A_1377 : i32
      %ne3A_1379 = arith.xori %lt3A_1376, %lt3A_1378 : i1
      %and3A_1380 = arith.andi %ne3A_1379, %ne3A_1374 : i1
      %add3A_1381 = arith.addi %rem3A_1372, %select_n3A_1371 : i32
      %select_n3A_1382 = arith.select %and3A_1380, %add3A_1381, %rem3A_1372 : i32
      %mul3A_1383 = arith.constant 4 : i32
      %mul3A_1384 = arith.muli %select_n3A_1382, %mul3A_1383 : i32
      %dma_start3A_1385 = arith.constant 0 : i32
      %dma_start3A_1386 = tpu.memref_slice %arg2[%select_n3A_1366, %mul3A_1384, %dma_start3A_1385] : memref<200x64x4096xf32, #tpu.memory_space<hbm>> -> memref<1x4x4096xf32, #tpu.memory_space<hbm>>
      %dma_start3A_1387 = tpu.memref_squeeze %dma_start3A_1386 : memref<1x4x4096xf32, #tpu.memory_space<hbm>> -> memref<4x4096xf32, #tpu.memory_space<hbm>>
      %dma_start3A_1388 = arith.constant 0 : i32
      %dma_start3A_1389 = tpu.memref_slice %arg2[%select_n3A_1366, %mul3A_1384, %dma_start3A_1388] : memref<200x64x4096xf32, #tpu.memory_space<hbm>> -> memref<1x4x4096xf32, #tpu.memory_space<hbm>>
      %dma_start3A_1390 = tpu.memref_squeeze %dma_start3A_1389 : memref<1x4x4096xf32, #tpu.memory_space<hbm>> -> memref<4x4096xf32, #tpu.memory_space<hbm>>
      tpu.enqueue_dma source(%dma_start3A_1390 : memref<4x4096xf32, #tpu.memory_space<hbm>>) target(%arg6 : memref<4x4096xf32, #tpu.memory_space<vmem>>) target_semaphore(%arg15 : memref<!tpu.dma_semaphore, #tpu.memory_space<semaphore_mem>>)
      %add3A_1391 = arith.addi %mul3A_2, %add3A_1341 : i32
      %mul3A_1392 = arith.constant 4 : i32
      %mul3A_1393 = arith.muli %add3A_1391, %mul3A_1392 : i32
      %dma_start3A_1394 = arith.constant 0 : i32
      %dma_start3A_1395 = tpu.memref_slice %arg3[%mul3A_1393, %dma_start3A_1394] : memref<12800x16xf32, #tpu.memory_space<hbm>> -> memref<4x16xf32, #tpu.memory_space<hbm>>
      %dma_start3A_1396 = arith.constant 0 : i32
      %dma_start3A_1397 = tpu.memref_slice %arg3[%mul3A_1393, %dma_start3A_1396] : memref<12800x16xf32, #tpu.memory_space<hbm>> -> memref<4x16xf32, #tpu.memory_space<hbm>>
      tpu.enqueue_dma source(%dma_start3A_1397 : memref<4x16xf32, #tpu.memory_space<hbm>>) target(%arg12 : memref<4x16xf32, #tpu.memory_space<vmem>>) target_semaphore(%arg21 : memref<!tpu.dma_semaphore, #tpu.memory_space<semaphore_mem>>)
      %mul3A_1398 = arith.constant 3 : i32
      %mul3A_1399 = arith.muli %scan3A_1080, %mul3A_1398 : i32
      %add3A_1400 = arith.constant 2 : i32
      %add3A_1401 = arith.addi %mul3A_1399, %add3A_1400 : i32
      %dma_wait3A_1402 = arith.constant 0 : i32
      %dma_wait3A_1403 = arith.constant 0 : i32
      %dma_wait3A_1404 = arith.constant 0 : i32
      %dma_wait3A_1405 = tpu.memref_slice %arg2[%dma_wait3A_1402, %dma_wait3A_1403, %dma_wait3A_1404] : memref<200x64x4096xf32, #tpu.memory_space<hbm>> -> memref<1x4x4096xf32, #tpu.memory_space<hbm>>
      %dma_wait3A_1406 = tpu.memref_squeeze %dma_wait3A_1405 : memref<1x4x4096xf32, #tpu.memory_space<hbm>> -> memref<4x4096xf32, #tpu.memory_space<hbm>>
      %dma_wait3A_1407 = arith.constant 0 : i32
      %dma_wait3A_1408 = arith.constant 0 : i32
      %dma_wait3A_1409 = tpu.memref_slice %arg2[%dma_wait3A_1402, %dma_wait3A_1407, %dma_wait3A_1408] : memref<200x64x4096xf32, #tpu.memory_space<hbm>> -> memref<1x4x4096xf32, #tpu.memory_space<hbm>>
      %dma_wait3A_1410 = tpu.memref_squeeze %dma_wait3A_1409 : memref<1x4x4096xf32, #tpu.memory_space<hbm>> -> memref<4x4096xf32, #tpu.memory_space<hbm>>
      tpu.wait_dma2 semaphore(%arg16 : memref<!tpu.dma_semaphore, #tpu.memory_space<semaphore_mem>>) src(%dma_wait3A_1410 : memref<4x4096xf32, #tpu.memory_space<hbm>>) dst(%arg7 : memref<4x4096xf32, #tpu.memory_space<vmem>>)
      %dma_wait3A_1411 = arith.constant 0 : i32
      %dma_wait3A_1412 = arith.constant 0 : i32
      %dma_wait3A_1413 = tpu.memref_slice %arg3[%dma_wait3A_1411, %dma_wait3A_1412] : memref<12800x16xf32, #tpu.memory_space<hbm>> -> memref<4x16xf32, #tpu.memory_space<hbm>>
      %dma_wait3A_1414 = arith.constant 0 : i32
      %dma_wait3A_1415 = arith.constant 0 : i32
      %dma_wait3A_1416 = tpu.memref_slice %arg3[%dma_wait3A_1414, %dma_wait3A_1415] : memref<12800x16xf32, #tpu.memory_space<hbm>> -> memref<4x16xf32, #tpu.memory_space<hbm>>
      tpu.wait_dma2 semaphore(%arg22 : memref<!tpu.dma_semaphore, #tpu.memory_space<semaphore_mem>>) src(%dma_wait3A_1416 : memref<4x16xf32, #tpu.memory_space<hbm>>) dst(%arg13 : memref<4x16xf32, #tpu.memory_space<vmem>>)
      %dma_wait3A_1417 = arith.constant 0 : i32
      %dma_wait3A_1418 = arith.constant 0 : i32
      %dma_wait3A_1419 = arith.constant 0 : i32
      %dma_wait3A_1420 = tpu.memref_slice %arg4[%dma_wait3A_1417, %dma_wait3A_1418, %dma_wait3A_1419] : memref<200x64x4096xf32, #tpu.memory_space<hbm>> -> memref<1x4x4096xf32, #tpu.memory_space<hbm>>
      %dma_wait3A_1421 = tpu.memref_squeeze %dma_wait3A_1420 : memref<1x4x4096xf32, #tpu.memory_space<hbm>> -> memref<4x4096xf32, #tpu.memory_space<hbm>>
      %dma_wait3A_1422 = arith.constant 0 : i32
      %dma_wait3A_1423 = arith.constant 0 : i32
      %dma_wait3A_1424 = tpu.memref_slice %arg4[%dma_wait3A_1417, %dma_wait3A_1422, %dma_wait3A_1423] : memref<200x64x4096xf32, #tpu.memory_space<hbm>> -> memref<1x4x4096xf32, #tpu.memory_space<hbm>>
      %dma_wait3A_1425 = tpu.memref_squeeze %dma_wait3A_1424 : memref<1x4x4096xf32, #tpu.memory_space<hbm>> -> memref<4x4096xf32, #tpu.memory_space<hbm>>
      tpu.wait_dma2 semaphore(%arg19 : memref<!tpu.dma_semaphore, #tpu.memory_space<semaphore_mem>>) src(%arg10 : memref<4x4096xf32, #tpu.memory_space<vmem>>) dst(%dma_wait3A_1425 : memref<4x4096xf32, #tpu.memory_space<hbm>>)
      %get3A_1426 = arith.constant 0 : i32
      %get3A_1427 = arith.index_cast %get3A_1426 : i32 to index
      %get3A_1428 = arith.constant 0 : index
      %get3A_1429 = tpu.vector_load %arg13[%get3A_1427, %get3A_1428] {strides = array<i32>} : memref<4x16xf32, #tpu.memory_space<vmem>>, vector<1x16xf32>,
      %get3A_1430 = vector.shape_cast %get3A_1429 : vector<1x16xf32> to vector<16xf32>
      %get3A_1431 = arith.constant 1 : i32
      %get3A_1432 = arith.index_cast %get3A_1431 : i32 to index
      %get3A_1433 = arith.constant 0 : index
      %get3A_1434 = tpu.vector_load %arg13[%get3A_1432, %get3A_1433] {strides = array<i32>} : memref<4x16xf32, #tpu.memory_space<vmem>>, vector<1x16xf32>,
      %get3A_1435 = vector.shape_cast %get3A_1434 : vector<1x16xf32> to vector<16xf32>
      %get3A_1436 = arith.constant 2 : i32
      %get3A_1437 = arith.index_cast %get3A_1436 : i32 to index
      %get3A_1438 = arith.constant 0 : index
      %get3A_1439 = tpu.vector_load %arg13[%get3A_1437, %get3A_1438] {strides = array<i32>} : memref<4x16xf32, #tpu.memory_space<vmem>>, vector<1x16xf32>,
      %get3A_1440 = vector.shape_cast %get3A_1439 : vector<1x16xf32> to vector<16xf32>
      %get3A_1441 = arith.constant 3 : i32
      %get3A_1442 = arith.index_cast %get3A_1441 : i32 to index
      %get3A_1443 = arith.constant 0 : index
      %get3A_1444 = tpu.vector_load %arg13[%get3A_1442, %get3A_1443] {strides = array<i32>} : memref<4x16xf32, #tpu.memory_space<vmem>>, vector<1x16xf32>,
      %get3A_1445 = vector.shape_cast %get3A_1444 : vector<1x16xf32> to vector<16xf32>
      %parallel_loop3A_1446 = arith.constant 0 : i32
      %parallel_loop3A_1447 = arith.constant 256 : i32
      %parallel_loop3A_1448 = arith.constant 1 : i32
      scf.for %parallel_loop3A_1557 = %parallel_loop3A_1446 to %parallel_loop3A_1447 step %parallel_loop3A_1448  : i32 {
        %parallel_loop3A_1558 = arith.constant 16 : i32
        %parallel_loop3A_1559 = arith.muli %parallel_loop3A_1557, %parallel_loop3A_1558 : i32
        %parallel_loop3A_1560 = arith.constant 0 : i32
        %parallel_loop3A_1561 = arith.index_cast %parallel_loop3A_1560 : i32 to index
        %parallel_loop3A_1562 = arith.index_cast %parallel_loop3A_1559 : i32 to index
        %parallel_loop3A_1563 = tpu.vector_load %arg7[%parallel_loop3A_1561, %parallel_loop3A_1562] {strides = array<i32>} : memref<4x4096xf32, #tpu.memory_space<vmem>>, vector<1x16xf32>,
        %parallel_loop3A_1564 = vector.shape_cast %parallel_loop3A_1563 : vector<1x16xf32> to vector<16xf32>
        %parallel_loop3A_1565 = arith.addf %parallel_loop3A_1564, %get3A_1430 : vector<16xf32>
        %parallel_loop3A_1566 = arith.constant 0 : i32
        %parallel_loop3A_1567 = arith.index_cast %parallel_loop3A_1566 : i32 to index
        %parallel_loop3A_1568 = arith.index_cast %parallel_loop3A_1559 : i32 to index
        %parallel_loop3A_1569 = tpu.vector_load %arg10[%parallel_loop3A_1567, %parallel_loop3A_1568] {strides = array<i32>} : memref<4x4096xf32, #tpu.memory_space<vmem>>, vector<1x16xf32>,
        %parallel_loop3A_1570 = vector.shape_cast %parallel_loop3A_1569 : vector<1x16xf32> to vector<16xf32>
        %parallel_loop3A_1571 = vector.shape_cast %parallel_loop3A_1565 : vector<16xf32> to vector<1x16xf32>
        tpu.vector_store %arg10[%parallel_loop3A_1567, %parallel_loop3A_1568], %parallel_loop3A_1571 {strides = array<i32>} : memref<4x4096xf32, #tpu.memory_space<vmem>>, vector<1x16xf32>,
        %parallel_loop3A_1572 = arith.constant 1 : i32
        %parallel_loop3A_1573 = arith.index_cast %parallel_loop3A_1572 : i32 to index
        %parallel_loop3A_1574 = arith.index_cast %parallel_loop3A_1559 : i32 to index
        %parallel_loop3A_1575 = tpu.vector_load %arg7[%parallel_loop3A_1573, %parallel_loop3A_1574] {strides = array<i32>} : memref<4x4096xf32, #tpu.memory_space<vmem>>, vector<1x16xf32>,
        %parallel_loop3A_1576 = vector.shape_cast %parallel_loop3A_1575 : vector<1x16xf32> to vector<16xf32>
        %parallel_loop3A_1577 = arith.addf %parallel_loop3A_1576, %get3A_1435 : vector<16xf32>
        %parallel_loop3A_1578 = arith.constant 1 : i32
        %parallel_loop3A_1579 = arith.index_cast %parallel_loop3A_1578 : i32 to index
        %parallel_loop3A_1580 = arith.index_cast %parallel_loop3A_1559 : i32 to index
        %parallel_loop3A_1581 = tpu.vector_load %arg10[%parallel_loop3A_1579, %parallel_loop3A_1580] {strides = array<i32>} : memref<4x4096xf32, #tpu.memory_space<vmem>>, vector<1x16xf32>,
        %parallel_loop3A_1582 = vector.shape_cast %parallel_loop3A_1581 : vector<1x16xf32> to vector<16xf32>
        %parallel_loop3A_1583 = vector.shape_cast %parallel_loop3A_1577 : vector<16xf32> to vector<1x16xf32>
        tpu.vector_store %arg10[%parallel_loop3A_1579, %parallel_loop3A_1580], %parallel_loop3A_1583 {strides = array<i32>} : memref<4x4096xf32, #tpu.memory_space<vmem>>, vector<1x16xf32>,
        %parallel_loop3A_1584 = arith.constant 2 : i32
        %parallel_loop3A_1585 = arith.index_cast %parallel_loop3A_1584 : i32 to index
        %parallel_loop3A_1586 = arith.index_cast %parallel_loop3A_1559 : i32 to index
        %parallel_loop3A_1587 = tpu.vector_load %arg7[%parallel_loop3A_1585, %parallel_loop3A_1586] {strides = array<i32>} : memref<4x4096xf32, #tpu.memory_space<vmem>>, vector<1x16xf32>,
        %parallel_loop3A_1588 = vector.shape_cast %parallel_loop3A_1587 : vector<1x16xf32> to vector<16xf32>
        %parallel_loop3A_1589 = arith.addf %parallel_loop3A_1588, %get3A_1440 : vector<16xf32>
        %parallel_loop3A_1590 = arith.constant 2 : i32
        %parallel_loop3A_1591 = arith.index_cast %parallel_loop3A_1590 : i32 to index
        %parallel_loop3A_1592 = arith.index_cast %parallel_loop3A_1559 : i32 to index
        %parallel_loop3A_1593 = tpu.vector_load %arg10[%parallel_loop3A_1591, %parallel_loop3A_1592] {strides = array<i32>} : memref<4x4096xf32, #tpu.memory_space<vmem>>, vector<1x16xf32>,
        %parallel_loop3A_1594 = vector.shape_cast %parallel_loop3A_1593 : vector<1x16xf32> to vector<16xf32>
        %parallel_loop3A_1595 = vector.shape_cast %parallel_loop3A_1589 : vector<16xf32> to vector<1x16xf32>
        tpu.vector_store %arg10[%parallel_loop3A_1591, %parallel_loop3A_1592], %parallel_loop3A_1595 {strides = array<i32>} : memref<4x4096xf32, #tpu.memory_space<vmem>>, vector<1x16xf32>,
        %parallel_loop3A_1596 = arith.constant 3 : i32
        %parallel_loop3A_1597 = arith.index_cast %parallel_loop3A_1596 : i32 to index
        %parallel_loop3A_1598 = arith.index_cast %parallel_loop3A_1559 : i32 to index
        %parallel_loop3A_1599 = tpu.vector_load %arg7[%parallel_loop3A_1597, %parallel_loop3A_1598] {strides = array<i32>} : memref<4x4096xf32, #tpu.memory_space<vmem>>, vector<1x16xf32>,
        %parallel_loop3A_1600 = vector.shape_cast %parallel_loop3A_1599 : vector<1x16xf32> to vector<16xf32>
        %parallel_loop3A_1601 = arith.addf %parallel_loop3A_1600, %get3A_1445 : vector<16xf32>
        %parallel_loop3A_1602 = arith.constant 3 : i32
        %parallel_loop3A_1603 = arith.index_cast %parallel_loop3A_1602 : i32 to index
        %parallel_loop3A_1604 = arith.index_cast %parallel_loop3A_1559 : i32 to index
        %parallel_loop3A_1605 = tpu.vector_load %arg10[%parallel_loop3A_1603, %parallel_loop3A_1604] {strides = array<i32>} : memref<4x4096xf32, #tpu.memory_space<vmem>>, vector<1x16xf32>,
        %parallel_loop3A_1606 = vector.shape_cast %parallel_loop3A_1605 : vector<1x16xf32> to vector<16xf32>
        %parallel_loop3A_1607 = vector.shape_cast %parallel_loop3A_1601 : vector<16xf32> to vector<1x16xf32>
        tpu.vector_store %arg10[%parallel_loop3A_1603, %parallel_loop3A_1604], %parallel_loop3A_1607 {strides = array<i32>} : memref<4x4096xf32, #tpu.memory_space<vmem>>, vector<1x16xf32>,
      } {sc.loop_unroll_factor = 8 : i64, sc.parallel_access}
      %add3A_1449 = arith.addi %mul3A_2, %add3A_1401 : i32
      %jit3A_1450 = arith.constant 16 : i32
      %div3A_1451 = arith.divsi %add3A_1449, %jit3A_1450 : i32
      %sign3A_1452 = arith.constant 0 : i32
      %sign3A_1453 = arith.cmpi sgt, %add3A_1449, %sign3A_1452 : i32
      %sign3A_1454 = arith.extui %sign3A_1453 : i1 to i32
      %sign3A_1455 = arith.constant 0 : i32
      %sign3A_1456 = arith.cmpi slt, %add3A_1449, %sign3A_1455 : i32
      %sign3A_1457 = arith.extui %sign3A_1456 : i1 to i32
      %sign3A_1458 = arith.subi %sign3A_1454, %sign3A_1457 : i32
      %sign3A_1459 = arith.constant 0 : i32
      %sign3A_1460 = arith.cmpi sgt, %jit3A_1450, %sign3A_1459 : i32
      %sign3A_1461 = arith.extui %sign3A_1460 : i1 to i32
      %sign3A_1462 = arith.constant 0 : i32
      %sign3A_1463 = arith.cmpi slt, %jit3A_1450, %sign3A_1462 : i32
      %sign3A_1464 = arith.extui %sign3A_1463 : i1 to i32
      %sign3A_1465 = arith.subi %sign3A_1461, %sign3A_1464 : i32
      %ne3A_1466 = arith.cmpi ne, %sign3A_1458, %sign3A_1465 : i32
      %rem3A_1467 = arith.remsi %add3A_1449, %jit3A_1450 : i32
      %ne3A_1468 = arith.constant 0 : i32
      %ne3A_1469 = arith.cmpi ne, %rem3A_1467, %ne3A_1468 : i32
      %and3A_1470 = arith.andi %ne3A_1466, %ne3A_1469 : i1
      %sub3A_1471 = arith.constant 1 : i32
      %sub3A_1472 = arith.subi %div3A_1451, %sub3A_1471 : i32
      %select_n3A_1473 = arith.select %and3A_1470, %sub3A_1472, %div3A_1451 : i32
      %jit3A_1474 = arith.constant 16 : i32
      %eq3A_1475 = arith.constant 0 : i32
      %eq3A_1476 = arith.cmpi eq, %jit3A_1474, %eq3A_1475 : i32
      %jit3A_1477 = arith.constant 1 : i32
      %select_n3A_1478 = arith.select %eq3A_1476, %jit3A_1477, %jit3A_1474 : i32
      %rem3A_1479 = arith.remsi %add3A_1449, %select_n3A_1478 : i32
      %ne3A_1480 = arith.constant 0 : i32
      %ne3A_1481 = arith.cmpi ne, %rem3A_1479, %ne3A_1480 : i32
      %lt3A_1482 = arith.constant 0 : i32
      %lt3A_1483 = arith.cmpi slt, %rem3A_1479, %lt3A_1482 : i32
      %lt3A_1484 = arith.constant 0 : i32
      %lt3A_1485 = arith.cmpi slt, %select_n3A_1478, %lt3A_1484 : i32
      %ne3A_1486 = arith.xori %lt3A_1483, %lt3A_1485 : i1
      %and3A_1487 = arith.andi %ne3A_1486, %ne3A_1481 : i1
      %add3A_1488 = arith.addi %rem3A_1479, %select_n3A_1478 : i32
      %select_n3A_1489 = arith.select %and3A_1487, %add3A_1488, %rem3A_1479 : i32
      %mul3A_1490 = arith.constant 4 : i32
      %mul3A_1491 = arith.muli %select_n3A_1489, %mul3A_1490 : i32
      %dma_start3A_1492 = arith.constant 0 : i32
      %dma_start3A_1493 = tpu.memref_slice %arg4[%select_n3A_1473, %mul3A_1491, %dma_start3A_1492] : memref<200x64x4096xf32, #tpu.memory_space<hbm>> -> memref<1x4x4096xf32, #tpu.memory_space<hbm>>
      %dma_start3A_1494 = tpu.memref_squeeze %dma_start3A_1493 : memref<1x4x4096xf32, #tpu.memory_space<hbm>> -> memref<4x4096xf32, #tpu.memory_space<hbm>>
      %dma_start3A_1495 = arith.constant 0 : i32
      %dma_start3A_1496 = tpu.memref_slice %arg4[%select_n3A_1473, %mul3A_1491, %dma_start3A_1495] : memref<200x64x4096xf32, #tpu.memory_space<hbm>> -> memref<1x4x4096xf32, #tpu.memory_space<hbm>>
      %dma_start3A_1497 = tpu.memref_squeeze %dma_start3A_1496 : memref<1x4x4096xf32, #tpu.memory_space<hbm>> -> memref<4x4096xf32, #tpu.memory_space<hbm>>
      tpu.enqueue_dma source(%arg10 : memref<4x4096xf32, #tpu.memory_space<vmem>>) target(%dma_start3A_1497 : memref<4x4096xf32, #tpu.memory_space<hbm>>) target_semaphore(%arg19 : memref<!tpu.dma_semaphore, #tpu.memory_space<semaphore_mem>>)
      %add3A_1498 = arith.constant 3 : i32
      %add3A_1499 = arith.addi %add3A_1401, %add3A_1498 : i32
      %add3A_1500 = arith.addi %mul3A_2, %add3A_1499 : i32
      %jit3A_1501 = arith.constant 16 : i32
      %div3A_1502 = arith.divsi %add3A_1500, %jit3A_1501 : i32
      %sign3A_1503 = arith.constant 0 : i32
      %sign3A_1504 = arith.cmpi sgt, %add3A_1500, %sign3A_1503 : i32
      %sign3A_1505 = arith.extui %sign3A_1504 : i1 to i32
      %sign3A_1506 = arith.constant 0 : i32
      %sign3A_1507 = arith.cmpi slt, %add3A_1500, %sign3A_1506 : i32
      %sign3A_1508 = arith.extui %sign3A_1507 : i1 to i32
      %sign3A_1509 = arith.subi %sign3A_1505, %sign3A_1508 : i32
      %sign3A_1510 = arith.constant 0 : i32
      %sign3A_1511 = arith.cmpi sgt, %jit3A_1501, %sign3A_1510 : i32
      %sign3A_1512 = arith.extui %sign3A_1511 : i1 to i32
      %sign3A_1513 = arith.constant 0 : i32
      %sign3A_1514 = arith.cmpi slt, %jit3A_1501, %sign3A_1513 : i32
      %sign3A_1515 = arith.extui %sign3A_1514 : i1 to i32
      %sign3A_1516 = arith.subi %sign3A_1512, %sign3A_1515 : i32
      %ne3A_1517 = arith.cmpi ne, %sign3A_1509, %sign3A_1516 : i32
      %rem3A_1518 = arith.remsi %add3A_1500, %jit3A_1501 : i32
      %ne3A_1519 = arith.constant 0 : i32
      %ne3A_1520 = arith.cmpi ne, %rem3A_1518, %ne3A_1519 : i32
      %and3A_1521 = arith.andi %ne3A_1517, %ne3A_1520 : i1
      %sub3A_1522 = arith.constant 1 : i32
      %sub3A_1523 = arith.subi %div3A_1502, %sub3A_1522 : i32
      %select_n3A_1524 = arith.select %and3A_1521, %sub3A_1523, %div3A_1502 : i32
      %jit3A_1525 = arith.constant 16 : i32
      %eq3A_1526 = arith.constant 0 : i32
      %eq3A_1527 = arith.cmpi eq, %jit3A_1525, %eq3A_1526 : i32
      %jit3A_1528 = arith.constant 1 : i32
      %select_n3A_1529 = arith.select %eq3A_1527, %jit3A_1528, %jit3A_1525 : i32
      %rem3A_1530 = arith.remsi %add3A_1500, %select_n3A_1529 : i32
      %ne3A_1531 = arith.constant 0 : i32
      %ne3A_1532 = arith.cmpi ne, %rem3A_1530, %ne3A_1531 : i32
      %lt3A_1533 = arith.constant 0 : i32
      %lt3A_1534 = arith.cmpi slt, %rem3A_1530, %lt3A_1533 : i32
      %lt3A_1535 = arith.constant 0 : i32
      %lt3A_1536 = arith.cmpi slt, %select_n3A_1529, %lt3A_1535 : i32
      %ne3A_1537 = arith.xori %lt3A_1534, %lt3A_1536 : i1
      %and3A_1538 = arith.andi %ne3A_1537, %ne3A_1532 : i1
      %add3A_1539 = arith.addi %rem3A_1530, %select_n3A_1529 : i32
      %select_n3A_1540 = arith.select %and3A_1538, %add3A_1539, %rem3A_1530 : i32
      %mul3A_1541 = arith.constant 4 : i32
      %mul3A_1542 = arith.muli %select_n3A_1540, %mul3A_1541 : i32
      %dma_start3A_1543 = arith.constant 0 : i32
      %dma_start3A_1544 = tpu.memref_slice %arg2[%select_n3A_1524, %mul3A_1542, %dma_start3A_1543] : memref<200x64x4096xf32, #tpu.memory_space<hbm>> -> memref<1x4x4096xf32, #tpu.memory_space<hbm>>
      %dma_start3A_1545 = tpu.memref_squeeze %dma_start3A_1544 : memref<1x4x4096xf32, #tpu.memory_space<hbm>> -> memref<4x4096xf32, #tpu.memory_space<hbm>>
      %dma_start3A_1546 = arith.constant 0 : i32
      %dma_start3A_1547 = tpu.memref_slice %arg2[%select_n3A_1524, %mul3A_1542, %dma_start3A_1546] : memref<200x64x4096xf32, #tpu.memory_space<hbm>> -> memref<1x4x4096xf32, #tpu.memory_space<hbm>>
      %dma_start3A_1548 = tpu.memref_squeeze %dma_start3A_1547 : memref<1x4x4096xf32, #tpu.memory_space<hbm>> -> memref<4x4096xf32, #tpu.memory_space<hbm>>
      tpu.enqueue_dma source(%dma_start3A_1548 : memref<4x4096xf32, #tpu.memory_space<hbm>>) target(%arg7 : memref<4x4096xf32, #tpu.memory_space<vmem>>) target_semaphore(%arg16 : memref<!tpu.dma_semaphore, #tpu.memory_space<semaphore_mem>>)
      %add3A_1549 = arith.addi %mul3A_2, %add3A_1499 : i32
      %mul3A_1550 = arith.constant 4 : i32
      %mul3A_1551 = arith.muli %add3A_1549, %mul3A_1550 : i32
      %dma_start3A_1552 = arith.constant 0 : i32
      %dma_start3A_1553 = tpu.memref_slice %arg3[%mul3A_1551, %dma_start3A_1552] : memref<12800x16xf32, #tpu.memory_space<hbm>> -> memref<4x16xf32, #tpu.memory_space<hbm>>
      %dma_start3A_1554 = arith.constant 0 : i32
      %dma_start3A_1555 = tpu.memref_slice %arg3[%mul3A_1551, %dma_start3A_1554] : memref<12800x16xf32, #tpu.memory_space<hbm>> -> memref<4x16xf32, #tpu.memory_space<hbm>>
      tpu.enqueue_dma source(%dma_start3A_1555 : memref<4x16xf32, #tpu.memory_space<hbm>>) target(%arg13 : memref<4x16xf32, #tpu.memory_space<vmem>>) target_semaphore(%arg22 : memref<!tpu.dma_semaphore, #tpu.memory_space<semaphore_mem>>)
      %scan3A_1556 = arith.constant 0 : i32
      scf.yield %scan3A_1556 : i32
    }
    %scan3A_606 = arith.constant 31 : i32
    %dma_wait3A_607 = arith.constant 0 : i32
    %dma_wait3A_608 = arith.constant 0 : i32
    %dma_wait3A_609 = arith.constant 0 : i32
    %dma_wait3A_610 = tpu.memref_slice %arg2[%dma_wait3A_607, %dma_wait3A_608, %dma_wait3A_609] : memref<200x64x4096xf32, #tpu.memory_space<hbm>> -> memref<1x4x4096xf32, #tpu.memory_space<hbm>>
    %dma_wait3A_611 = tpu.memref_squeeze %dma_wait3A_610 : memref<1x4x4096xf32, #tpu.memory_space<hbm>> -> memref<4x4096xf32, #tpu.memory_space<hbm>>
    %dma_wait3A_612 = arith.constant 0 : i32
    %dma_wait3A_613 = arith.constant 0 : i32
    %dma_wait3A_614 = tpu.memref_slice %arg2[%dma_wait3A_607, %dma_wait3A_612, %dma_wait3A_613] : memref<200x64x4096xf32, #tpu.memory_space<hbm>> -> memref<1x4x4096xf32, #tpu.memory_space<hbm>>
    %dma_wait3A_615 = tpu.memref_squeeze %dma_wait3A_614 : memref<1x4x4096xf32, #tpu.memory_space<hbm>> -> memref<4x4096xf32, #tpu.memory_space<hbm>>
    tpu.wait_dma2 semaphore(%arg14 : memref<!tpu.dma_semaphore, #tpu.memory_space<semaphore_mem>>) src(%dma_wait3A_615 : memref<4x4096xf32, #tpu.memory_space<hbm>>) dst(%arg5 : memref<4x4096xf32, #tpu.memory_space<vmem>>)
    %dma_wait3A_616 = arith.constant 0 : i32
    %dma_wait3A_617 = arith.constant 0 : i32
    %dma_wait3A_618 = tpu.memref_slice %arg3[%dma_wait3A_616, %dma_wait3A_617] : memref<12800x16xf32, #tpu.memory_space<hbm>> -> memref<4x16xf32, #tpu.memory_space<hbm>>
    %dma_wait3A_619 = arith.constant 0 : i32
    %dma_wait3A_620 = arith.constant 0 : i32
    %dma_wait3A_621 = tpu.memref_slice %arg3[%dma_wait3A_619, %dma_wait3A_620] : memref<12800x16xf32, #tpu.memory_space<hbm>> -> memref<4x16xf32, #tpu.memory_space<hbm>>
    tpu.wait_dma2 semaphore(%arg20 : memref<!tpu.dma_semaphore, #tpu.memory_space<semaphore_mem>>) src(%dma_wait3A_621 : memref<4x16xf32, #tpu.memory_space<hbm>>) dst(%arg11 : memref<4x16xf32, #tpu.memory_space<vmem>>)
    %dma_wait3A_622 = arith.constant 0 : i32
    %dma_wait3A_623 = arith.constant 0 : i32
    %dma_wait3A_624 = arith.constant 0 : i32
    %dma_wait3A_625 = tpu.memref_slice %arg4[%dma_wait3A_622, %dma_wait3A_623, %dma_wait3A_624] : memref<200x64x4096xf32, #tpu.memory_space<hbm>> -> memref<1x4x4096xf32, #tpu.memory_space<hbm>>
    %dma_wait3A_626 = tpu.memref_squeeze %dma_wait3A_625 : memref<1x4x4096xf32, #tpu.memory_space<hbm>> -> memref<4x4096xf32, #tpu.memory_space<hbm>>
    %dma_wait3A_627 = arith.constant 0 : i32
    %dma_wait3A_628 = arith.constant 0 : i32
    %dma_wait3A_629 = tpu.memref_slice %arg4[%dma_wait3A_622, %dma_wait3A_627, %dma_wait3A_628] : memref<200x64x4096xf32, #tpu.memory_space<hbm>> -> memref<1x4x4096xf32, #tpu.memory_space<hbm>>
    %dma_wait3A_630 = tpu.memref_squeeze %dma_wait3A_629 : memref<1x4x4096xf32, #tpu.memory_space<hbm>> -> memref<4x4096xf32, #tpu.memory_space<hbm>>
    tpu.wait_dma2 semaphore(%arg17 : memref<!tpu.dma_semaphore, #tpu.memory_space<semaphore_mem>>) src(%arg8 : memref<4x4096xf32, #tpu.memory_space<vmem>>) dst(%dma_wait3A_630 : memref<4x4096xf32, #tpu.memory_space<hbm>>)
    %get3A_631 = arith.constant 0 : i32
    %get3A_632 = arith.index_cast %get3A_631 : i32 to index
    %get3A_633 = arith.constant 0 : index
    %get3A_634 = tpu.vector_load %arg11[%get3A_632, %get3A_633] {strides = array<i32>} : memref<4x16xf32, #tpu.memory_space<vmem>>, vector<1x16xf32>,
    %get3A_635 = vector.shape_cast %get3A_634 : vector<1x16xf32> to vector<16xf32>
    %get3A_636 = arith.constant 1 : i32
    %get3A_637 = arith.index_cast %get3A_636 : i32 to index
    %get3A_638 = arith.constant 0 : index
    %get3A_639 = tpu.vector_load %arg11[%get3A_637, %get3A_638] {strides = array<i32>} : memref<4x16xf32, #tpu.memory_space<vmem>>, vector<1x16xf32>,
    %get3A_640 = vector.shape_cast %get3A_639 : vector<1x16xf32> to vector<16xf32>
    %get3A_641 = arith.constant 2 : i32
    %get3A_642 = arith.index_cast %get3A_641 : i32 to index
    %get3A_643 = arith.constant 0 : index
    %get3A_644 = tpu.vector_load %arg11[%get3A_642, %get3A_643] {strides = array<i32>} : memref<4x16xf32, #tpu.memory_space<vmem>>, vector<1x16xf32>,
    %get3A_645 = vector.shape_cast %get3A_644 : vector<1x16xf32> to vector<16xf32>
    %get3A_646 = arith.constant 3 : i32
    %get3A_647 = arith.index_cast %get3A_646 : i32 to index
    %get3A_648 = arith.constant 0 : index
    %get3A_649 = tpu.vector_load %arg11[%get3A_647, %get3A_648] {strides = array<i32>} : memref<4x16xf32, #tpu.memory_space<vmem>>, vector<1x16xf32>,
    %get3A_650 = vector.shape_cast %get3A_649 : vector<1x16xf32> to vector<16xf32>
    %parallel_loop3A_651 = arith.constant 0 : i32
    %parallel_loop3A_652 = arith.constant 256 : i32
    %parallel_loop3A_653 = arith.constant 1 : i32
    scf.for %parallel_loop3A_1080 = %parallel_loop3A_651 to %parallel_loop3A_652 step %parallel_loop3A_653  : i32 {
      %parallel_loop3A_1081 = arith.constant 16 : i32
      %parallel_loop3A_1082 = arith.muli %parallel_loop3A_1080, %parallel_loop3A_1081 : i32
      %parallel_loop3A_1083 = arith.constant 0 : i32
      %parallel_loop3A_1084 = arith.index_cast %parallel_loop3A_1083 : i32 to index
      %parallel_loop3A_1085 = arith.index_cast %parallel_loop3A_1082 : i32 to index
      %parallel_loop3A_1086 = tpu.vector_load %arg5[%parallel_loop3A_1084, %parallel_loop3A_1085] {strides = array<i32>} : memref<4x4096xf32, #tpu.memory_space<vmem>>, vector<1x16xf32>,
      %parallel_loop3A_1087 = vector.shape_cast %parallel_loop3A_1086 : vector<1x16xf32> to vector<16xf32>
      %parallel_loop3A_1088 = arith.addf %parallel_loop3A_1087, %get3A_635 : vector<16xf32>
      %parallel_loop3A_1089 = arith.constant 0 : i32
      %parallel_loop3A_1090 = arith.index_cast %parallel_loop3A_1089 : i32 to index
      %parallel_loop3A_1091 = arith.index_cast %parallel_loop3A_1082 : i32 to index
      %parallel_loop3A_1092 = tpu.vector_load %arg8[%parallel_loop3A_1090, %parallel_loop3A_1091] {strides = array<i32>} : memref<4x4096xf32, #tpu.memory_space<vmem>>, vector<1x16xf32>,
      %parallel_loop3A_1093 = vector.shape_cast %parallel_loop3A_1092 : vector<1x16xf32> to vector<16xf32>
      %parallel_loop3A_1094 = vector.shape_cast %parallel_loop3A_1088 : vector<16xf32> to vector<1x16xf32>
      tpu.vector_store %arg8[%parallel_loop3A_1090, %parallel_loop3A_1091], %parallel_loop3A_1094 {strides = array<i32>} : memref<4x4096xf32, #tpu.memory_space<vmem>>, vector<1x16xf32>,
      %parallel_loop3A_1095 = arith.constant 1 : i32
      %parallel_loop3A_1096 = arith.index_cast %parallel_loop3A_1095 : i32 to index
      %parallel_loop3A_1097 = arith.index_cast %parallel_loop3A_1082 : i32 to index
      %parallel_loop3A_1098 = tpu.vector_load %arg5[%parallel_loop3A_1096, %parallel_loop3A_1097] {strides = array<i32>} : memref<4x4096xf32, #tpu.memory_space<vmem>>, vector<1x16xf32>,
      %parallel_loop3A_1099 = vector.shape_cast %parallel_loop3A_1098 : vector<1x16xf32> to vector<16xf32>
      %parallel_loop3A_1100 = arith.addf %parallel_loop3A_1099, %get3A_640 : vector<16xf32>
      %parallel_loop3A_1101 = arith.constant 1 : i32
      %parallel_loop3A_1102 = arith.index_cast %parallel_loop3A_1101 : i32 to index
      %parallel_loop3A_1103 = arith.index_cast %parallel_loop3A_1082 : i32 to index
      %parallel_loop3A_1104 = tpu.vector_load %arg8[%parallel_loop3A_1102, %parallel_loop3A_1103] {strides = array<i32>} : memref<4x4096xf32, #tpu.memory_space<vmem>>, vector<1x16xf32>,
      %parallel_loop3A_1105 = vector.shape_cast %parallel_loop3A_1104 : vector<1x16xf32> to vector<16xf32>
      %parallel_loop3A_1106 = vector.shape_cast %parallel_loop3A_1100 : vector<16xf32> to vector<1x16xf32>
      tpu.vector_store %arg8[%parallel_loop3A_1102, %parallel_loop3A_1103], %parallel_loop3A_1106 {strides = array<i32>} : memref<4x4096xf32, #tpu.memory_space<vmem>>, vector<1x16xf32>,
      %parallel_loop3A_1107 = arith.constant 2 : i32
      %parallel_loop3A_1108 = arith.index_cast %parallel_loop3A_1107 : i32 to index
      %parallel_loop3A_1109 = arith.index_cast %parallel_loop3A_1082 : i32 to index
      %parallel_loop3A_1110 = tpu.vector_load %arg5[%parallel_loop3A_1108, %parallel_loop3A_1109] {strides = array<i32>} : memref<4x4096xf32, #tpu.memory_space<vmem>>, vector<1x16xf32>,
      %parallel_loop3A_1111 = vector.shape_cast %parallel_loop3A_1110 : vector<1x16xf32> to vector<16xf32>
      %parallel_loop3A_1112 = arith.addf %parallel_loop3A_1111, %get3A_645 : vector<16xf32>
      %parallel_loop3A_1113 = arith.constant 2 : i32
      %parallel_loop3A_1114 = arith.index_cast %parallel_loop3A_1113 : i32 to index
      %parallel_loop3A_1115 = arith.index_cast %parallel_loop3A_1082 : i32 to index
      %parallel_loop3A_1116 = tpu.vector_load %arg8[%parallel_loop3A_1114, %parallel_loop3A_1115] {strides = array<i32>} : memref<4x4096xf32, #tpu.memory_space<vmem>>, vector<1x16xf32>,
      %parallel_loop3A_1117 = vector.shape_cast %parallel_loop3A_1116 : vector<1x16xf32> to vector<16xf32>
      %parallel_loop3A_1118 = vector.shape_cast %parallel_loop3A_1112 : vector<16xf32> to vector<1x16xf32>
      tpu.vector_store %arg8[%parallel_loop3A_1114, %parallel_loop3A_1115], %parallel_loop3A_1118 {strides = array<i32>} : memref<4x4096xf32, #tpu.memory_space<vmem>>, vector<1x16xf32>,
      %parallel_loop3A_1119 = arith.constant 3 : i32
      %parallel_loop3A_1120 = arith.index_cast %parallel_loop3A_1119 : i32 to index
      %parallel_loop3A_1121 = arith.index_cast %parallel_loop3A_1082 : i32 to index
      %parallel_loop3A_1122 = tpu.vector_load %arg5[%parallel_loop3A_1120, %parallel_loop3A_1121] {strides = array<i32>} : memref<4x4096xf32, #tpu.memory_space<vmem>>, vector<1x16xf32>,
      %parallel_loop3A_1123 = vector.shape_cast %parallel_loop3A_1122 : vector<1x16xf32> to vector<16xf32>
      %parallel_loop3A_1124 = arith.addf %parallel_loop3A_1123, %get3A_650 : vector<16xf32>
      %parallel_loop3A_1125 = arith.constant 3 : i32
      %parallel_loop3A_1126 = arith.index_cast %parallel_loop3A_1125 : i32 to index
      %parallel_loop3A_1127 = arith.index_cast %parallel_loop3A_1082 : i32 to index
      %parallel_loop3A_1128 = tpu.vector_load %arg8[%parallel_loop3A_1126, %parallel_loop3A_1127] {strides = array<i32>} : memref<4x4096xf32, #tpu.memory_space<vmem>>, vector<1x16xf32>,
      %parallel_loop3A_1129 = vector.shape_cast %parallel_loop3A_1128 : vector<1x16xf32> to vector<16xf32>
      %parallel_loop3A_1130 = vector.shape_cast %parallel_loop3A_1124 : vector<16xf32> to vector<1x16xf32>
      tpu.vector_store %arg8[%parallel_loop3A_1126, %parallel_loop3A_1127], %parallel_loop3A_1130 {strides = array<i32>} : memref<4x4096xf32, #tpu.memory_space<vmem>>, vector<1x16xf32>,
    } {sc.loop_unroll_factor = 8 : i64, sc.parallel_access}
    %add3A_654 = arith.constant 96 : i32
    %add3A_655 = arith.addi %mul3A_2, %add3A_654 : i32
    %jit3A_656 = arith.constant 16 : i32
    %div3A_657 = arith.divsi %add3A_655, %jit3A_656 : i32
    %sign3A_658 = arith.constant 0 : i32
    %sign3A_659 = arith.cmpi sgt, %add3A_655, %sign3A_658 : i32
    %sign3A_660 = arith.extui %sign3A_659 : i1 to i32
    %sign3A_661 = arith.constant 0 : i32
    %sign3A_662 = arith.cmpi slt, %add3A_655, %sign3A_661 : i32
    %sign3A_663 = arith.extui %sign3A_662 : i1 to i32
    %sign3A_664 = arith.subi %sign3A_660, %sign3A_663 : i32
    %sign3A_665 = arith.constant 0 : i32
    %sign3A_666 = arith.cmpi sgt, %jit3A_656, %sign3A_665 : i32
    %sign3A_667 = arith.extui %sign3A_666 : i1 to i32
    %sign3A_668 = arith.constant 0 : i32
    %sign3A_669 = arith.cmpi slt, %jit3A_656, %sign3A_668 : i32
    %sign3A_670 = arith.extui %sign3A_669 : i1 to i32
    %sign3A_671 = arith.subi %sign3A_667, %sign3A_670 : i32
    %ne3A_672 = arith.cmpi ne, %sign3A_664, %sign3A_671 : i32
    %rem3A_673 = arith.remsi %add3A_655, %jit3A_656 : i32
    %ne3A_674 = arith.constant 0 : i32
    %ne3A_675 = arith.cmpi ne, %rem3A_673, %ne3A_674 : i32
    %and3A_676 = arith.andi %ne3A_672, %ne3A_675 : i1
    %sub3A_677 = arith.constant 1 : i32
    %sub3A_678 = arith.subi %div3A_657, %sub3A_677 : i32
    %select_n3A_679 = arith.select %and3A_676, %sub3A_678, %div3A_657 : i32
    %jit3A_680 = arith.constant 16 : i32
    %eq3A_681 = arith.constant 0 : i32
    %eq3A_682 = arith.cmpi eq, %jit3A_680, %eq3A_681 : i32
    %jit3A_683 = arith.constant 1 : i32
    %select_n3A_684 = arith.select %eq3A_682, %jit3A_683, %jit3A_680 : i32
    %rem3A_685 = arith.remsi %add3A_655, %select_n3A_684 : i32
    %ne3A_686 = arith.constant 0 : i32
    %ne3A_687 = arith.cmpi ne, %rem3A_685, %ne3A_686 : i32
    %lt3A_688 = arith.constant 0 : i32
    %lt3A_689 = arith.cmpi slt, %rem3A_685, %lt3A_688 : i32
    %lt3A_690 = arith.constant 0 : i32
    %lt3A_691 = arith.cmpi slt, %select_n3A_684, %lt3A_690 : i32
    %ne3A_692 = arith.xori %lt3A_689, %lt3A_691 : i1
    %and3A_693 = arith.andi %ne3A_692, %ne3A_687 : i1
    %add3A_694 = arith.addi %rem3A_685, %select_n3A_684 : i32
    %select_n3A_695 = arith.select %and3A_693, %add3A_694, %rem3A_685 : i32
    %mul3A_696 = arith.constant 4 : i32
    %mul3A_697 = arith.muli %select_n3A_695, %mul3A_696 : i32
    %dma_start3A_698 = arith.constant 0 : i32
    %dma_start3A_699 = tpu.memref_slice %arg4[%select_n3A_679, %mul3A_697, %dma_start3A_698] : memref<200x64x4096xf32, #tpu.memory_space<hbm>> -> memref<1x4x4096xf32, #tpu.memory_space<hbm>>
    %dma_start3A_700 = tpu.memref_squeeze %dma_start3A_699 : memref<1x4x4096xf32, #tpu.memory_space<hbm>> -> memref<4x4096xf32, #tpu.memory_space<hbm>>
    %dma_start3A_701 = arith.constant 0 : i32
    %dma_start3A_702 = tpu.memref_slice %arg4[%select_n3A_679, %mul3A_697, %dma_start3A_701] : memref<200x64x4096xf32, #tpu.memory_space<hbm>> -> memref<1x4x4096xf32, #tpu.memory_space<hbm>>
    %dma_start3A_703 = tpu.memref_squeeze %dma_start3A_702 : memref<1x4x4096xf32, #tpu.memory_space<hbm>> -> memref<4x4096xf32, #tpu.memory_space<hbm>>
    tpu.enqueue_dma source(%arg8 : memref<4x4096xf32, #tpu.memory_space<vmem>>) target(%dma_start3A_703 : memref<4x4096xf32, #tpu.memory_space<hbm>>) target_semaphore(%arg17 : memref<!tpu.dma_semaphore, #tpu.memory_space<semaphore_mem>>)
    %add3A_704 = arith.constant 99 : i32
    %add3A_705 = arith.addi %mul3A_2, %add3A_704 : i32
    %jit3A_706 = arith.constant 16 : i32
    %div3A_707 = arith.divsi %add3A_705, %jit3A_706 : i32
    %sign3A_708 = arith.constant 0 : i32
    %sign3A_709 = arith.cmpi sgt, %add3A_705, %sign3A_708 : i32
    %sign3A_710 = arith.extui %sign3A_709 : i1 to i32
    %sign3A_711 = arith.constant 0 : i32
    %sign3A_712 = arith.cmpi slt, %add3A_705, %sign3A_711 : i32
    %sign3A_713 = arith.extui %sign3A_712 : i1 to i32
    %sign3A_714 = arith.subi %sign3A_710, %sign3A_713 : i32
    %sign3A_715 = arith.constant 0 : i32
    %sign3A_716 = arith.cmpi sgt, %jit3A_706, %sign3A_715 : i32
    %sign3A_717 = arith.extui %sign3A_716 : i1 to i32
    %sign3A_718 = arith.constant 0 : i32
    %sign3A_719 = arith.cmpi slt, %jit3A_706, %sign3A_718 : i32
    %sign3A_720 = arith.extui %sign3A_719 : i1 to i32
    %sign3A_721 = arith.subi %sign3A_717, %sign3A_720 : i32
    %ne3A_722 = arith.cmpi ne, %sign3A_714, %sign3A_721 : i32
    %rem3A_723 = arith.remsi %add3A_705, %jit3A_706 : i32
    %ne3A_724 = arith.constant 0 : i32
    %ne3A_725 = arith.cmpi ne, %rem3A_723, %ne3A_724 : i32
    %and3A_726 = arith.andi %ne3A_722, %ne3A_725 : i1
    %sub3A_727 = arith.constant 1 : i32
    %sub3A_728 = arith.subi %div3A_707, %sub3A_727 : i32
    %select_n3A_729 = arith.select %and3A_726, %sub3A_728, %div3A_707 : i32
    %jit3A_730 = arith.constant 16 : i32
    %eq3A_731 = arith.constant 0 : i32
    %eq3A_732 = arith.cmpi eq, %jit3A_730, %eq3A_731 : i32
    %jit3A_733 = arith.constant 1 : i32
    %select_n3A_734 = arith.select %eq3A_732, %jit3A_733, %jit3A_730 : i32
    %rem3A_735 = arith.remsi %add3A_705, %select_n3A_734 : i32
    %ne3A_736 = arith.constant 0 : i32
    %ne3A_737 = arith.cmpi ne, %rem3A_735, %ne3A_736 : i32
    %lt3A_738 = arith.constant 0 : i32
    %lt3A_739 = arith.cmpi slt, %rem3A_735, %lt3A_738 : i32
    %lt3A_740 = arith.constant 0 : i32
    %lt3A_741 = arith.cmpi slt, %select_n3A_734, %lt3A_740 : i32
    %ne3A_742 = arith.xori %lt3A_739, %lt3A_741 : i1
    %and3A_743 = arith.andi %ne3A_742, %ne3A_737 : i1
    %add3A_744 = arith.addi %rem3A_735, %select_n3A_734 : i32
    %select_n3A_745 = arith.select %and3A_743, %add3A_744, %rem3A_735 : i32
    %mul3A_746 = arith.constant 4 : i32
    %mul3A_747 = arith.muli %select_n3A_745, %mul3A_746 : i32
    %dma_start3A_748 = arith.constant 0 : i32
    %dma_start3A_749 = tpu.memref_slice %arg2[%select_n3A_729, %mul3A_747, %dma_start3A_748] : memref<200x64x4096xf32, #tpu.memory_space<hbm>> -> memref<1x4x4096xf32, #tpu.memory_space<hbm>>
    %dma_start3A_750 = tpu.memref_squeeze %dma_start3A_749 : memref<1x4x4096xf32, #tpu.memory_space<hbm>> -> memref<4x4096xf32, #tpu.memory_space<hbm>>
    %dma_start3A_751 = arith.constant 0 : i32
    %dma_start3A_752 = tpu.memref_slice %arg2[%select_n3A_729, %mul3A_747, %dma_start3A_751] : memref<200x64x4096xf32, #tpu.memory_space<hbm>> -> memref<1x4x4096xf32, #tpu.memory_space<hbm>>
    %dma_start3A_753 = tpu.memref_squeeze %dma_start3A_752 : memref<1x4x4096xf32, #tpu.memory_space<hbm>> -> memref<4x4096xf32, #tpu.memory_space<hbm>>
    tpu.enqueue_dma source(%dma_start3A_753 : memref<4x4096xf32, #tpu.memory_space<hbm>>) target(%arg5 : memref<4x4096xf32, #tpu.memory_space<vmem>>) target_semaphore(%arg14 : memref<!tpu.dma_semaphore, #tpu.memory_space<semaphore_mem>>)
    %add3A_754 = arith.constant 99 : i32
    %add3A_755 = arith.addi %mul3A_2, %add3A_754 : i32
    %mul3A_756 = arith.constant 4 : i32
    %mul3A_757 = arith.muli %add3A_755, %mul3A_756 : i32
    %dma_start3A_758 = arith.constant 0 : i32
    %dma_start3A_759 = tpu.memref_slice %arg3[%mul3A_757, %dma_start3A_758] : memref<12800x16xf32, #tpu.memory_space<hbm>> -> memref<4x16xf32, #tpu.memory_space<hbm>>
    %dma_start3A_760 = arith.constant 0 : i32
    %dma_start3A_761 = tpu.memref_slice %arg3[%mul3A_757, %dma_start3A_760] : memref<12800x16xf32, #tpu.memory_space<hbm>> -> memref<4x16xf32, #tpu.memory_space<hbm>>
    tpu.enqueue_dma source(%dma_start3A_761 : memref<4x16xf32, #tpu.memory_space<hbm>>) target(%arg11 : memref<4x16xf32, #tpu.memory_space<vmem>>) target_semaphore(%arg20 : memref<!tpu.dma_semaphore, #tpu.memory_space<semaphore_mem>>)
    %dma_wait3A_762 = arith.constant 0 : i32
    %dma_wait3A_763 = arith.constant 0 : i32
    %dma_wait3A_764 = arith.constant 0 : i32
    %dma_wait3A_765 = tpu.memref_slice %arg2[%dma_wait3A_762, %dma_wait3A_763, %dma_wait3A_764] : memref<200x64x4096xf32, #tpu.memory_space<hbm>> -> memref<1x4x4096xf32, #tpu.memory_space<hbm>>
    %dma_wait3A_766 = tpu.memref_squeeze %dma_wait3A_765 : memref<1x4x4096xf32, #tpu.memory_space<hbm>> -> memref<4x4096xf32, #tpu.memory_space<hbm>>
    %dma_wait3A_767 = arith.constant 0 : i32
    %dma_wait3A_768 = arith.constant 0 : i32
    %dma_wait3A_769 = tpu.memref_slice %arg2[%dma_wait3A_762, %dma_wait3A_767, %dma_wait3A_768] : memref<200x64x4096xf32, #tpu.memory_space<hbm>> -> memref<1x4x4096xf32, #tpu.memory_space<hbm>>
    %dma_wait3A_770 = tpu.memref_squeeze %dma_wait3A_769 : memref<1x4x4096xf32, #tpu.memory_space<hbm>> -> memref<4x4096xf32, #tpu.memory_space<hbm>>
    tpu.wait_dma2 semaphore(%arg15 : memref<!tpu.dma_semaphore, #tpu.memory_space<semaphore_mem>>) src(%dma_wait3A_770 : memref<4x4096xf32, #tpu.memory_space<hbm>>) dst(%arg6 : memref<4x4096xf32, #tpu.memory_space<vmem>>)
    %dma_wait3A_771 = arith.constant 0 : i32
    %dma_wait3A_772 = arith.constant 0 : i32
    %dma_wait3A_773 = tpu.memref_slice %arg3[%dma_wait3A_771, %dma_wait3A_772] : memref<12800x16xf32, #tpu.memory_space<hbm>> -> memref<4x16xf32, #tpu.memory_space<hbm>>
    %dma_wait3A_774 = arith.constant 0 : i32
    %dma_wait3A_775 = arith.constant 0 : i32
    %dma_wait3A_776 = tpu.memref_slice %arg3[%dma_wait3A_774, %dma_wait3A_775] : memref<12800x16xf32, #tpu.memory_space<hbm>> -> memref<4x16xf32, #tpu.memory_space<hbm>>
    tpu.wait_dma2 semaphore(%arg21 : memref<!tpu.dma_semaphore, #tpu.memory_space<semaphore_mem>>) src(%dma_wait3A_776 : memref<4x16xf32, #tpu.memory_space<hbm>>) dst(%arg12 : memref<4x16xf32, #tpu.memory_space<vmem>>)
    %dma_wait3A_777 = arith.constant 0 : i32
    %dma_wait3A_778 = arith.constant 0 : i32
    %dma_wait3A_779 = arith.constant 0 : i32
    %dma_wait3A_780 = tpu.memref_slice %arg4[%dma_wait3A_777, %dma_wait3A_778, %dma_wait3A_779] : memref<200x64x4096xf32, #tpu.memory_space<hbm>> -> memref<1x4x4096xf32, #tpu.memory_space<hbm>>
    %dma_wait3A_781 = tpu.memref_squeeze %dma_wait3A_780 : memref<1x4x4096xf32, #tpu.memory_space<hbm>> -> memref<4x4096xf32, #tpu.memory_space<hbm>>
    %dma_wait3A_782 = arith.constant 0 : i32
    %dma_wait3A_783 = arith.constant 0 : i32
    %dma_wait3A_784 = tpu.memref_slice %arg4[%dma_wait3A_777, %dma_wait3A_782, %dma_wait3A_783] : memref<200x64x4096xf32, #tpu.memory_space<hbm>> -> memref<1x4x4096xf32, #tpu.memory_space<hbm>>
    %dma_wait3A_785 = tpu.memref_squeeze %dma_wait3A_784 : memref<1x4x4096xf32, #tpu.memory_space<hbm>> -> memref<4x4096xf32, #tpu.memory_space<hbm>>
    tpu.wait_dma2 semaphore(%arg18 : memref<!tpu.dma_semaphore, #tpu.memory_space<semaphore_mem>>) src(%arg9 : memref<4x4096xf32, #tpu.memory_space<vmem>>) dst(%dma_wait3A_785 : memref<4x4096xf32, #tpu.memory_space<hbm>>)
    %get3A_786 = arith.constant 0 : i32
    %get3A_787 = arith.index_cast %get3A_786 : i32 to index
    %get3A_788 = arith.constant 0 : index
    %get3A_789 = tpu.vector_load %arg12[%get3A_787, %get3A_788] {strides = array<i32>} : memref<4x16xf32, #tpu.memory_space<vmem>>, vector<1x16xf32>,
    %get3A_790 = vector.shape_cast %get3A_789 : vector<1x16xf32> to vector<16xf32>
    %get3A_791 = arith.constant 1 : i32
    %get3A_792 = arith.index_cast %get3A_791 : i32 to index
    %get3A_793 = arith.constant 0 : index
    %get3A_794 = tpu.vector_load %arg12[%get3A_792, %get3A_793] {strides = array<i32>} : memref<4x16xf32, #tpu.memory_space<vmem>>, vector<1x16xf32>,
    %get3A_795 = vector.shape_cast %get3A_794 : vector<1x16xf32> to vector<16xf32>
    %get3A_796 = arith.constant 2 : i32
    %get3A_797 = arith.index_cast %get3A_796 : i32 to index
    %get3A_798 = arith.constant 0 : index
    %get3A_799 = tpu.vector_load %arg12[%get3A_797, %get3A_798] {strides = array<i32>} : memref<4x16xf32, #tpu.memory_space<vmem>>, vector<1x16xf32>,
    %get3A_800 = vector.shape_cast %get3A_799 : vector<1x16xf32> to vector<16xf32>
    %get3A_801 = arith.constant 3 : i32
    %get3A_802 = arith.index_cast %get3A_801 : i32 to index
    %get3A_803 = arith.constant 0 : index
    %get3A_804 = tpu.vector_load %arg12[%get3A_802, %get3A_803] {strides = array<i32>} : memref<4x16xf32, #tpu.memory_space<vmem>>, vector<1x16xf32>,
    %get3A_805 = vector.shape_cast %get3A_804 : vector<1x16xf32> to vector<16xf32>
    %parallel_loop3A_806 = arith.constant 0 : i32
    %parallel_loop3A_807 = arith.constant 256 : i32
    %parallel_loop3A_808 = arith.constant 1 : i32
    scf.for %parallel_loop3A_1080 = %parallel_loop3A_806 to %parallel_loop3A_807 step %parallel_loop3A_808  : i32 {
      %parallel_loop3A_1081 = arith.constant 16 : i32
      %parallel_loop3A_1082 = arith.muli %parallel_loop3A_1080, %parallel_loop3A_1081 : i32
      %parallel_loop3A_1083 = arith.constant 0 : i32
      %parallel_loop3A_1084 = arith.index_cast %parallel_loop3A_1083 : i32 to index
      %parallel_loop3A_1085 = arith.index_cast %parallel_loop3A_1082 : i32 to index
      %parallel_loop3A_1086 = tpu.vector_load %arg6[%parallel_loop3A_1084, %parallel_loop3A_1085] {strides = array<i32>} : memref<4x4096xf32, #tpu.memory_space<vmem>>, vector<1x16xf32>,
      %parallel_loop3A_1087 = vector.shape_cast %parallel_loop3A_1086 : vector<1x16xf32> to vector<16xf32>
      %parallel_loop3A_1088 = arith.addf %parallel_loop3A_1087, %get3A_790 : vector<16xf32>
      %parallel_loop3A_1089 = arith.constant 0 : i32
      %parallel_loop3A_1090 = arith.index_cast %parallel_loop3A_1089 : i32 to index
      %parallel_loop3A_1091 = arith.index_cast %parallel_loop3A_1082 : i32 to index
      %parallel_loop3A_1092 = tpu.vector_load %arg9[%parallel_loop3A_1090, %parallel_loop3A_1091] {strides = array<i32>} : memref<4x4096xf32, #tpu.memory_space<vmem>>, vector<1x16xf32>,
      %parallel_loop3A_1093 = vector.shape_cast %parallel_loop3A_1092 : vector<1x16xf32> to vector<16xf32>
      %parallel_loop3A_1094 = vector.shape_cast %parallel_loop3A_1088 : vector<16xf32> to vector<1x16xf32>
      tpu.vector_store %arg9[%parallel_loop3A_1090, %parallel_loop3A_1091], %parallel_loop3A_1094 {strides = array<i32>} : memref<4x4096xf32, #tpu.memory_space<vmem>>, vector<1x16xf32>,
      %parallel_loop3A_1095 = arith.constant 1 : i32
      %parallel_loop3A_1096 = arith.index_cast %parallel_loop3A_1095 : i32 to index
      %parallel_loop3A_1097 = arith.index_cast %parallel_loop3A_1082 : i32 to index
      %parallel_loop3A_1098 = tpu.vector_load %arg6[%parallel_loop3A_1096, %parallel_loop3A_1097] {strides = array<i32>} : memref<4x4096xf32, #tpu.memory_space<vmem>>, vector<1x16xf32>,
      %parallel_loop3A_1099 = vector.shape_cast %parallel_loop3A_1098 : vector<1x16xf32> to vector<16xf32>
      %parallel_loop3A_1100 = arith.addf %parallel_loop3A_1099, %get3A_795 : vector<16xf32>
      %parallel_loop3A_1101 = arith.constant 1 : i32
      %parallel_loop3A_1102 = arith.index_cast %parallel_loop3A_1101 : i32 to index
      %parallel_loop3A_1103 = arith.index_cast %parallel_loop3A_1082 : i32 to index
      %parallel_loop3A_1104 = tpu.vector_load %arg9[%parallel_loop3A_1102, %parallel_loop3A_1103] {strides = array<i32>} : memref<4x4096xf32, #tpu.memory_space<vmem>>, vector<1x16xf32>,
      %parallel_loop3A_1105 = vector.shape_cast %parallel_loop3A_1104 : vector<1x16xf32> to vector<16xf32>
      %parallel_loop3A_1106 = vector.shape_cast %parallel_loop3A_1100 : vector<16xf32> to vector<1x16xf32>
      tpu.vector_store %arg9[%parallel_loop3A_1102, %parallel_loop3A_1103], %parallel_loop3A_1106 {strides = array<i32>} : memref<4x4096xf32, #tpu.memory_space<vmem>>, vector<1x16xf32>,
      %parallel_loop3A_1107 = arith.constant 2 : i32
      %parallel_loop3A_1108 = arith.index_cast %parallel_loop3A_1107 : i32 to index
      %parallel_loop3A_1109 = arith.index_cast %parallel_loop3A_1082 : i32 to index
      %parallel_loop3A_1110 = tpu.vector_load %arg6[%parallel_loop3A_1108, %parallel_loop3A_1109] {strides = array<i32>} : memref<4x4096xf32, #tpu.memory_space<vmem>>, vector<1x16xf32>,
      %parallel_loop3A_1111 = vector.shape_cast %parallel_loop3A_1110 : vector<1x16xf32> to vector<16xf32>
      %parallel_loop3A_1112 = arith.addf %parallel_loop3A_1111, %get3A_800 : vector<16xf32>
      %parallel_loop3A_1113 = arith.constant 2 : i32
      %parallel_loop3A_1114 = arith.index_cast %parallel_loop3A_1113 : i32 to index
      %parallel_loop3A_1115 = arith.index_cast %parallel_loop3A_1082 : i32 to index
      %parallel_loop3A_1116 = tpu.vector_load %arg9[%parallel_loop3A_1114, %parallel_loop3A_1115] {strides = array<i32>} : memref<4x4096xf32, #tpu.memory_space<vmem>>, vector<1x16xf32>,
      %parallel_loop3A_1117 = vector.shape_cast %parallel_loop3A_1116 : vector<1x16xf32> to vector<16xf32>
      %parallel_loop3A_1118 = vector.shape_cast %parallel_loop3A_1112 : vector<16xf32> to vector<1x16xf32>
      tpu.vector_store %arg9[%parallel_loop3A_1114, %parallel_loop3A_1115], %parallel_loop3A_1118 {strides = array<i32>} : memref<4x4096xf32, #tpu.memory_space<vmem>>, vector<1x16xf32>,
      %parallel_loop3A_1119 = arith.constant 3 : i32
      %parallel_loop3A_1120 = arith.index_cast %parallel_loop3A_1119 : i32 to index
      %parallel_loop3A_1121 = arith.index_cast %parallel_loop3A_1082 : i32 to index
      %parallel_loop3A_1122 = tpu.vector_load %arg6[%parallel_loop3A_1120, %parallel_loop3A_1121] {strides = array<i32>} : memref<4x4096xf32, #tpu.memory_space<vmem>>, vector<1x16xf32>,
      %parallel_loop3A_1123 = vector.shape_cast %parallel_loop3A_1122 : vector<1x16xf32> to vector<16xf32>
      %parallel_loop3A_1124 = arith.addf %parallel_loop3A_1123, %get3A_805 : vector<16xf32>
      %parallel_loop3A_1125 = arith.constant 3 : i32
      %parallel_loop3A_1126 = arith.index_cast %parallel_loop3A_1125 : i32 to index
      %parallel_loop3A_1127 = arith.index_cast %parallel_loop3A_1082 : i32 to index
      %parallel_loop3A_1128 = tpu.vector_load %arg9[%parallel_loop3A_1126, %parallel_loop3A_1127] {strides = array<i32>} : memref<4x4096xf32, #tpu.memory_space<vmem>>, vector<1x16xf32>,
      %parallel_loop3A_1129 = vector.shape_cast %parallel_loop3A_1128 : vector<1x16xf32> to vector<16xf32>
      %parallel_loop3A_1130 = vector.shape_cast %parallel_loop3A_1124 : vector<16xf32> to vector<1x16xf32>
      tpu.vector_store %arg9[%parallel_loop3A_1126, %parallel_loop3A_1127], %parallel_loop3A_1130 {strides = array<i32>} : memref<4x4096xf32, #tpu.memory_space<vmem>>, vector<1x16xf32>,
    } {sc.loop_unroll_factor = 8 : i64, sc.parallel_access}
    %add3A_809 = arith.constant 97 : i32
    %add3A_810 = arith.addi %mul3A_2, %add3A_809 : i32
    %jit3A_811 = arith.constant 16 : i32
    %div3A_812 = arith.divsi %add3A_810, %jit3A_811 : i32
    %sign3A_813 = arith.constant 0 : i32
    %sign3A_814 = arith.cmpi sgt, %add3A_810, %sign3A_813 : i32
    %sign3A_815 = arith.extui %sign3A_814 : i1 to i32
    %sign3A_816 = arith.constant 0 : i32
    %sign3A_817 = arith.cmpi slt, %add3A_810, %sign3A_816 : i32
    %sign3A_818 = arith.extui %sign3A_817 : i1 to i32
    %sign3A_819 = arith.subi %sign3A_815, %sign3A_818 : i32
    %sign3A_820 = arith.constant 0 : i32
    %sign3A_821 = arith.cmpi sgt, %jit3A_811, %sign3A_820 : i32
    %sign3A_822 = arith.extui %sign3A_821 : i1 to i32
    %sign3A_823 = arith.constant 0 : i32
    %sign3A_824 = arith.cmpi slt, %jit3A_811, %sign3A_823 : i32
    %sign3A_825 = arith.extui %sign3A_824 : i1 to i32
    %sign3A_826 = arith.subi %sign3A_822, %sign3A_825 : i32
    %ne3A_827 = arith.cmpi ne, %sign3A_819, %sign3A_826 : i32
    %rem3A_828 = arith.remsi %add3A_810, %jit3A_811 : i32
    %ne3A_829 = arith.constant 0 : i32
    %ne3A_830 = arith.cmpi ne, %rem3A_828, %ne3A_829 : i32
    %and3A_831 = arith.andi %ne3A_827, %ne3A_830 : i1
    %sub3A_832 = arith.constant 1 : i32
    %sub3A_833 = arith.subi %div3A_812, %sub3A_832 : i32
    %select_n3A_834 = arith.select %and3A_831, %sub3A_833, %div3A_812 : i32
    %jit3A_835 = arith.constant 16 : i32
    %eq3A_836 = arith.constant 0 : i32
    %eq3A_837 = arith.cmpi eq, %jit3A_835, %eq3A_836 : i32
    %jit3A_838 = arith.constant 1 : i32
    %select_n3A_839 = arith.select %eq3A_837, %jit3A_838, %jit3A_835 : i32
    %rem3A_840 = arith.remsi %add3A_810, %select_n3A_839 : i32
    %ne3A_841 = arith.constant 0 : i32
    %ne3A_842 = arith.cmpi ne, %rem3A_840, %ne3A_841 : i32
    %lt3A_843 = arith.constant 0 : i32
    %lt3A_844 = arith.cmpi slt, %rem3A_840, %lt3A_843 : i32
    %lt3A_845 = arith.constant 0 : i32
    %lt3A_846 = arith.cmpi slt, %select_n3A_839, %lt3A_845 : i32
    %ne3A_847 = arith.xori %lt3A_844, %lt3A_846 : i1
    %and3A_848 = arith.andi %ne3A_847, %ne3A_842 : i1
    %add3A_849 = arith.addi %rem3A_840, %select_n3A_839 : i32
    %select_n3A_850 = arith.select %and3A_848, %add3A_849, %rem3A_840 : i32
    %mul3A_851 = arith.constant 4 : i32
    %mul3A_852 = arith.muli %select_n3A_850, %mul3A_851 : i32
    %dma_start3A_853 = arith.constant 0 : i32
    %dma_start3A_854 = tpu.memref_slice %arg4[%select_n3A_834, %mul3A_852, %dma_start3A_853] : memref<200x64x4096xf32, #tpu.memory_space<hbm>> -> memref<1x4x4096xf32, #tpu.memory_space<hbm>>
    %dma_start3A_855 = tpu.memref_squeeze %dma_start3A_854 : memref<1x4x4096xf32, #tpu.memory_space<hbm>> -> memref<4x4096xf32, #tpu.memory_space<hbm>>
    %dma_start3A_856 = arith.constant 0 : i32
    %dma_start3A_857 = tpu.memref_slice %arg4[%select_n3A_834, %mul3A_852, %dma_start3A_856] : memref<200x64x4096xf32, #tpu.memory_space<hbm>> -> memref<1x4x4096xf32, #tpu.memory_space<hbm>>
    %dma_start3A_858 = tpu.memref_squeeze %dma_start3A_857 : memref<1x4x4096xf32, #tpu.memory_space<hbm>> -> memref<4x4096xf32, #tpu.memory_space<hbm>>
    tpu.enqueue_dma source(%arg9 : memref<4x4096xf32, #tpu.memory_space<vmem>>) target(%dma_start3A_858 : memref<4x4096xf32, #tpu.memory_space<hbm>>) target_semaphore(%arg18 : memref<!tpu.dma_semaphore, #tpu.memory_space<semaphore_mem>>)
    %dma_wait3A_859 = arith.constant 0 : i32
    %dma_wait3A_860 = arith.constant 0 : i32
    %dma_wait3A_861 = arith.constant 0 : i32
    %dma_wait3A_862 = tpu.memref_slice %arg2[%dma_wait3A_859, %dma_wait3A_860, %dma_wait3A_861] : memref<200x64x4096xf32, #tpu.memory_space<hbm>> -> memref<1x4x4096xf32, #tpu.memory_space<hbm>>
    %dma_wait3A_863 = tpu.memref_squeeze %dma_wait3A_862 : memref<1x4x4096xf32, #tpu.memory_space<hbm>> -> memref<4x4096xf32, #tpu.memory_space<hbm>>
    %dma_wait3A_864 = arith.constant 0 : i32
    %dma_wait3A_865 = arith.constant 0 : i32
    %dma_wait3A_866 = tpu.memref_slice %arg2[%dma_wait3A_859, %dma_wait3A_864, %dma_wait3A_865] : memref<200x64x4096xf32, #tpu.memory_space<hbm>> -> memref<1x4x4096xf32, #tpu.memory_space<hbm>>
    %dma_wait3A_867 = tpu.memref_squeeze %dma_wait3A_866 : memref<1x4x4096xf32, #tpu.memory_space<hbm>> -> memref<4x4096xf32, #tpu.memory_space<hbm>>
    tpu.wait_dma2 semaphore(%arg16 : memref<!tpu.dma_semaphore, #tpu.memory_space<semaphore_mem>>) src(%dma_wait3A_867 : memref<4x4096xf32, #tpu.memory_space<hbm>>) dst(%arg7 : memref<4x4096xf32, #tpu.memory_space<vmem>>)
    %dma_wait3A_868 = arith.constant 0 : i32
    %dma_wait3A_869 = arith.constant 0 : i32
    %dma_wait3A_870 = tpu.memref_slice %arg3[%dma_wait3A_868, %dma_wait3A_869] : memref<12800x16xf32, #tpu.memory_space<hbm>> -> memref<4x16xf32, #tpu.memory_space<hbm>>
    %dma_wait3A_871 = arith.constant 0 : i32
    %dma_wait3A_872 = arith.constant 0 : i32
    %dma_wait3A_873 = tpu.memref_slice %arg3[%dma_wait3A_871, %dma_wait3A_872] : memref<12800x16xf32, #tpu.memory_space<hbm>> -> memref<4x16xf32, #tpu.memory_space<hbm>>
    tpu.wait_dma2 semaphore(%arg22 : memref<!tpu.dma_semaphore, #tpu.memory_space<semaphore_mem>>) src(%dma_wait3A_873 : memref<4x16xf32, #tpu.memory_space<hbm>>) dst(%arg13 : memref<4x16xf32, #tpu.memory_space<vmem>>)
    %dma_wait3A_874 = arith.constant 0 : i32
    %dma_wait3A_875 = arith.constant 0 : i32
    %dma_wait3A_876 = arith.constant 0 : i32
    %dma_wait3A_877 = tpu.memref_slice %arg4[%dma_wait3A_874, %dma_wait3A_875, %dma_wait3A_876] : memref<200x64x4096xf32, #tpu.memory_space<hbm>> -> memref<1x4x4096xf32, #tpu.memory_space<hbm>>
    %dma_wait3A_878 = tpu.memref_squeeze %dma_wait3A_877 : memref<1x4x4096xf32, #tpu.memory_space<hbm>> -> memref<4x4096xf32, #tpu.memory_space<hbm>>
    %dma_wait3A_879 = arith.constant 0 : i32
    %dma_wait3A_880 = arith.constant 0 : i32
    %dma_wait3A_881 = tpu.memref_slice %arg4[%dma_wait3A_874, %dma_wait3A_879, %dma_wait3A_880] : memref<200x64x4096xf32, #tpu.memory_space<hbm>> -> memref<1x4x4096xf32, #tpu.memory_space<hbm>>
    %dma_wait3A_882 = tpu.memref_squeeze %dma_wait3A_881 : memref<1x4x4096xf32, #tpu.memory_space<hbm>> -> memref<4x4096xf32, #tpu.memory_space<hbm>>
    tpu.wait_dma2 semaphore(%arg19 : memref<!tpu.dma_semaphore, #tpu.memory_space<semaphore_mem>>) src(%arg10 : memref<4x4096xf32, #tpu.memory_space<vmem>>) dst(%dma_wait3A_882 : memref<4x4096xf32, #tpu.memory_space<hbm>>)
    %get3A_883 = arith.constant 0 : i32
    %get3A_884 = arith.index_cast %get3A_883 : i32 to index
    %get3A_885 = arith.constant 0 : index
    %get3A_886 = tpu.vector_load %arg13[%get3A_884, %get3A_885] {strides = array<i32>} : memref<4x16xf32, #tpu.memory_space<vmem>>, vector<1x16xf32>,
    %get3A_887 = vector.shape_cast %get3A_886 : vector<1x16xf32> to vector<16xf32>
    %get3A_888 = arith.constant 1 : i32
    %get3A_889 = arith.index_cast %get3A_888 : i32 to index
    %get3A_890 = arith.constant 0 : index
    %get3A_891 = tpu.vector_load %arg13[%get3A_889, %get3A_890] {strides = array<i32>} : memref<4x16xf32, #tpu.memory_space<vmem>>, vector<1x16xf32>,
    %get3A_892 = vector.shape_cast %get3A_891 : vector<1x16xf32> to vector<16xf32>
    %get3A_893 = arith.constant 2 : i32
    %get3A_894 = arith.index_cast %get3A_893 : i32 to index
    %get3A_895 = arith.constant 0 : index
    %get3A_896 = tpu.vector_load %arg13[%get3A_894, %get3A_895] {strides = array<i32>} : memref<4x16xf32, #tpu.memory_space<vmem>>, vector<1x16xf32>,
    %get3A_897 = vector.shape_cast %get3A_896 : vector<1x16xf32> to vector<16xf32>
    %get3A_898 = arith.constant 3 : i32
    %get3A_899 = arith.index_cast %get3A_898 : i32 to index
    %get3A_900 = arith.constant 0 : index
    %get3A_901 = tpu.vector_load %arg13[%get3A_899, %get3A_900] {strides = array<i32>} : memref<4x16xf32, #tpu.memory_space<vmem>>, vector<1x16xf32>,
    %get3A_902 = vector.shape_cast %get3A_901 : vector<1x16xf32> to vector<16xf32>
    %parallel_loop3A_903 = arith.constant 0 : i32
    %parallel_loop3A_904 = arith.constant 256 : i32
    %parallel_loop3A_905 = arith.constant 1 : i32
    scf.for %parallel_loop3A_1080 = %parallel_loop3A_903 to %parallel_loop3A_904 step %parallel_loop3A_905  : i32 {
      %parallel_loop3A_1081 = arith.constant 16 : i32
      %parallel_loop3A_1082 = arith.muli %parallel_loop3A_1080, %parallel_loop3A_1081 : i32
      %parallel_loop3A_1083 = arith.constant 0 : i32
      %parallel_loop3A_1084 = arith.index_cast %parallel_loop3A_1083 : i32 to index
      %parallel_loop3A_1085 = arith.index_cast %parallel_loop3A_1082 : i32 to index
      %parallel_loop3A_1086 = tpu.vector_load %arg7[%parallel_loop3A_1084, %parallel_loop3A_1085] {strides = array<i32>} : memref<4x4096xf32, #tpu.memory_space<vmem>>, vector<1x16xf32>,
      %parallel_loop3A_1087 = vector.shape_cast %parallel_loop3A_1086 : vector<1x16xf32> to vector<16xf32>
      %parallel_loop3A_1088 = arith.addf %parallel_loop3A_1087, %get3A_887 : vector<16xf32>
      %parallel_loop3A_1089 = arith.constant 0 : i32
      %parallel_loop3A_1090 = arith.index_cast %parallel_loop3A_1089 : i32 to index
      %parallel_loop3A_1091 = arith.index_cast %parallel_loop3A_1082 : i32 to index
      %parallel_loop3A_1092 = tpu.vector_load %arg10[%parallel_loop3A_1090, %parallel_loop3A_1091] {strides = array<i32>} : memref<4x4096xf32, #tpu.memory_space<vmem>>, vector<1x16xf32>,
      %parallel_loop3A_1093 = vector.shape_cast %parallel_loop3A_1092 : vector<1x16xf32> to vector<16xf32>
      %parallel_loop3A_1094 = vector.shape_cast %parallel_loop3A_1088 : vector<16xf32> to vector<1x16xf32>
      tpu.vector_store %arg10[%parallel_loop3A_1090, %parallel_loop3A_1091], %parallel_loop3A_1094 {strides = array<i32>} : memref<4x4096xf32, #tpu.memory_space<vmem>>, vector<1x16xf32>,
      %parallel_loop3A_1095 = arith.constant 1 : i32
      %parallel_loop3A_1096 = arith.index_cast %parallel_loop3A_1095 : i32 to index
      %parallel_loop3A_1097 = arith.index_cast %parallel_loop3A_1082 : i32 to index
      %parallel_loop3A_1098 = tpu.vector_load %arg7[%parallel_loop3A_1096, %parallel_loop3A_1097] {strides = array<i32>} : memref<4x4096xf32, #tpu.memory_space<vmem>>, vector<1x16xf32>,
      %parallel_loop3A_1099 = vector.shape_cast %parallel_loop3A_1098 : vector<1x16xf32> to vector<16xf32>
      %parallel_loop3A_1100 = arith.addf %parallel_loop3A_1099, %get3A_892 : vector<16xf32>
      %parallel_loop3A_1101 = arith.constant 1 : i32
      %parallel_loop3A_1102 = arith.index_cast %parallel_loop3A_1101 : i32 to index
      %parallel_loop3A_1103 = arith.index_cast %parallel_loop3A_1082 : i32 to index
      %parallel_loop3A_1104 = tpu.vector_load %arg10[%parallel_loop3A_1102, %parallel_loop3A_1103] {strides = array<i32>} : memref<4x4096xf32, #tpu.memory_space<vmem>>, vector<1x16xf32>,
      %parallel_loop3A_1105 = vector.shape_cast %parallel_loop3A_1104 : vector<1x16xf32> to vector<16xf32>
      %parallel_loop3A_1106 = vector.shape_cast %parallel_loop3A_1100 : vector<16xf32> to vector<1x16xf32>
      tpu.vector_store %arg10[%parallel_loop3A_1102, %parallel_loop3A_1103], %parallel_loop3A_1106 {strides = array<i32>} : memref<4x4096xf32, #tpu.memory_space<vmem>>, vector<1x16xf32>,
      %parallel_loop3A_1107 = arith.constant 2 : i32
      %parallel_loop3A_1108 = arith.index_cast %parallel_loop3A_1107 : i32 to index
      %parallel_loop3A_1109 = arith.index_cast %parallel_loop3A_1082 : i32 to index
      %parallel_loop3A_1110 = tpu.vector_load %arg7[%parallel_loop3A_1108, %parallel_loop3A_1109] {strides = array<i32>} : memref<4x4096xf32, #tpu.memory_space<vmem>>, vector<1x16xf32>,
      %parallel_loop3A_1111 = vector.shape_cast %parallel_loop3A_1110 : vector<1x16xf32> to vector<16xf32>
      %parallel_loop3A_1112 = arith.addf %parallel_loop3A_1111, %get3A_897 : vector<16xf32>
      %parallel_loop3A_1113 = arith.constant 2 : i32
      %parallel_loop3A_1114 = arith.index_cast %parallel_loop3A_1113 : i32 to index
      %parallel_loop3A_1115 = arith.index_cast %parallel_loop3A_1082 : i32 to index
      %parallel_loop3A_1116 = tpu.vector_load %arg10[%parallel_loop3A_1114, %parallel_loop3A_1115] {strides = array<i32>} : memref<4x4096xf32, #tpu.memory_space<vmem>>, vector<1x16xf32>,
      %parallel_loop3A_1117 = vector.shape_cast %parallel_loop3A_1116 : vector<1x16xf32> to vector<16xf32>
      %parallel_loop3A_1118 = vector.shape_cast %parallel_loop3A_1112 : vector<16xf32> to vector<1x16xf32>
      tpu.vector_store %arg10[%parallel_loop3A_1114, %parallel_loop3A_1115], %parallel_loop3A_1118 {strides = array<i32>} : memref<4x4096xf32, #tpu.memory_space<vmem>>, vector<1x16xf32>,
      %parallel_loop3A_1119 = arith.constant 3 : i32
      %parallel_loop3A_1120 = arith.index_cast %parallel_loop3A_1119 : i32 to index
      %parallel_loop3A_1121 = arith.index_cast %parallel_loop3A_1082 : i32 to index
      %parallel_loop3A_1122 = tpu.vector_load %arg7[%parallel_loop3A_1120, %parallel_loop3A_1121] {strides = array<i32>} : memref<4x4096xf32, #tpu.memory_space<vmem>>, vector<1x16xf32>,
      %parallel_loop3A_1123 = vector.shape_cast %parallel_loop3A_1122 : vector<1x16xf32> to vector<16xf32>
      %parallel_loop3A_1124 = arith.addf %parallel_loop3A_1123, %get3A_902 : vector<16xf32>
      %parallel_loop3A_1125 = arith.constant 3 : i32
      %parallel_loop3A_1126 = arith.index_cast %parallel_loop3A_1125 : i32 to index
      %parallel_loop3A_1127 = arith.index_cast %parallel_loop3A_1082 : i32 to index
      %parallel_loop3A_1128 = tpu.vector_load %arg10[%parallel_loop3A_1126, %parallel_loop3A_1127] {strides = array<i32>} : memref<4x4096xf32, #tpu.memory_space<vmem>>, vector<1x16xf32>,
      %parallel_loop3A_1129 = vector.shape_cast %parallel_loop3A_1128 : vector<1x16xf32> to vector<16xf32>
      %parallel_loop3A_1130 = vector.shape_cast %parallel_loop3A_1124 : vector<16xf32> to vector<1x16xf32>
      tpu.vector_store %arg10[%parallel_loop3A_1126, %parallel_loop3A_1127], %parallel_loop3A_1130 {strides = array<i32>} : memref<4x4096xf32, #tpu.memory_space<vmem>>, vector<1x16xf32>,
    } {sc.loop_unroll_factor = 8 : i64, sc.parallel_access}
    %add3A_906 = arith.constant 98 : i32
    %add3A_907 = arith.addi %mul3A_2, %add3A_906 : i32
    %jit3A_908 = arith.constant 16 : i32
    %div3A_909 = arith.divsi %add3A_907, %jit3A_908 : i32
    %sign3A_910 = arith.constant 0 : i32
    %sign3A_911 = arith.cmpi sgt, %add3A_907, %sign3A_910 : i32
    %sign3A_912 = arith.extui %sign3A_911 : i1 to i32
    %sign3A_913 = arith.constant 0 : i32
    %sign3A_914 = arith.cmpi slt, %add3A_907, %sign3A_913 : i32
    %sign3A_915 = arith.extui %sign3A_914 : i1 to i32
    %sign3A_916 = arith.subi %sign3A_912, %sign3A_915 : i32
    %sign3A_917 = arith.constant 0 : i32
    %sign3A_918 = arith.cmpi sgt, %jit3A_908, %sign3A_917 : i32
    %sign3A_919 = arith.extui %sign3A_918 : i1 to i32
    %sign3A_920 = arith.constant 0 : i32
    %sign3A_921 = arith.cmpi slt, %jit3A_908, %sign3A_920 : i32
    %sign3A_922 = arith.extui %sign3A_921 : i1 to i32
    %sign3A_923 = arith.subi %sign3A_919, %sign3A_922 : i32
    %ne3A_924 = arith.cmpi ne, %sign3A_916, %sign3A_923 : i32
    %rem3A_925 = arith.remsi %add3A_907, %jit3A_908 : i32
    %ne3A_926 = arith.constant 0 : i32
    %ne3A_927 = arith.cmpi ne, %rem3A_925, %ne3A_926 : i32
    %and3A_928 = arith.andi %ne3A_924, %ne3A_927 : i1
    %sub3A_929 = arith.constant 1 : i32
    %sub3A_930 = arith.subi %div3A_909, %sub3A_929 : i32
    %select_n3A_931 = arith.select %and3A_928, %sub3A_930, %div3A_909 : i32
    %jit3A_932 = arith.constant 16 : i32
    %eq3A_933 = arith.constant 0 : i32
    %eq3A_934 = arith.cmpi eq, %jit3A_932, %eq3A_933 : i32
    %jit3A_935 = arith.constant 1 : i32
    %select_n3A_936 = arith.select %eq3A_934, %jit3A_935, %jit3A_932 : i32
    %rem3A_937 = arith.remsi %add3A_907, %select_n3A_936 : i32
    %ne3A_938 = arith.constant 0 : i32
    %ne3A_939 = arith.cmpi ne, %rem3A_937, %ne3A_938 : i32
    %lt3A_940 = arith.constant 0 : i32
    %lt3A_941 = arith.cmpi slt, %rem3A_937, %lt3A_940 : i32
    %lt3A_942 = arith.constant 0 : i32
    %lt3A_943 = arith.cmpi slt, %select_n3A_936, %lt3A_942 : i32
    %ne3A_944 = arith.xori %lt3A_941, %lt3A_943 : i1
    %and3A_945 = arith.andi %ne3A_944, %ne3A_939 : i1
    %add3A_946 = arith.addi %rem3A_937, %select_n3A_936 : i32
    %select_n3A_947 = arith.select %and3A_945, %add3A_946, %rem3A_937 : i32
    %mul3A_948 = arith.constant 4 : i32
    %mul3A_949 = arith.muli %select_n3A_947, %mul3A_948 : i32
    %dma_start3A_950 = arith.constant 0 : i32
    %dma_start3A_951 = tpu.memref_slice %arg4[%select_n3A_931, %mul3A_949, %dma_start3A_950] : memref<200x64x4096xf32, #tpu.memory_space<hbm>> -> memref<1x4x4096xf32, #tpu.memory_space<hbm>>
    %dma_start3A_952 = tpu.memref_squeeze %dma_start3A_951 : memref<1x4x4096xf32, #tpu.memory_space<hbm>> -> memref<4x4096xf32, #tpu.memory_space<hbm>>
    %dma_start3A_953 = arith.constant 0 : i32
    %dma_start3A_954 = tpu.memref_slice %arg4[%select_n3A_931, %mul3A_949, %dma_start3A_953] : memref<200x64x4096xf32, #tpu.memory_space<hbm>> -> memref<1x4x4096xf32, #tpu.memory_space<hbm>>
    %dma_start3A_955 = tpu.memref_squeeze %dma_start3A_954 : memref<1x4x4096xf32, #tpu.memory_space<hbm>> -> memref<4x4096xf32, #tpu.memory_space<hbm>>
    tpu.enqueue_dma source(%arg10 : memref<4x4096xf32, #tpu.memory_space<vmem>>) target(%dma_start3A_955 : memref<4x4096xf32, #tpu.memory_space<hbm>>) target_semaphore(%arg19 : memref<!tpu.dma_semaphore, #tpu.memory_space<semaphore_mem>>)
    %dma_wait3A_956 = arith.constant 0 : i32
    %dma_wait3A_957 = arith.constant 0 : i32
    %dma_wait3A_958 = arith.constant 0 : i32
    %dma_wait3A_959 = tpu.memref_slice %arg2[%dma_wait3A_956, %dma_wait3A_957, %dma_wait3A_958] : memref<200x64x4096xf32, #tpu.memory_space<hbm>> -> memref<1x4x4096xf32, #tpu.memory_space<hbm>>
    %dma_wait3A_960 = tpu.memref_squeeze %dma_wait3A_959 : memref<1x4x4096xf32, #tpu.memory_space<hbm>> -> memref<4x4096xf32, #tpu.memory_space<hbm>>
    %dma_wait3A_961 = arith.constant 0 : i32
    %dma_wait3A_962 = arith.constant 0 : i32
    %dma_wait3A_963 = tpu.memref_slice %arg2[%dma_wait3A_956, %dma_wait3A_961, %dma_wait3A_962] : memref<200x64x4096xf32, #tpu.memory_space<hbm>> -> memref<1x4x4096xf32, #tpu.memory_space<hbm>>
    %dma_wait3A_964 = tpu.memref_squeeze %dma_wait3A_963 : memref<1x4x4096xf32, #tpu.memory_space<hbm>> -> memref<4x4096xf32, #tpu.memory_space<hbm>>
    tpu.wait_dma2 semaphore(%arg14 : memref<!tpu.dma_semaphore, #tpu.memory_space<semaphore_mem>>) src(%dma_wait3A_964 : memref<4x4096xf32, #tpu.memory_space<hbm>>) dst(%arg5 : memref<4x4096xf32, #tpu.memory_space<vmem>>)
    %dma_wait3A_965 = arith.constant 0 : i32
    %dma_wait3A_966 = arith.constant 0 : i32
    %dma_wait3A_967 = tpu.memref_slice %arg3[%dma_wait3A_965, %dma_wait3A_966] : memref<12800x16xf32, #tpu.memory_space<hbm>> -> memref<4x16xf32, #tpu.memory_space<hbm>>
    %dma_wait3A_968 = arith.constant 0 : i32
    %dma_wait3A_969 = arith.constant 0 : i32
    %dma_wait3A_970 = tpu.memref_slice %arg3[%dma_wait3A_968, %dma_wait3A_969] : memref<12800x16xf32, #tpu.memory_space<hbm>> -> memref<4x16xf32, #tpu.memory_space<hbm>>
    tpu.wait_dma2 semaphore(%arg20 : memref<!tpu.dma_semaphore, #tpu.memory_space<semaphore_mem>>) src(%dma_wait3A_970 : memref<4x16xf32, #tpu.memory_space<hbm>>) dst(%arg11 : memref<4x16xf32, #tpu.memory_space<vmem>>)
    %dma_wait3A_971 = arith.constant 0 : i32
    %dma_wait3A_972 = arith.constant 0 : i32
    %dma_wait3A_973 = arith.constant 0 : i32
    %dma_wait3A_974 = tpu.memref_slice %arg4[%dma_wait3A_971, %dma_wait3A_972, %dma_wait3A_973] : memref<200x64x4096xf32, #tpu.memory_space<hbm>> -> memref<1x4x4096xf32, #tpu.memory_space<hbm>>
    %dma_wait3A_975 = tpu.memref_squeeze %dma_wait3A_974 : memref<1x4x4096xf32, #tpu.memory_space<hbm>> -> memref<4x4096xf32, #tpu.memory_space<hbm>>
    %dma_wait3A_976 = arith.constant 0 : i32
    %dma_wait3A_977 = arith.constant 0 : i32
    %dma_wait3A_978 = tpu.memref_slice %arg4[%dma_wait3A_971, %dma_wait3A_976, %dma_wait3A_977] : memref<200x64x4096xf32, #tpu.memory_space<hbm>> -> memref<1x4x4096xf32, #tpu.memory_space<hbm>>
    %dma_wait3A_979 = tpu.memref_squeeze %dma_wait3A_978 : memref<1x4x4096xf32, #tpu.memory_space<hbm>> -> memref<4x4096xf32, #tpu.memory_space<hbm>>
    tpu.wait_dma2 semaphore(%arg17 : memref<!tpu.dma_semaphore, #tpu.memory_space<semaphore_mem>>) src(%arg8 : memref<4x4096xf32, #tpu.memory_space<vmem>>) dst(%dma_wait3A_979 : memref<4x4096xf32, #tpu.memory_space<hbm>>)
    %get3A_980 = arith.constant 0 : i32
    %get3A_981 = arith.index_cast %get3A_980 : i32 to index
    %get3A_982 = arith.constant 0 : index
    %get3A_983 = tpu.vector_load %arg11[%get3A_981, %get3A_982] {strides = array<i32>} : memref<4x16xf32, #tpu.memory_space<vmem>>, vector<1x16xf32>,
    %get3A_984 = vector.shape_cast %get3A_983 : vector<1x16xf32> to vector<16xf32>
    %get3A_985 = arith.constant 1 : i32
    %get3A_986 = arith.index_cast %get3A_985 : i32 to index
    %get3A_987 = arith.constant 0 : index
    %get3A_988 = tpu.vector_load %arg11[%get3A_986, %get3A_987] {strides = array<i32>} : memref<4x16xf32, #tpu.memory_space<vmem>>, vector<1x16xf32>,
    %get3A_989 = vector.shape_cast %get3A_988 : vector<1x16xf32> to vector<16xf32>
    %get3A_990 = arith.constant 2 : i32
    %get3A_991 = arith.index_cast %get3A_990 : i32 to index
    %get3A_992 = arith.constant 0 : index
    %get3A_993 = tpu.vector_load %arg11[%get3A_991, %get3A_992] {strides = array<i32>} : memref<4x16xf32, #tpu.memory_space<vmem>>, vector<1x16xf32>,
    %get3A_994 = vector.shape_cast %get3A_993 : vector<1x16xf32> to vector<16xf32>
    %get3A_995 = arith.constant 3 : i32
    %get3A_996 = arith.index_cast %get3A_995 : i32 to index
    %get3A_997 = arith.constant 0 : index
    %get3A_998 = tpu.vector_load %arg11[%get3A_996, %get3A_997] {strides = array<i32>} : memref<4x16xf32, #tpu.memory_space<vmem>>, vector<1x16xf32>,
    %get3A_999 = vector.shape_cast %get3A_998 : vector<1x16xf32> to vector<16xf32>
    %parallel_loop3A_1000 = arith.constant 0 : i32
    %parallel_loop3A_1001 = arith.constant 256 : i32
    %parallel_loop3A_1002 = arith.constant 1 : i32
    scf.for %parallel_loop3A_1080 = %parallel_loop3A_1000 to %parallel_loop3A_1001 step %parallel_loop3A_1002  : i32 {
      %parallel_loop3A_1081 = arith.constant 16 : i32
      %parallel_loop3A_1082 = arith.muli %parallel_loop3A_1080, %parallel_loop3A_1081 : i32
      %parallel_loop3A_1083 = arith.constant 0 : i32
      %parallel_loop3A_1084 = arith.index_cast %parallel_loop3A_1083 : i32 to index
      %parallel_loop3A_1085 = arith.index_cast %parallel_loop3A_1082 : i32 to index
      %parallel_loop3A_1086 = tpu.vector_load %arg5[%parallel_loop3A_1084, %parallel_loop3A_1085] {strides = array<i32>} : memref<4x4096xf32, #tpu.memory_space<vmem>>, vector<1x16xf32>,
      %parallel_loop3A_1087 = vector.shape_cast %parallel_loop3A_1086 : vector<1x16xf32> to vector<16xf32>
      %parallel_loop3A_1088 = arith.addf %parallel_loop3A_1087, %get3A_984 : vector<16xf32>
      %parallel_loop3A_1089 = arith.constant 0 : i32
      %parallel_loop3A_1090 = arith.index_cast %parallel_loop3A_1089 : i32 to index
      %parallel_loop3A_1091 = arith.index_cast %parallel_loop3A_1082 : i32 to index
      %parallel_loop3A_1092 = tpu.vector_load %arg8[%parallel_loop3A_1090, %parallel_loop3A_1091] {strides = array<i32>} : memref<4x4096xf32, #tpu.memory_space<vmem>>, vector<1x16xf32>,
      %parallel_loop3A_1093 = vector.shape_cast %parallel_loop3A_1092 : vector<1x16xf32> to vector<16xf32>
      %parallel_loop3A_1094 = vector.shape_cast %parallel_loop3A_1088 : vector<16xf32> to vector<1x16xf32>
      tpu.vector_store %arg8[%parallel_loop3A_1090, %parallel_loop3A_1091], %parallel_loop3A_1094 {strides = array<i32>} : memref<4x4096xf32, #tpu.memory_space<vmem>>, vector<1x16xf32>,
      %parallel_loop3A_1095 = arith.constant 1 : i32
      %parallel_loop3A_1096 = arith.index_cast %parallel_loop3A_1095 : i32 to index
      %parallel_loop3A_1097 = arith.index_cast %parallel_loop3A_1082 : i32 to index
      %parallel_loop3A_1098 = tpu.vector_load %arg5[%parallel_loop3A_1096, %parallel_loop3A_1097] {strides = array<i32>} : memref<4x4096xf32, #tpu.memory_space<vmem>>, vector<1x16xf32>,
      %parallel_loop3A_1099 = vector.shape_cast %parallel_loop3A_1098 : vector<1x16xf32> to vector<16xf32>
      %parallel_loop3A_1100 = arith.addf %parallel_loop3A_1099, %get3A_989 : vector<16xf32>
      %parallel_loop3A_1101 = arith.constant 1 : i32
      %parallel_loop3A_1102 = arith.index_cast %parallel_loop3A_1101 : i32 to index
      %parallel_loop3A_1103 = arith.index_cast %parallel_loop3A_1082 : i32 to index
      %parallel_loop3A_1104 = tpu.vector_load %arg8[%parallel_loop3A_1102, %parallel_loop3A_1103] {strides = array<i32>} : memref<4x4096xf32, #tpu.memory_space<vmem>>, vector<1x16xf32>,
      %parallel_loop3A_1105 = vector.shape_cast %parallel_loop3A_1104 : vector<1x16xf32> to vector<16xf32>
      %parallel_loop3A_1106 = vector.shape_cast %parallel_loop3A_1100 : vector<16xf32> to vector<1x16xf32>
      tpu.vector_store %arg8[%parallel_loop3A_1102, %parallel_loop3A_1103], %parallel_loop3A_1106 {strides = array<i32>} : memref<4x4096xf32, #tpu.memory_space<vmem>>, vector<1x16xf32>,
      %parallel_loop3A_1107 = arith.constant 2 : i32
      %parallel_loop3A_1108 = arith.index_cast %parallel_loop3A_1107 : i32 to index
      %parallel_loop3A_1109 = arith.index_cast %parallel_loop3A_1082 : i32 to index
      %parallel_loop3A_1110 = tpu.vector_load %arg5[%parallel_loop3A_1108, %parallel_loop3A_1109] {strides = array<i32>} : memref<4x4096xf32, #tpu.memory_space<vmem>>, vector<1x16xf32>,
      %parallel_loop3A_1111 = vector.shape_cast %parallel_loop3A_1110 : vector<1x16xf32> to vector<16xf32>
      %parallel_loop3A_1112 = arith.addf %parallel_loop3A_1111, %get3A_994 : vector<16xf32>
      %parallel_loop3A_1113 = arith.constant 2 : i32
      %parallel_loop3A_1114 = arith.index_cast %parallel_loop3A_1113 : i32 to index
      %parallel_loop3A_1115 = arith.index_cast %parallel_loop3A_1082 : i32 to index
      %parallel_loop3A_1116 = tpu.vector_load %arg8[%parallel_loop3A_1114, %parallel_loop3A_1115] {strides = array<i32>} : memref<4x4096xf32, #tpu.memory_space<vmem>>, vector<1x16xf32>,
      %parallel_loop3A_1117 = vector.shape_cast %parallel_loop3A_1116 : vector<1x16xf32> to vector<16xf32>
      %parallel_loop3A_1118 = vector.shape_cast %parallel_loop3A_1112 : vector<16xf32> to vector<1x16xf32>
      tpu.vector_store %arg8[%parallel_loop3A_1114, %parallel_loop3A_1115], %parallel_loop3A_1118 {strides = array<i32>} : memref<4x4096xf32, #tpu.memory_space<vmem>>, vector<1x16xf32>,
      %parallel_loop3A_1119 = arith.constant 3 : i32
      %parallel_loop3A_1120 = arith.index_cast %parallel_loop3A_1119 : i32 to index
      %parallel_loop3A_1121 = arith.index_cast %parallel_loop3A_1082 : i32 to index
      %parallel_loop3A_1122 = tpu.vector_load %arg5[%parallel_loop3A_1120, %parallel_loop3A_1121] {strides = array<i32>} : memref<4x4096xf32, #tpu.memory_space<vmem>>, vector<1x16xf32>,
      %parallel_loop3A_1123 = vector.shape_cast %parallel_loop3A_1122 : vector<1x16xf32> to vector<16xf32>
      %parallel_loop3A_1124 = arith.addf %parallel_loop3A_1123, %get3A_999 : vector<16xf32>
      %parallel_loop3A_1125 = arith.constant 3 : i32
      %parallel_loop3A_1126 = arith.index_cast %parallel_loop3A_1125 : i32 to index
      %parallel_loop3A_1127 = arith.index_cast %parallel_loop3A_1082 : i32 to index
      %parallel_loop3A_1128 = tpu.vector_load %arg8[%parallel_loop3A_1126, %parallel_loop3A_1127] {strides = array<i32>} : memref<4x4096xf32, #tpu.memory_space<vmem>>, vector<1x16xf32>,
      %parallel_loop3A_1129 = vector.shape_cast %parallel_loop3A_1128 : vector<1x16xf32> to vector<16xf32>
      %parallel_loop3A_1130 = vector.shape_cast %parallel_loop3A_1124 : vector<16xf32> to vector<1x16xf32>
      tpu.vector_store %arg8[%parallel_loop3A_1126, %parallel_loop3A_1127], %parallel_loop3A_1130 {strides = array<i32>} : memref<4x4096xf32, #tpu.memory_space<vmem>>, vector<1x16xf32>,
    } {sc.loop_unroll_factor = 8 : i64, sc.parallel_access}
    %add3A_1003 = arith.constant 99 : i32
    %add3A_1004 = arith.addi %mul3A_2, %add3A_1003 : i32
    %jit3A_1005 = arith.constant 16 : i32
    %div3A_1006 = arith.divsi %add3A_1004, %jit3A_1005 : i32
    %sign3A_1007 = arith.constant 0 : i32
    %sign3A_1008 = arith.cmpi sgt, %add3A_1004, %sign3A_1007 : i32
    %sign3A_1009 = arith.extui %sign3A_1008 : i1 to i32
    %sign3A_1010 = arith.constant 0 : i32
    %sign3A_1011 = arith.cmpi slt, %add3A_1004, %sign3A_1010 : i32
    %sign3A_1012 = arith.extui %sign3A_1011 : i1 to i32
    %sign3A_1013 = arith.subi %sign3A_1009, %sign3A_1012 : i32
    %sign3A_1014 = arith.constant 0 : i32
    %sign3A_1015 = arith.cmpi sgt, %jit3A_1005, %sign3A_1014 : i32
    %sign3A_1016 = arith.extui %sign3A_1015 : i1 to i32
    %sign3A_1017 = arith.constant 0 : i32
    %sign3A_1018 = arith.cmpi slt, %jit3A_1005, %sign3A_1017 : i32
    %sign3A_1019 = arith.extui %sign3A_1018 : i1 to i32
    %sign3A_1020 = arith.subi %sign3A_1016, %sign3A_1019 : i32
    %ne3A_1021 = arith.cmpi ne, %sign3A_1013, %sign3A_1020 : i32
    %rem3A_1022 = arith.remsi %add3A_1004, %jit3A_1005 : i32
    %ne3A_1023 = arith.constant 0 : i32
    %ne3A_1024 = arith.cmpi ne, %rem3A_1022, %ne3A_1023 : i32
    %and3A_1025 = arith.andi %ne3A_1021, %ne3A_1024 : i1
    %sub3A_1026 = arith.constant 1 : i32
    %sub3A_1027 = arith.subi %div3A_1006, %sub3A_1026 : i32
    %select_n3A_1028 = arith.select %and3A_1025, %sub3A_1027, %div3A_1006 : i32
    %jit3A_1029 = arith.constant 16 : i32
    %eq3A_1030 = arith.constant 0 : i32
    %eq3A_1031 = arith.cmpi eq, %jit3A_1029, %eq3A_1030 : i32
    %jit3A_1032 = arith.constant 1 : i32
    %select_n3A_1033 = arith.select %eq3A_1031, %jit3A_1032, %jit3A_1029 : i32
    %rem3A_1034 = arith.remsi %add3A_1004, %select_n3A_1033 : i32
    %ne3A_1035 = arith.constant 0 : i32
    %ne3A_1036 = arith.cmpi ne, %rem3A_1034, %ne3A_1035 : i32
    %lt3A_1037 = arith.constant 0 : i32
    %lt3A_1038 = arith.cmpi slt, %rem3A_1034, %lt3A_1037 : i32
    %lt3A_1039 = arith.constant 0 : i32
    %lt3A_1040 = arith.cmpi slt, %select_n3A_1033, %lt3A_1039 : i32
    %ne3A_1041 = arith.xori %lt3A_1038, %lt3A_1040 : i1
    %and3A_1042 = arith.andi %ne3A_1041, %ne3A_1036 : i1
    %add3A_1043 = arith.addi %rem3A_1034, %select_n3A_1033 : i32
    %select_n3A_1044 = arith.select %and3A_1042, %add3A_1043, %rem3A_1034 : i32
    %mul3A_1045 = arith.constant 4 : i32
    %mul3A_1046 = arith.muli %select_n3A_1044, %mul3A_1045 : i32
    %dma_start3A_1047 = arith.constant 0 : i32
    %dma_start3A_1048 = tpu.memref_slice %arg4[%select_n3A_1028, %mul3A_1046, %dma_start3A_1047] : memref<200x64x4096xf32, #tpu.memory_space<hbm>> -> memref<1x4x4096xf32, #tpu.memory_space<hbm>>
    %dma_start3A_1049 = tpu.memref_squeeze %dma_start3A_1048 : memref<1x4x4096xf32, #tpu.memory_space<hbm>> -> memref<4x4096xf32, #tpu.memory_space<hbm>>
    %dma_start3A_1050 = arith.constant 0 : i32
    %dma_start3A_1051 = tpu.memref_slice %arg4[%select_n3A_1028, %mul3A_1046, %dma_start3A_1050] : memref<200x64x4096xf32, #tpu.memory_space<hbm>> -> memref<1x4x4096xf32, #tpu.memory_space<hbm>>
    %dma_start3A_1052 = tpu.memref_squeeze %dma_start3A_1051 : memref<1x4x4096xf32, #tpu.memory_space<hbm>> -> memref<4x4096xf32, #tpu.memory_space<hbm>>
    tpu.enqueue_dma source(%arg8 : memref<4x4096xf32, #tpu.memory_space<vmem>>) target(%dma_start3A_1052 : memref<4x4096xf32, #tpu.memory_space<hbm>>) target_semaphore(%arg17 : memref<!tpu.dma_semaphore, #tpu.memory_space<semaphore_mem>>)
    %dma_wait3A_1053 = arith.constant 0 : i32
    %dma_wait3A_1054 = arith.constant 0 : i32
    %dma_wait3A_1055 = arith.constant 0 : i32
    %dma_wait3A_1056 = tpu.memref_slice %arg4[%dma_wait3A_1053, %dma_wait3A_1054, %dma_wait3A_1055] : memref<200x64x4096xf32, #tpu.memory_space<hbm>> -> memref<1x4x4096xf32, #tpu.memory_space<hbm>>
    %dma_wait3A_1057 = tpu.memref_squeeze %dma_wait3A_1056 : memref<1x4x4096xf32, #tpu.memory_space<hbm>> -> memref<4x4096xf32, #tpu.memory_space<hbm>>
    %dma_wait3A_1058 = arith.constant 0 : i32
    %dma_wait3A_1059 = arith.constant 0 : i32
    %dma_wait3A_1060 = tpu.memref_slice %arg4[%dma_wait3A_1053, %dma_wait3A_1058, %dma_wait3A_1059] : memref<200x64x4096xf32, #tpu.memory_space<hbm>> -> memref<1x4x4096xf32, #tpu.memory_space<hbm>>
    %dma_wait3A_1061 = tpu.memref_squeeze %dma_wait3A_1060 : memref<1x4x4096xf32, #tpu.memory_space<hbm>> -> memref<4x4096xf32, #tpu.memory_space<hbm>>
    tpu.wait_dma2 semaphore(%arg17 : memref<!tpu.dma_semaphore, #tpu.memory_space<semaphore_mem>>) src(%arg8 : memref<4x4096xf32, #tpu.memory_space<vmem>>) dst(%dma_wait3A_1061 : memref<4x4096xf32, #tpu.memory_space<hbm>>)
    %dma_wait3A_1062 = arith.constant 0 : i32
    %dma_wait3A_1063 = arith.constant 0 : i32
    %dma_wait3A_1064 = arith.constant 0 : i32
    %dma_wait3A_1065 = tpu.memref_slice %arg4[%dma_wait3A_1062, %dma_wait3A_1063, %dma_wait3A_1064] : memref<200x64x4096xf32, #tpu.memory_space<hbm>> -> memref<1x4x4096xf32, #tpu.memory_space<hbm>>
    %dma_wait3A_1066 = tpu.memref_squeeze %dma_wait3A_1065 : memref<1x4x4096xf32, #tpu.memory_space<hbm>> -> memref<4x4096xf32, #tpu.memory_space<hbm>>
    %dma_wait3A_1067 = arith.constant 0 : i32
    %dma_wait3A_1068 = arith.constant 0 : i32
    %dma_wait3A_1069 = tpu.memref_slice %arg4[%dma_wait3A_1062, %dma_wait3A_1067, %dma_wait3A_1068] : memref<200x64x4096xf32, #tpu.memory_space<hbm>> -> memref<1x4x4096xf32, #tpu.memory_space<hbm>>
    %dma_wait3A_1070 = tpu.memref_squeeze %dma_wait3A_1069 : memref<1x4x4096xf32, #tpu.memory_space<hbm>> -> memref<4x4096xf32, #tpu.memory_space<hbm>>
    tpu.wait_dma2 semaphore(%arg18 : memref<!tpu.dma_semaphore, #tpu.memory_space<semaphore_mem>>) src(%arg9 : memref<4x4096xf32, #tpu.memory_space<vmem>>) dst(%dma_wait3A_1070 : memref<4x4096xf32, #tpu.memory_space<hbm>>)
    %dma_wait3A_1071 = arith.constant 0 : i32
    %dma_wait3A_1072 = arith.constant 0 : i32
    %dma_wait3A_1073 = arith.constant 0 : i32
    %dma_wait3A_1074 = tpu.memref_slice %arg4[%dma_wait3A_1071, %dma_wait3A_1072, %dma_wait3A_1073] : memref<200x64x4096xf32, #tpu.memory_space<hbm>> -> memref<1x4x4096xf32, #tpu.memory_space<hbm>>
    %dma_wait3A_1075 = tpu.memref_squeeze %dma_wait3A_1074 : memref<1x4x4096xf32, #tpu.memory_space<hbm>> -> memref<4x4096xf32, #tpu.memory_space<hbm>>
    %dma_wait3A_1076 = arith.constant 0 : i32
    %dma_wait3A_1077 = arith.constant 0 : i32
    %dma_wait3A_1078 = tpu.memref_slice %arg4[%dma_wait3A_1071, %dma_wait3A_1076, %dma_wait3A_1077] : memref<200x64x4096xf32, #tpu.memory_space<hbm>> -> memref<1x4x4096xf32, #tpu.memory_space<hbm>>
    %dma_wait3A_1079 = tpu.memref_squeeze %dma_wait3A_1078 : memref<1x4x4096xf32, #tpu.memory_space<hbm>> -> memref<4x4096xf32, #tpu.memory_space<hbm>>
    tpu.wait_dma2 semaphore(%arg19 : memref<!tpu.dma_semaphore, #tpu.memory_space<semaphore_mem>>) src(%arg10 : memref<4x4096xf32, #tpu.memory_space<vmem>>) dst(%dma_wait3A_1079 : memref<4x4096xf32, #tpu.memory_space<hbm>>)
    return
  }
}

</mosaic_0001>

<sc_bundles>
// kernel: kernel.3.cloned.1.call-start
scs
__scs_entry_jumppad:
0x0: {  	(pc) =	sbr.rel $0x88, $3  }
0x1: {  	(tag) =	ssettag $0x0;
	lr =	simm.s32 $0x1  }
0x2: {  	[smem:$0x3F9F] =	sst lr;
	_ =	strace $0xD0000000  }
0x3: {  	_ = 	snop  }
0x4: {  	_ = 	snop  }
0x5: {  	_ = 	snop  }
0x6: {  	_ = 	snop  }
0x7: {  	_ = 	snop  }
__scs_overlays_trampoline_lowered:
0x8: {  	[smem:$0x3FAE] =	sst s0  }
0x9: {  	[smem:$0x3FAF] =	sst s1  }
0xa: {  	[smem:$0x3FB0] =	sst s2  }
0xb: {  	[smem:$0x3FB1] =	sst s3  }
0xc: {  	[smem:$0x3FB2] =	sst s4  }
0xd: {  	[smem:$0x3FB3] =	sst s5  }
0xe: {  	[smem:$0x3FB4] =	sst s6  }
0xf: {  	[smem:$0x3FB5] =	sst s7  }
0x10: {  	[smem:$0x3FB6] =	sst s8  }
0x11: {  	[smem:$0x3FB7] =	sst s9;
	s0 =	simm.s32 @!p0 $0x0  }
0x12: {  	s1 =	sld [smem:$0x3F9D];
	s0 =	simm.s32 @p0 $0x1  }
0x13: {  	[smem:$0x3FB8] =	sst s0;
	s0 =	simm.s32 @!p1 $0x0  }
0x14: {  	s2 =	sld [smem:$0x3F9C];
	s0 =	simm.s32 @p1 $0x1  }
0x15: {  	[smem:$0x3FB9] =	sst s0;
	s0 =	simm.s32 @!p2 $0x0  }
0x16: {  	s3 =	sld [smem:$0x3FDB];
	s0 =	simm.s32 @p2 $0x1  }
0x17: {  	s4 =	simm.s32 $0x1BF5;
	[smem:$0x3FBB] =	sst s0  }
0x18: {  	s0 =	sld [smem:$0x3F9E];
	_ =	swait.ge [sflag:s4], $0x0  }
0x19: {  	s7 =	sld [smem:$0x3F9F]  }
0x1a: {  	s8 =	sadd.s32 $0xFFFFE003, lr  }
0x1b: {  	s9 =	sadd.s32 $0xFFFFFEF7, lr;
	s5 =	simm.s32 $0xFFFFFFFF;
	p2 =	slt.u32 s8, $0xFFFFF086  }
0x1c: {  	p1 =	slt.u32 s9, $0xF7A;
	s5 =	simm.s32 @!p2 $0x0  }
0x1d: {  	s5 =	simm.s32 @p1 $0x1;
	p0 =	seq.s32 s7, s2  }
0x1e: {  	s7 =	smul.u32 @!p0 $0xF7A, s2;
	p2 =	seq.s32 @!p0 s5, $0x0  }
0x1f: {  	s9 =	smul.u32 $0xF7A, s1;
	s8 =	simm.s32 @!p0 $0x1BF5;
	p2 =	por !p2, p0  }
0x20: {  	[sflag:s8] =	ssyncset.s32 @!p0 $0xFFFFF086;
	s6 =	sadd.s32 @!p0 s3, s7;
	s7 =	simm.s32 @!p0 $0x108  }
0x21: {  	s3 =	sadd.s32 s3, s9;
	s6 =	sadd.s32 @!p0 $0x88, s6;
	s7 =	simm.s32 @p2 $0x1082  }
0x22: {  	[simem:s7], [sflag:s8] =	dma.local @!p0 [hbm:s6], $0xF7A  }
0x23: {  	s9 =	sor.u32 $0xD0000000, s2;
	s6 =	simm.s32 $0x108;
	_ =	swait.ge @!p0 [sflag:s8], $0x0  }
0x24: {  	s3 =	sadd.s32 $0x88, s3;
	s6 =	simm.s32 @!p1 $0x1082;
	[sflag:s4] =	ssyncset.s32 $0xFFFFF086  }
0x25: {  	[simem:s6], [sflag:s4] =	dma.local [hbm:s3], $0xF7A  }
0x26: {  	[smem:$0x3F9F] =	sst s1;
	(tag) =	ssettag s2;
	_ =	strace s9  }
0x27: {  	s1 =	sld [smem:$0x3FAF]  }
0x28: {  	s2 =	sld [smem:$0x3FB0]  }
0x29: {  	s4 =	sld [smem:$0x3FB2]  }
0x2a: {  	p0 =	seq.s32 s5, $0x0;
	s5 =	sld [smem:$0x3FB3]  }
0x2b: {  	s6 =	sld [smem:$0x3FB4]  }
0x2c: {  	s7 =	sld [smem:$0x3FB5]  }
0x2d: {  	s3 =	simm.s32 $0x108;
	s8 =	sld [smem:$0x3FB6]  }
0x2e: {  	s3 =	simm.s32 @!p0 $0x1082;
	s9 =	sld [smem:$0x3FB7]  }
0x2f: {  	lr =	sadd.s32 s0, s3;
	s0 =	sld [smem:$0x3FAE]  }
0x30: {  	s3 =	sld [smem:$0x3FB1]  }
0x31: {  	[smem:$0x3FBA] =	sst s10  }
0x32: {  	s10 =	sld [smem:$0x3FB8];
	_ =	sdelay $0x3  }
0x33: {  	p0 =	seq.s32 s10, $0x1;
	s10 =	sld [smem:$0x3FBA];
	_ =	sdelay $0x3  }
0x34: {  	[smem:$0x3FBA] =	sst s10  }
0x35: {  	s10 =	sld [smem:$0x3FB9];
	_ =	sdelay $0x3  }
0x36: {  	p1 =	seq.s32 s10, $0x1;
	s10 =	sld [smem:$0x3FBA];
	_ =	sdelay $0x3  }
0x37: {  	[smem:$0x3FBA] =	sst s10  }
0x38: {  	s10 =	sld [smem:$0x3FBB]  }
0x39: {  	_ = 	snop;
	(pc) =	sbr.ind lr, $3  }
0x3a: {  	_ = 	snop  }
0x3b: {  	_ = 	snop  }
0x3c: {  	p2 =	seq.s32 s10, $0x1;
	s10 =	sld [smem:$0x3FBA]  }
0x3d: {  	_ =	shalt  }
0x3e: {  	_ =	shalt  }
0x3f: {  	_ =	shalt  }
0x40: {  	_ =	shalt  }
0x41: {  	_ =	shalt  }
0x42: {  	_ =	shalt  }
0x43: {  	_ =	shalt  }
0x44: {  	_ =	shalt  }
0x45: {  	_ =	shalt  }
0x46: {  	_ =	shalt  }
0x47: {  	_ =	shalt  }
0x48: {  	_ =	shalt  }
0x49: {  	_ =	shalt  }
0x4a: {  	_ =	shalt  }
0x4b: {  	_ =	shalt  }
0x4c: {  	_ =	shalt  }
0x4d: {  	_ =	shalt  }
0x4e: {  	_ =	shalt  }
0x4f: {  	_ =	shalt  }
0x50: {  	_ =	shalt  }
0x51: {  	_ =	shalt  }
0x52: {  	_ =	shalt  }
0x53: {  	_ =	shalt  }
0x54: {  	_ =	shalt  }
0x55: {  	_ =	shalt  }
0x56: {  	_ =	shalt  }
0x57: {  	_ =	shalt  }
0x58: {  	_ =	shalt  }
0x59: {  	_ =	shalt  }
0x5a: {  	_ =	shalt  }
0x5b: {  	_ =	shalt  }
0x5c: {  	_ =	shalt  }
0x5d: {  	_ =	shalt  }
0x5e: {  	_ =	shalt  }
0x5f: {  	_ =	shalt  }
0x60: {  	_ =	shalt  }
0x61: {  	_ =	shalt  }
0x62: {  	_ =	shalt  }
0x63: {  	_ =	shalt  }
0x64: {  	_ =	shalt  }
0x65: {  	_ =	shalt  }
0x66: {  	_ =	shalt  }
0x67: {  	_ =	shalt  }
0x68: {  	_ =	shalt  }
0x69: {  	_ =	shalt  }
0x6a: {  	_ =	shalt  }
0x6b: {  	_ =	shalt  }
0x6c: {  	_ =	shalt  }
0x6d: {  	_ =	shalt  }
0x6e: {  	_ =	shalt  }
0x6f: {  	_ =	shalt  }
0x70: {  	_ =	shalt  }
0x71: {  	_ =	shalt  }
0x72: {  	_ =	shalt  }
0x73: {  	_ =	shalt  }
0x74: {  	_ =	shalt  }
0x75: {  	_ =	shalt  }
0x76: {  	_ =	shalt  }
0x77: {  	_ =	shalt  }
0x78: {  	_ =	shalt  }
0x79: {  	_ =	shalt  }
0x7a: {  	_ =	shalt  }
0x7b: {  	_ =	shalt  }
0x7c: {  	_ =	shalt  }
0x7d: {  	_ =	shalt  }
0x7e: {  	_ =	shalt  }
0x7f: {  	_ =	shalt  }
0x80: {  	_ =	shalt  }
0x81: {  	_ =	shalt  }
0x82: {  	_ =	shalt  }
0x83: {  	_ =	shalt  }
0x84: {  	_ =	shalt  }
0x85: {  	_ =	shalt  }
0x86: {  	_ =	shalt  }
0x87: {  	_ =	shalt  }
.Lfunc_end0:
.L_simem_size_0:
called_computation_lowered:
.L_overlay_start_0:
0x88: {  	s2 =	sld [smem:$0x3FD9]  }
0x89: {  	s3 =	sld [smem:$0x3FFE];
	_ =	sdelay $0x1  }
0x8a: {  	s1 =	srdreg.scid  }
0x8b: {  	s0 =	sand.u32 $0x1, s1  }
0x8c: {  	s17 =	sshll.u32 s0, $0xA;
	s2 =	sadd.s32 s3, s2  }
0x8d: {  	s2 =	sadd.s32 s2, s17  }
0x8e: {  	[smem:$0x3FC6] =	sst s2  }
0x8f: {  	_ = 	snop  }
0x90: {  	s2 =	sld [smem:$0x3FC9]  }
0x91: {  	s18 =	sld [smem:$0x3FD0];
	(tm) =	ssettm $0x1  }
0x92: {  	s4 =	sld [smem:$0x3FFB];
	_ =	sdelay $0x3  }
0x93: {  	_ =	strace s4  }
0x94: {  	s4 =	sld [smem:$0x3FFC];
	_ =	sdelay $0x3  }
0x95: {  	_ =	strace s4  }
0x96: {  	s4 =	sld [smem:$0x3FFD];
	_ =	sdelay $0x3  }
0x97: {  	_ =	strace s4  }
0x98: {  	_ =	strace $0x8FFFFFFF  }
0x99: {  	s19 =	sld [smem:$0x3FDB];
	_ =	sdelay $0x1  }
0x9a: {  	s5 =	simm.s32 $_scs_section_size  }
0x9b: {  	s6 =	simm.s32 $_size__tile_overlayer_lowered;
	s7 =	simm.s32 $_tile_overlayer_lowered  }
0x9c: {  	s22 =	simm.s32 $0x1BFF;
	s21 =	sshll.u32 s7, $0x1;
	s4 =	sadd.s32 s5, s19  }
0x9d: {  	s8 =	simm.s32 $0x0;
	s20 =	sshll.u32 s6, $0x1;
	s6 =	sadd.s32 s21, s4  }
0x9e: {  	[timem:s8], [sflag:s22] =	dma.local [hbm:s6], s20  }
0x9f: {  	_ =	swait.ge [sflag:s22], s20  }
0xa0: {  	s5 =	ssub.s32 $0x0, s20;
	[sflag:s22] =	ssyncset.done $0x0  }
0xa1: {  	[sflag:s22] =	ssyncadd.s32 s5;
	_ =	sdelay $0x1  }
0xa2: {  	s23 =	simm.s32 $0x1B8B  }
0xa3: {  	_ =	swait.ge [sflag:s23], $0x1  }
0xa4: {  	[sflag:s23] =	ssyncset.done $0x0  }
0xa5: {  	s25 =	simm.s32 $0x1B8E;
	s24 =	sld [smem:$0x3FFE];
	[sflag:s23] =	ssyncadd.s32 $0xFFFFFFFF  }
0xa6: {  	s26 =	simm.s32 $execute0_lowered;
	[smem:$0x3FD2] =	sst s25  }
0xa7: {  	s6 =	sshll.u32 s26, $0x1;
	_ =	strace $0x80000046;
	[dreg:$0x1] =	wrdreg $0xFFFFFFFF  }
0xa8: {  	s28 =	simm.s32 $_size_execute0_lowered;
	s4 =	sadd.s32 s4, s6;
	[dreg:$0x0] =	wrdreg $0x0  }
0xa9: {  	s6 =	sshll.u32 s28, $0x1;
	[dreg:$0x2] =	wrdreg s4  }
0xaa: {  	[dreg:$0x3] =	wrdreg s6  }
0xab: {  	[dreg:$0x4] =	wrdreg $0xC0  }
0xac: {  	_ =	task [dreg:s8], $0x5FFFF  }
0xad: {  	[dreg:$0x1] =	wrdreg $0xFFFFFFFF  }
0xae: {  	[dreg:$0x0] =	wrdreg $0x60  }
0xaf: {  	[dreg:$0x2] =	wrdreg s2  }
0xb0: {  	[dreg:$0x3] =	wrdreg s24  }
0xb1: {  	[dreg:$0x4] =	wrdreg s18  }
0xb2: {  	[dreg:$0x5] =	wrdreg $0x9  }
0xb3: {  	_ =	task.clear_ibuf [dreg:s8], $0x6FFFF;
	_ =	strace $0x90000046  }
0xb4: {  	s29 =	simm.s32 $0x9;
	_ =	strace $0x80000048  }
0xb5: {  	_ =	swait.ge [sflag:s29], $0x1  }
0xb6: {  	[sflag:s29] =	ssyncadd.s32 $0xFFFFFFFF  }
0xb7: {  	_ =	strace $0x90000048  }
0xb8: {  	_ =	sfence  }
0xb9: {  	s30 =	sld [smem:$0x0];
	_ =	sdelay $0x2  }
0xba: {  	s31 =	sshll.u32 s1, $0xD;
	s1 =	sshrl.u32 s1, $0x2  }
0xbb: {  	s3 =	sand.u32 $0x4000, s31;
	s1 =	sadd.s32 s1, s30  }
0xbc: {  	s0 =	sor.u32 s3, s0;
	s1 =	sshll.u32 s1, $0x11  }
0xbd: {  	s0 =	sor.u32 s1, s0  }
0xbe: {  	s0 =	sadd.s32 $0x8F2B, s0  }
0xbf: {  	[sflag:s0] =	ssyncadd.remote.s32 $0x1  }
0xc0: {  	_ =	sfence.sel $0xFFFF  }
0xc1: {  	[dreg:$0x0] =	wrdreg $0xFFFFFFFF;
	(pc) =	sbr.abs _section_cstart, $3  }
0xc2: {  	[dreg:$0x1] =	wrdreg $0xFFFFFFFF  }
0xc3: {  	_ =	task.clear_ibuf [dreg:s8], $0x2FFFF;
	_ =	strace $0x9FFFFFFF  }
0xc4: {  	(tm) =	ssettm $0x7FFFFFFF  }
0xc5: {  	_ =	shalt  }
tec
execute0_lowered:
.L_overlay_start_1:
0x0: {  	(tag) =	ssettag $0x1  }
0x1: {  	s1 =	rddreg [dreg:$0x0]  }
0x2: {  	s0 =	rddreg [dreg:$0x1]  }
0x3: {  	s3 =	rddreg [dreg:$0x2]  }
0x4: {  	s2 =	srdreg.scid;
	s5 =	stileid.u32  }
0x5: {  	s4 =	simm.s32 $0x0;
	s2 =	sand.u32 $0x1, s2;
	s5 =	sshll.u32 s5, $0x1  }
0x6: {  	s28 =	simm.s32 $0x6;
	[smem:$0x7FF] =	sst s4;
	s7 =	sor.u32 s2, s5  }
0x7: {  	_ =	strace $0x80000047;
	s5 =	sadd.s32 $0x400, s0;
	s8 =	smul.u32 $0x190000, s7  }
0x8: {  	s24 =	ssub.s32 $0x2, s2;
	s25 =	sshll.u32 s7, $0x10;
	s6 =	smul.u32 $0x64, s7  }
0x9: {  	s10 =	sshrl.u32 s24, $0x1;
	s11 =	smul.u32 $0x1900, s7;
	s2 =	sand.u32 $0x30000, s25  }
0xa: {  	s0 =	ssub.s32 s24, s10;
	s9 =	sand.u32 $0x3FC0000, s8;
	s7 =	sor.u32 $0x2, s6  }
0xb: {  	s17 =	sadd.s32 s5, s11;
	s13 =	sor.u32 $0x3, s6;
	s18 =	sadd.s32 $0x5, s6  }
0xc: {  	s24 =	sadd.s32 $0x63, s6;
	s8 =	sshrl.u32 s8, $0x3;
	s0 =	smax.u32 s0, $0x1  }
0xd: {  	s2 =	sor.u32 s2, s9;
	s29 =	sshll.u32 s7, $0xE;
	s31 =	sshll.u32 s13, $0xE  }
0xe: {  	s15 =	sshll.u32 s7, $0x6;
	s19 =	sshll.u32 s18, $0xB;
	s23 =	sshll.u32 s18, $0x6  }
0xf: {  	s25 =	sshll.u32 s24, $0xB;
	s8 =	sadd.s32 s3, s8;
	[dreg:$0x18] =	wrdreg s0  }
0x10: {  	[dreg:$0x5] =	wrdreg s17;
	s0 =	sor.u32 $0x1, s6;
	s18 =	simm.s32 $0xC000  }
0x11: {  	s26 =	sshrl.u32 s2, $0x3;
	s11 =	sand.u32 $0x38000, s29;
	s15 =	sadd.s32 s5, s15  }
0x12: {  	s2 =	sadd.s32 $0x180000, s2;
	s29 =	sadd.s32 $0x30040, s8;
	s8 =	sadd.s32 $0x31000, s8  }
0x13: {  	s12 =	sadd.s32 s1, s26;
	s30 =	sor.u32 $0x40, s26;
	s11 =	sor.u32 s9, s11  }
0x14: {  	[dreg:$0x8] =	wrdreg s15;
	s10 =	sadd.s32 s3, s26;
	s15 =	sadd.s32 $0x40, s1  }
0x15: {  	s2 =	sshrl.u32 s2, $0x3;
	s26 =	sshll.u32 s24, $0x6;
	[dreg:$0x14] =	wrdreg s29  }
0x16: {  	[dreg:$0x15] =	wrdreg s8;
	s8 =	simm.s32 $0x400;
	s24 =	simm.s32 $0x14000  }
0x17: {  	[dreg:$0x4] =	wrdreg s12;
	s14 =	sadd.s32 s1, s30;
	s11 =	sshrl.u32 s11, $0x3  }
0x18: {  	[dreg:$0x9] =	wrdreg s10;
	s12 =	sadd.s32 s3, s30;
	s2 =	sadd.s32 s3, s2  }
0x19: {  	s10 =	simm.s32 $0x18000;
	[dreg:$0x6] =	wrdreg s14;
	s14 =	sand.u32 $0x38000, s31  }
0x1a: {  	s16 =	sadd.s32 s1, s11;
	[dreg:$0xc] =	wrdreg s12;
	s22 =	sadd.s32 s3, s11  }
0x1b: {  	[dreg:$0x12] =	wrdreg s2;
	s2 =	sand.u32 $0xFFF000, s25;
	s31 =	sadd.s32 $0x40, s17  }
0x1c: {  	s17 =	simm.s32 $0x7;
	s25 =	simm.s32 $0x4;
	[dreg:$0x7] =	wrdreg s16  }
0x1d: {  	s11 =	simm.s32 $0x0;
	s9 =	sor.u32 s9, s14;
	[dreg:$0x10] =	wrdreg s22  }
0x1e: {  	s16 =	sshll.u32 s13, $0x6;
	s2 =	sor.u32 $0x40, s2;
	[dreg:$0x19] =	wrdreg s31  }
0x1f: {  	s13 =	simm.s32 $0x8000;
	s14 =	simm.s32 $0x18400;
	s30 =	sadd.s32 s1, s2  }
0x20: {  	s9 =	sshrl.u32 s9, $0x3;
	s2 =	sadd.s32 s3, s2;
	[dreg:$0x16] =	wrdreg s30  }
0x21: {  	s22 =	simm.s32 $0x3;
	s9 =	sadd.s32 s9, s15;
	[dreg:$0x17] =	wrdreg s2  }
0x22: {  	[dreg:$0xa] =	wrdreg s9;
	s9 =	sadd.s32 s5, s16;
	s16 =	sadd.s32 $0x4, s6  }
0x23: {  	s2 =	simm.s32 $0x200;
	[dreg:$0xb] =	wrdreg s9;
	s20 =	sshll.u32 s16, $0xB  }
0x24: {  	s9 =	sand.u32 $0xFFE000, s19;
	s21 =	sshll.u32 s16, $0x6;
	s12 =	sadd.s32 s1, s20  }
0x25: {  	s19 =	simm.s32 $0x2;
	s9 =	sadd.s32 s9, s15;
	[dreg:$0xd] =	wrdreg s12  }
0x26: {  	s15 =	simm.s32 $0x1;
	[dreg:$0xe] =	wrdreg s9;
	s9 =	sadd.s32 s5, s21  }
0x27: {  	s20 =	simm.s32 $0x8;
	[dreg:$0xf] =	wrdreg s9;
	s9 =	sadd.s32 s5, s23  }
0x28: {  	s21 =	simm.s32 $0x10000;
	[dreg:$0x11] =	wrdreg s9;
	s9 =	sadd.s32 s5, s26  }
0x29: {  	s23 =	simm.s32 $0x9;
	s26 =	simm.s32 $0x5;
	[dreg:$0x13] =	wrdreg s9  }
.LBB2_1:
0x2a: {  	[dreg:$0x1a] =	wrdreg s11  }
0x2b: {  	s9 =	rddreg [dreg:$0x4]  }
0x2c: {  	[tilespmem:s4], [sflag:$0x1] =	stream.strided.gather [hbm4b:s9+s2], $0x4000, s8, s2, $0x38;
	[tilespmem:$0x18600] =	vst v63  }
0x2d: {  	s11 =	rddreg [dreg:$0x5]  }
0x2e: {  	[tilespmem:s10], [sflag:$0x7] =	stream.linear.gather [hbm4b:s11+s4], $0x200, $0x38;
	[tilespmem:$0x18600] =	vst v63  }
0x2f: {  	s12 =	rddreg [dreg:$0x6];
	s31 =	simm.s32 $0x4000  }
0x30: {  	[tilespmem:s31], [sflag:$0x2] =	stream.strided.gather [hbm4b:s12+s2], $0x4000, s8, s2, $0x38;
	[tilespmem:$0x18600] =	vst v63  }
0x31: {  	s12 =	rddreg [dreg:$0x19];
	s31 =	simm.s32 $0x18200  }
0x32: {  	[tilespmem:s31], [sflag:$0x8] =	stream.linear.gather [hbm4b:s12+s4], $0x200, $0x38;
	[tilespmem:$0x18600] =	vst v63  }
0x33: {  	s11 =	rddreg [dreg:$0x7]  }
0x34: {  	[tilespmem:s13], [sflag:$0x3] =	stream.strided.gather [hbm4b:s11+s2], $0x4000, s8, s2, $0x38;
	[tilespmem:$0x18600] =	vst v63  }
0x35: {  	s12 =	rddreg [dreg:$0x8]  }
0x36: {  	[tilespmem:s14], [sflag:$0x9] =	stream.linear.gather [hbm4b:s12+s4], $0x200, $0x38;
	[tilespmem:$0x18600] =	vst v63  }
0x37: {  	_ =	swait.ge [sflag:s15], $0x4000  }
0x38: {  	[sflag:s15] =	ssyncset.done $0x0  }
0x39: {  	[sflag:s15] =	ssyncadd.s32 $0xFFFFC000  }
0x3a: {  	_ =	swait.ge [sflag:s17], $0x200  }
0x3b: {  	[sflag:s17] =	ssyncset.done $0x0  }
0x3c: {  	[sflag:s17] =	ssyncadd.s32 $0xFFFFFE00  }
0x3d: {  	v1 =	vld [tilespmem:$0x18000]  }
0x3e: {  	v2 =	vld [tilespmem:$0x18080]  }
0x3f: {  	v3 =	vld [tilespmem:$0x18100]  }
0x40: {  	s31 =	simm.s32 $0x100;
	v0 =	vld [tilespmem:$0x18180]  }
0x41: {  	v4 =	vld [tilespmem:s31+$0xFFFFFF70]  }
0x42: {  	v5 =	vld [tilespmem:s31+$0xFFFFFF10]  }
0x43: {  	v6 =	vld [tilespmem:s31+$0xFFFFFF20]  }
0x44: {  	v7 =	vld [tilespmem:s31+$0xFFFFFF30]  }
0x45: {  	v8 =	vld [tilespmem:s31+$0xFFFFFF40]  }
0x46: {  	v9 =	vld [tilespmem:s31+$0xFFFFFF50];
	v4 =	vadd.f32 v4, v1  }
0x47: {  	s9 =	simm.s32 $0xC100;
	v10 =	vld [tilespmem:s31+$0xFFFFFF60];
	v5 =	vadd.f32 v5, v1  }
0x48: {  	v11 =	vld [tilespmem:s31+$0xFFFFFF00];
	v6 =	vadd.f32 v6, v1;
	[tilespmem:s9+$0xFFFFFF70] =	vst v4  }
0x49: {  	[tilespmem:s9+$0xFFFFFF10] =	vst v5;
	v4 =	vadd.f32 v7, v1;
	v5 =	vld [tilespmem:s31+$0xFFFFFFF0]  }
0x4a: {  	[tilespmem:s9+$0xFFFFFF20] =	vst v6;
	v6 =	vadd.f32 v8, v1;
	v7 =	vld [tilespmem:s31+$0xFFFFFF90]  }
0x4b: {  	v8 =	vld [tilespmem:s31+$0xFFFFFFA0];
	[tilespmem:s9+$0xFFFFFF30] =	vst v4;
	v4 =	vadd.f32 v9, v1  }
0x4c: {  	[tilespmem:s9+$0xFFFFFF40] =	vst v6;
	v6 =	vadd.f32 v10, v1;
	v9 =	vld [tilespmem:s31+$0xFFFFFFB0]  }
0x4d: {  	v10 =	vadd.f32 v11, v1;
	v11 =	vld [tilespmem:s31+$0xFFFFFFC0];
	[tilespmem:s9+$0xFFFFFF50] =	vst v4  }
0x4e: {  	[tilespmem:s9+$0xFFFFFF60] =	vst v6;
	v4 =	vld [tilespmem:s31+$0xFFFFFFD0];
	v5 =	vadd.f32 v5, v2  }
0x4f: {  	[tilespmem:s9+$0xFFFFFF00] =	vst v10;
	v6 =	vadd.f32 v7, v2;
	v7 =	vld [tilespmem:s31+$0xFFFFFFE0]  }
0x50: {  	v10 =	vld [tilespmem:s31+$0xFFFFFF80];
	v8 =	vadd.f32 v8, v2;
	[tilespmem:s9+$0xFFFFFFF0] =	vst v5  }
0x51: {  	[tilespmem:s9+$0xFFFFFF90] =	vst v6;
	v5 =	vadd.f32 v9, v2;
	v6 =	vld [tilespmem:s31+$0x70]  }
0x52: {  	[tilespmem:s9+$0xFFFFFFA0] =	vst v8;
	v8 =	vadd.f32 v11, v2;
	v9 =	vld [tilespmem:s31+$0x10]  }
0x53: {  	v11 =	vld [tilespmem:s31+$0x20];
	[tilespmem:s9+$0xFFFFFFB0] =	vst v5;
	v4 =	vadd.f32 v4, v2  }
0x54: {  	[tilespmem:s9+$0xFFFFFFC0] =	vst v8;
	v5 =	vld [tilespmem:s31+$0x30];
	v7 =	vadd.f32 v7, v2  }
0x55: {  	v8 =	vadd.f32 v10, v2;
	v10 =	vld [tilespmem:s31+$0x40];
	[tilespmem:s9+$0xFFFFFFD0] =	vst v4  }
0x56: {  	v4 =	vld [tilespmem:s31+$0x50];
	[tilespmem:s9+$0xFFFFFFE0] =	vst v7;
	v6 =	vadd.f32 v6, v3  }
0x57: {  	[tilespmem:s9+$0xFFFFFF80] =	vst v8;
	v7 =	vadd.f32 v9, v3;
	v8 =	vld [tilespmem:s31+$0x60]  }
0x58: {  	v9 =	vld [tilespmem:s31+$0x0];
	v11 =	vadd.f32 v11, v3;
	[tilespmem:s9+$0x70] =	vst v6  }
0x59: {  	[tilespmem:s9+$0x10] =	vst v7;
	v5 =	vadd.f32 v5, v3;
	v7 =	vld [tilespmem:s31+$0xF0]  }
0x5a: {  	[tilespmem:s9+$0x20] =	vst v11;
	v6 =	vadd.f32 v10, v3;
	v12 =	vld [tilespmem:s31+$0x90]  }
0x5b: {  	v11 =	vld [tilespmem:s31+$0xA0];
	[tilespmem:s9+$0x30] =	vst v5;
	v5 =	vadd.f32 v4, v3  }
0x5c: {  	[tilespmem:s9+$0x40] =	vst v6;
	v4 =	vld [tilespmem:s31+$0xB0];
	v8 =	vadd.f32 v8, v3  }
0x5d: {  	v9 =	vadd.f32 v9, v3;
	v6 =	vld [tilespmem:s31+$0xC0];
	[tilespmem:s9+$0x50] =	vst v5  }
0x5e: {  	v5 =	vld [tilespmem:s31+$0xD0];
	[tilespmem:s9+$0x60] =	vst v8;
	v13 =	vadd.f32 v7, v0  }
0x5f: {  	[tilespmem:s9+$0x0] =	vst v9;
	v7 =	vld [tilespmem:s31+$0xE0];
	v10 =	vadd.f32 v12, v0  }
0x60: {  	s30 =	simm.s32 $0x0;
	s29 =	simm.s32 $0x300;
	v8 =	vld [tilespmem:s31+$0x80];
	v9 =	vadd.f32 v11, v0;
	[tilespmem:s9+$0xF0] =	vst v13  }
.LBB2_2:
0x61: {  	v11 =	vld [tilespmem:s29+$0xFFFFFF70];
	s30 =	sadd.s32 $0x8, s30;
	[tilespmem:s9+$0x90] =	vst v10;
	v4 =	vadd.f32 v4, v0  }
0x62: {  	v10 =	vld [tilespmem:s29+$0xFFFFFF10];
	p0 =	slt.u32 s30, $0xF8;
	[tilespmem:s9+$0xA0] =	vst v9;
	v6 =	vadd.f32 v6, v0  }
0x63: {  	v9 =	vld [tilespmem:s29+$0xFFFFFF20];
	[tilespmem:s9+$0xB0] =	vst v4;
	v4 =	vadd.f32 v5, v0  }
0x64: {  	v5 =	vld [tilespmem:s29+$0xFFFFFF30];
	[tilespmem:s9+$0xC0] =	vst v6;
	v6 =	vadd.f32 v7, v0  }
0x65: {  	v7 =	vld [tilespmem:s29+$0xFFFFFF40];
	v8 =	vadd.f32 v8, v0;
	[tilespmem:s9+$0xD0] =	vst v4  }
0x66: {  	v4 =	vld [tilespmem:s29+$0xFFFFFF50];
	v11 =	vadd.f32 v11, v1;
	[tilespmem:s9+$0xE0] =	vst v6  }
0x67: {  	v6 =	vadd.f32 v10, v1;
	v10 =	vld [tilespmem:s29+$0xFFFFFF60];
	[tilespmem:s9+$0x80] =	vst v8;
	s9 =	sadd.s32 $0x200, s9  }
0x68: {  	v8 =	vld [tilespmem:s29+$0xFFFFFF00];
	v9 =	vadd.f32 v9, v1;
	[tilespmem:s9+$0xFFFFFF70] =	vst v11  }
0x69: {  	[tilespmem:s9+$0xFFFFFF10] =	vst v6;
	v5 =	vadd.f32 v5, v1;
	v6 =	vld [tilespmem:s29+$0xFFFFFFF0]  }
0x6a: {  	v11 =	vld [tilespmem:s29+$0xFFFFFF90];
	[tilespmem:s9+$0xFFFFFF20] =	vst v9;
	v7 =	vadd.f32 v7, v1  }
0x6b: {  	v9 =	vld [tilespmem:s29+$0xFFFFFFA0];
	[tilespmem:s9+$0xFFFFFF30] =	vst v5;
	v4 =	vadd.f32 v4, v1  }
0x6c: {  	v5 =	vld [tilespmem:s29+$0xFFFFFFB0];
	[tilespmem:s9+$0xFFFFFF40] =	vst v7;
	v7 =	vadd.f32 v10, v1  }
0x6d: {  	v8 =	vadd.f32 v8, v1;
	v10 =	vld [tilespmem:s29+$0xFFFFFFC0];
	[tilespmem:s9+$0xFFFFFF50] =	vst v4  }
0x6e: {  	v4 =	vld [tilespmem:s29+$0xFFFFFFD0];
	[tilespmem:s9+$0xFFFFFF60] =	vst v7;
	v6 =	vadd.f32 v6, v2  }
0x6f: {  	[tilespmem:s9+$0xFFFFFF00] =	vst v8;
	v7 =	vadd.f32 v11, v2;
	v8 =	vld [tilespmem:s29+$0xFFFFFFE0]  }
0x70: {  	v11 =	vld [tilespmem:s29+$0xFFFFFF80];
	v9 =	vadd.f32 v9, v2;
	[tilespmem:s9+$0xFFFFFFF0] =	vst v6  }
0x71: {  	[tilespmem:s9+$0xFFFFFF90] =	vst v7;
	v5 =	vadd.f32 v5, v2;
	v6 =	vld [tilespmem:s29+$0x70]  }
0x72: {  	v7 =	vld [tilespmem:s29+$0x10];
	[tilespmem:s9+$0xFFFFFFA0] =	vst v9;
	v9 =	vadd.f32 v10, v2  }
0x73: {  	v10 =	vld [tilespmem:s29+$0x20];
	[tilespmem:s9+$0xFFFFFFB0] =	vst v5;
	v4 =	vadd.f32 v4, v2  }
0x74: {  	v5 =	vld [tilespmem:s29+$0x30];
	[tilespmem:s9+$0xFFFFFFC0] =	vst v9;
	v8 =	vadd.f32 v8, v2  }
0x75: {  	v9 =	vadd.f32 v11, v2;
	v11 =	vld [tilespmem:s29+$0x40];
	[tilespmem:s9+$0xFFFFFFD0] =	vst v4  }
0x76: {  	v4 =	vld [tilespmem:s29+$0x50];
	[tilespmem:s9+$0xFFFFFFE0] =	vst v8;
	v6 =	vadd.f32 v6, v3  }
0x77: {  	[tilespmem:s9+$0xFFFFFF80] =	vst v9;
	v7 =	vadd.f32 v7, v3;
	v8 =	vld [tilespmem:s29+$0x60]  }
0x78: {  	v9 =	vld [tilespmem:s29+$0x0];
	v10 =	vadd.f32 v10, v3;
	[tilespmem:s9+$0x70] =	vst v6  }
0x79: {  	[tilespmem:s9+$0x10] =	vst v7;
	v5 =	vadd.f32 v5, v3;
	v7 =	vld [tilespmem:s29+$0xF0]  }
0x7a: {  	v12 =	vld [tilespmem:s29+$0x90];
	[tilespmem:s9+$0x20] =	vst v10;
	v6 =	vadd.f32 v11, v3  }
0x7b: {  	v11 =	vld [tilespmem:s29+$0xA0];
	[tilespmem:s9+$0x30] =	vst v5;
	v5 =	vadd.f32 v4, v3  }
.Ltmp0:
0x7c: {  	v4 =	vld [tilespmem:s29+$0xB0];
	[tilespmem:s9+$0x40] =	vst v6;
	v8 =	vadd.f32 v8, v3;
	(pc) =	sbr.rel @p0 .LBB2_2-.Ltmp0, $4  }
0x7d: {  	v9 =	vadd.f32 v9, v3;
	v6 =	vld [tilespmem:s29+$0xC0];
	[tilespmem:s9+$0x50] =	vst v5  }
0x7e: {  	v5 =	vld [tilespmem:s29+$0xD0];
	[tilespmem:s9+$0x60] =	vst v8;
	v13 =	vadd.f32 v7, v0  }
0x7f: {  	[tilespmem:s9+$0x0] =	vst v9;
	v10 =	vadd.f32 v12, v0;
	v7 =	vld [tilespmem:s29+$0xE0]  }
0x80: {  	v8 =	vld [tilespmem:s29+$0x80];
	v9 =	vadd.f32 v11, v0;
	[tilespmem:s9+$0xF0] =	vst v13;
	s29 =	sadd.s32 $0x200, s29  }
0x81: {  	[tilespmem:s9+$0x90] =	vst v10;
	v1 =	vadd.f32 v4, v0  }
0x82: {  	[tilespmem:s9+$0xA0] =	vst v9;
	v2 =	vadd.f32 v6, v0  }
0x83: {  	[tilespmem:s9+$0xB0] =	vst v1;
	v1 =	vadd.f32 v5, v0  }
0x84: {  	[tilespmem:s9+$0xC0] =	vst v2;
	v2 =	vadd.f32 v7, v0  }
0x85: {  	v0 =	vadd.f32 v8, v0;
	[tilespmem:s9+$0xD0] =	vst v1  }
0x86: {  	[tilespmem:s9+$0xE0] =	vst v2  }
0x87: {  	[tilespmem:s9+$0x80] =	vst v0  }
0x88: {  	s9 =	rddreg [dreg:$0x9]  }
0x89: {  	[hbm4b:s9+s2] =	stream.strided.scatter [tilespmem:s18], [sflag:$0x4], $0x4000, s8, s2, $0x38;
	[tilespmem:$0x18600] =	vst v63  }
0x8a: {  	s12 =	rddreg [dreg:$0xa]  }
0x8b: {  	[tilespmem:s4], [sflag:$0x1] =	stream.strided.gather [hbm4b:s12+s2], $0x4000, s8, s2, $0x38;
	[tilespmem:$0x18600] =	vst v63  }
0x8c: {  	s31 =	rddreg [dreg:$0xb]  }
0x8d: {  	[tilespmem:s10], [sflag:$0x7] =	stream.linear.gather [hbm4b:s31+s4], $0x200, $0x38;
	[tilespmem:$0x18600] =	vst v63  }
0x8e: {  	_ =	swait.ge [sflag:s19], $0x4000  }
0x8f: {  	[sflag:s19] =	ssyncset.done $0x0  }
0x90: {  	[sflag:s19] =	ssyncadd.s32 $0xFFFFC000  }
0x91: {  	_ =	swait.ge [sflag:s20], $0x200  }
0x92: {  	[sflag:s20] =	ssyncset.done $0x0  }
0x93: {  	[sflag:s20] =	ssyncadd.s32 $0xFFFFFE00  }
0x94: {  	v1 =	vld [tilespmem:$0x18200]  }
0x95: {  	v2 =	vld [tilespmem:$0x18280]  }
0x96: {  	v3 =	vld [tilespmem:$0x18300]  }
0x97: {  	s11 =	simm.s32 $0x4100;
	v0 =	vld [tilespmem:$0x18380]  }
0x98: {  	v4 =	vld [tilespmem:s11+$0xFFFFFF70]  }
0x99: {  	v5 =	vld [tilespmem:s11+$0xFFFFFF10]  }
0x9a: {  	v6 =	vld [tilespmem:s11+$0xFFFFFF20]  }
0x9b: {  	v7 =	vld [tilespmem:s11+$0xFFFFFF30]  }
0x9c: {  	v8 =	vld [tilespmem:s11+$0xFFFFFF40]  }
0x9d: {  	v9 =	vld [tilespmem:s11+$0xFFFFFF50];
	v4 =	vadd.f32 v4, v1  }
0x9e: {  	s9 =	simm.s32 $0x10100;
	v10 =	vld [tilespmem:s11+$0xFFFFFF60];
	v5 =	vadd.f32 v5, v1  }
0x9f: {  	v11 =	vld [tilespmem:s11+$0xFFFFFF00];
	v6 =	vadd.f32 v6, v1;
	[tilespmem:s9+$0xFFFFFF70] =	vst v4  }
0xa0: {  	[tilespmem:s9+$0xFFFFFF10] =	vst v5;
	v4 =	vadd.f32 v7, v1;
	v5 =	vld [tilespmem:s11+$0xFFFFFFF0]  }
0xa1: {  	[tilespmem:s9+$0xFFFFFF20] =	vst v6;
	v6 =	vadd.f32 v8, v1;
	v7 =	vld [tilespmem:s11+$0xFFFFFF90]  }
0xa2: {  	v8 =	vld [tilespmem:s11+$0xFFFFFFA0];
	[tilespmem:s9+$0xFFFFFF30] =	vst v4;
	v4 =	vadd.f32 v9, v1  }
0xa3: {  	[tilespmem:s9+$0xFFFFFF40] =	vst v6;
	v6 =	vadd.f32 v10, v1;
	v9 =	vld [tilespmem:s11+$0xFFFFFFB0]  }
0xa4: {  	v10 =	vadd.f32 v11, v1;
	v11 =	vld [tilespmem:s11+$0xFFFFFFC0];
	[tilespmem:s9+$0xFFFFFF50] =	vst v4  }
0xa5: {  	[tilespmem:s9+$0xFFFFFF60] =	vst v6;
	v4 =	vld [tilespmem:s11+$0xFFFFFFD0];
	v5 =	vadd.f32 v5, v2  }
0xa6: {  	[tilespmem:s9+$0xFFFFFF00] =	vst v10;
	v6 =	vadd.f32 v7, v2;
	v7 =	vld [tilespmem:s11+$0xFFFFFFE0]  }
0xa7: {  	v10 =	vld [tilespmem:s11+$0xFFFFFF80];
	v8 =	vadd.f32 v8, v2;
	[tilespmem:s9+$0xFFFFFFF0] =	vst v5  }
0xa8: {  	[tilespmem:s9+$0xFFFFFF90] =	vst v6;
	v5 =	vadd.f32 v9, v2;
	v6 =	vld [tilespmem:s11+$0x70]  }
0xa9: {  	[tilespmem:s9+$0xFFFFFFA0] =	vst v8;
	v8 =	vadd.f32 v11, v2;
	v9 =	vld [tilespmem:s11+$0x10]  }
0xaa: {  	v11 =	vld [tilespmem:s11+$0x20];
	[tilespmem:s9+$0xFFFFFFB0] =	vst v5;
	v4 =	vadd.f32 v4, v2  }
0xab: {  	[tilespmem:s9+$0xFFFFFFC0] =	vst v8;
	v5 =	vld [tilespmem:s11+$0x30];
	v7 =	vadd.f32 v7, v2  }
0xac: {  	v8 =	vadd.f32 v10, v2;
	v10 =	vld [tilespmem:s11+$0x40];
	[tilespmem:s9+$0xFFFFFFD0] =	vst v4  }
0xad: {  	v4 =	vld [tilespmem:s11+$0x50];
	[tilespmem:s9+$0xFFFFFFE0] =	vst v7;
	v6 =	vadd.f32 v6, v3  }
0xae: {  	[tilespmem:s9+$0xFFFFFF80] =	vst v8;
	v7 =	vadd.f32 v9, v3;
	v8 =	vld [tilespmem:s11+$0x60]  }
0xaf: {  	v9 =	vld [tilespmem:s11+$0x0];
	v11 =	vadd.f32 v11, v3;
	[tilespmem:s9+$0x70] =	vst v6  }
0xb0: {  	[tilespmem:s9+$0x10] =	vst v7;
	v5 =	vadd.f32 v5, v3;
	v7 =	vld [tilespmem:s11+$0xF0]  }
0xb1: {  	[tilespmem:s9+$0x20] =	vst v11;
	v6 =	vadd.f32 v10, v3;
	v12 =	vld [tilespmem:s11+$0x90]  }
0xb2: {  	v11 =	vld [tilespmem:s11+$0xA0];
	[tilespmem:s9+$0x30] =	vst v5;
	v5 =	vadd.f32 v4, v3  }
0xb3: {  	[tilespmem:s9+$0x40] =	vst v6;
	v4 =	vld [tilespmem:s11+$0xB0];
	v8 =	vadd.f32 v8, v3  }
0xb4: {  	v9 =	vadd.f32 v9, v3;
	v6 =	vld [tilespmem:s11+$0xC0];
	[tilespmem:s9+$0x50] =	vst v5  }
0xb5: {  	v5 =	vld [tilespmem:s11+$0xD0];
	[tilespmem:s9+$0x60] =	vst v8;
	v13 =	vadd.f32 v7, v0  }
0xb6: {  	[tilespmem:s9+$0x0] =	vst v9;
	v7 =	vld [tilespmem:s11+$0xE0];
	v10 =	vadd.f32 v12, v0  }
0xb7: {  	s30 =	simm.s32 $0x0;
	s29 =	simm.s32 $0x4300;
	v8 =	vld [tilespmem:s11+$0x80];
	v9 =	vadd.f32 v11, v0;
	[tilespmem:s9+$0xF0] =	vst v13  }
.LBB2_4:
0xb8: {  	v11 =	vld [tilespmem:s29+$0xFFFFFF70];
	s30 =	sadd.s32 $0x8, s30;
	[tilespmem:s9+$0x90] =	vst v10;
	v4 =	vadd.f32 v4, v0  }
0xb9: {  	v10 =	vld [tilespmem:s29+$0xFFFFFF10];
	p0 =	slt.u32 s30, $0xF8;
	[tilespmem:s9+$0xA0] =	vst v9;
	v6 =	vadd.f32 v6, v0  }
0xba: {  	v9 =	vld [tilespmem:s29+$0xFFFFFF20];
	[tilespmem:s9+$0xB0] =	vst v4;
	v4 =	vadd.f32 v5, v0  }
0xbb: {  	v5 =	vld [tilespmem:s29+$0xFFFFFF30];
	[tilespmem:s9+$0xC0] =	vst v6;
	v6 =	vadd.f32 v7, v0  }
0xbc: {  	v7 =	vld [tilespmem:s29+$0xFFFFFF40];
	v8 =	vadd.f32 v8, v0;
	[tilespmem:s9+$0xD0] =	vst v4  }
0xbd: {  	v4 =	vld [tilespmem:s29+$0xFFFFFF50];
	v11 =	vadd.f32 v11, v1;
	[tilespmem:s9+$0xE0] =	vst v6  }
0xbe: {  	v6 =	vadd.f32 v10, v1;
	v10 =	vld [tilespmem:s29+$0xFFFFFF60];
	[tilespmem:s9+$0x80] =	vst v8;
	s9 =	sadd.s32 $0x200, s9  }
0xbf: {  	v8 =	vld [tilespmem:s29+$0xFFFFFF00];
	v9 =	vadd.f32 v9, v1;
	[tilespmem:s9+$0xFFFFFF70] =	vst v11  }
0xc0: {  	[tilespmem:s9+$0xFFFFFF10] =	vst v6;
	v5 =	vadd.f32 v5, v1;
	v6 =	vld [tilespmem:s29+$0xFFFFFFF0]  }
0xc1: {  	v11 =	vld [tilespmem:s29+$0xFFFFFF90];
	[tilespmem:s9+$0xFFFFFF20] =	vst v9;
	v7 =	vadd.f32 v7, v1  }
0xc2: {  	v9 =	vld [tilespmem:s29+$0xFFFFFFA0];
	[tilespmem:s9+$0xFFFFFF30] =	vst v5;
	v4 =	vadd.f32 v4, v1  }
0xc3: {  	v5 =	vld [tilespmem:s29+$0xFFFFFFB0];
	[tilespmem:s9+$0xFFFFFF40] =	vst v7;
	v7 =	vadd.f32 v10, v1  }
0xc4: {  	v8 =	vadd.f32 v8, v1;
	v10 =	vld [tilespmem:s29+$0xFFFFFFC0];
	[tilespmem:s9+$0xFFFFFF50] =	vst v4  }
0xc5: {  	v4 =	vld [tilespmem:s29+$0xFFFFFFD0];
	[tilespmem:s9+$0xFFFFFF60] =	vst v7;
	v6 =	vadd.f32 v6, v2  }
0xc6: {  	[tilespmem:s9+$0xFFFFFF00] =	vst v8;
	v7 =	vadd.f32 v11, v2;
	v8 =	vld [tilespmem:s29+$0xFFFFFFE0]  }
0xc7: {  	v11 =	vld [tilespmem:s29+$0xFFFFFF80];
	v9 =	vadd.f32 v9, v2;
	[tilespmem:s9+$0xFFFFFFF0] =	vst v6  }
0xc8: {  	[tilespmem:s9+$0xFFFFFF90] =	vst v7;
	v5 =	vadd.f32 v5, v2;
	v6 =	vld [tilespmem:s29+$0x70]  }
0xc9: {  	v7 =	vld [tilespmem:s29+$0x10];
	[tilespmem:s9+$0xFFFFFFA0] =	vst v9;
	v9 =	vadd.f32 v10, v2  }
0xca: {  	v10 =	vld [tilespmem:s29+$0x20];
	[tilespmem:s9+$0xFFFFFFB0] =	vst v5;
	v4 =	vadd.f32 v4, v2  }
0xcb: {  	v5 =	vld [tilespmem:s29+$0x30];
	[tilespmem:s9+$0xFFFFFFC0] =	vst v9;
	v8 =	vadd.f32 v8, v2  }
0xcc: {  	v9 =	vadd.f32 v11, v2;
	v11 =	vld [tilespmem:s29+$0x40];
	[tilespmem:s9+$0xFFFFFFD0] =	vst v4  }
0xcd: {  	v4 =	vld [tilespmem:s29+$0x50];
	[tilespmem:s9+$0xFFFFFFE0] =	vst v8;
	v6 =	vadd.f32 v6, v3  }
0xce: {  	[tilespmem:s9+$0xFFFFFF80] =	vst v9;
	v7 =	vadd.f32 v7, v3;
	v8 =	vld [tilespmem:s29+$0x60]  }
0xcf: {  	v9 =	vld [tilespmem:s29+$0x0];
	v10 =	vadd.f32 v10, v3;
	[tilespmem:s9+$0x70] =	vst v6  }
0xd0: {  	[tilespmem:s9+$0x10] =	vst v7;
	v5 =	vadd.f32 v5, v3;
	v7 =	vld [tilespmem:s29+$0xF0]  }
0xd1: {  	v12 =	vld [tilespmem:s29+$0x90];
	[tilespmem:s9+$0x20] =	vst v10;
	v6 =	vadd.f32 v11, v3  }
0xd2: {  	v11 =	vld [tilespmem:s29+$0xA0];
	[tilespmem:s9+$0x30] =	vst v5;
	v5 =	vadd.f32 v4, v3  }
.Ltmp1:
0xd3: {  	v4 =	vld [tilespmem:s29+$0xB0];
	[tilespmem:s9+$0x40] =	vst v6;
	v8 =	vadd.f32 v8, v3;
	(pc) =	sbr.rel @p0 .LBB2_4-.Ltmp1, $4  }
0xd4: {  	v9 =	vadd.f32 v9, v3;
	v6 =	vld [tilespmem:s29+$0xC0];
	[tilespmem:s9+$0x50] =	vst v5  }
0xd5: {  	v5 =	vld [tilespmem:s29+$0xD0];
	[tilespmem:s9+$0x60] =	vst v8;
	v13 =	vadd.f32 v7, v0  }
0xd6: {  	[tilespmem:s9+$0x0] =	vst v9;
	v10 =	vadd.f32 v12, v0;
	v7 =	vld [tilespmem:s29+$0xE0]  }
0xd7: {  	v8 =	vld [tilespmem:s29+$0x80];
	v9 =	vadd.f32 v11, v0;
	[tilespmem:s9+$0xF0] =	vst v13;
	s29 =	sadd.s32 $0x200, s29  }
0xd8: {  	[tilespmem:s9+$0x90] =	vst v10;
	v1 =	vadd.f32 v4, v0  }
0xd9: {  	[tilespmem:s9+$0xA0] =	vst v9;
	v2 =	vadd.f32 v6, v0  }
0xda: {  	[tilespmem:s9+$0xB0] =	vst v1;
	v1 =	vadd.f32 v5, v0  }
0xdb: {  	[tilespmem:s9+$0xC0] =	vst v2;
	v2 =	vadd.f32 v7, v0  }
0xdc: {  	v0 =	vadd.f32 v8, v0;
	[tilespmem:s9+$0xD0] =	vst v1  }
0xdd: {  	[tilespmem:s9+$0xE0] =	vst v2  }
0xde: {  	[tilespmem:s9+$0x80] =	vst v0  }
0xdf: {  	s9 =	rddreg [dreg:$0xc]  }
0xe0: {  	[hbm4b:s9+s2] =	stream.strided.scatter [tilespmem:s21], [sflag:$0x5], $0x4000, s8, s2, $0x38;
	[tilespmem:$0x18600] =	vst v63  }
0xe1: {  	s11 =	simm.s32 $0x4000;
	s31 =	rddreg [dreg:$0xd]  }
0xe2: {  	[tilespmem:s11], [sflag:$0x2] =	stream.strided.gather [hbm4b:s31+s2], $0x4000, s8, s2, $0x38;
	[tilespmem:$0x18600] =	vst v63  }
0xe3: {  	s12 =	simm.s32 $0x18200;
	s11 =	rddreg [dreg:$0xf]  }
0xe4: {  	[tilespmem:s12], [sflag:$0x8] =	stream.linear.gather [hbm4b:s11+s4], $0x200, $0x38;
	[tilespmem:$0x18600] =	vst v63  }
0xe5: {  	_ =	swait.ge [sflag:s22], $0x4000  }
0xe6: {  	[sflag:s22] =	ssyncset.done $0x0  }
0xe7: {  	[sflag:s22] =	ssyncadd.s32 $0xFFFFC000  }
0xe8: {  	_ =	swait.ge [sflag:s23], $0x200  }
0xe9: {  	[sflag:s23] =	ssyncset.done $0x0  }
0xea: {  	[sflag:s23] =	ssyncadd.s32 $0xFFFFFE00  }
0xeb: {  	v1 =	vld [tilespmem:$0x18400]  }
0xec: {  	v2 =	vld [tilespmem:$0x18480]  }
0xed: {  	v3 =	vld [tilespmem:$0x18500]  }
0xee: {  	s31 =	simm.s32 $0x8100;
	v0 =	vld [tilespmem:$0x18580]  }
0xef: {  	v4 =	vld [tilespmem:s31+$0xFFFFFF70]  }
0xf0: {  	v5 =	vld [tilespmem:s31+$0xFFFFFF10]  }
0xf1: {  	v6 =	vld [tilespmem:s31+$0xFFFFFF20]  }
0xf2: {  	v7 =	vld [tilespmem:s31+$0xFFFFFF30]  }
0xf3: {  	v8 =	vld [tilespmem:s31+$0xFFFFFF40]  }
0xf4: {  	v9 =	vld [tilespmem:s31+$0xFFFFFF50];
	v4 =	vadd.f32 v4, v1  }
0xf5: {  	s9 =	simm.s32 $0x14100;
	v10 =	vld [tilespmem:s31+$0xFFFFFF60];
	v5 =	vadd.f32 v5, v1  }
0xf6: {  	v11 =	vld [tilespmem:s31+$0xFFFFFF00];
	v6 =	vadd.f32 v6, v1;
	[tilespmem:s9+$0xFFFFFF70] =	vst v4  }
0xf7: {  	[tilespmem:s9+$0xFFFFFF10] =	vst v5;
	v4 =	vadd.f32 v7, v1;
	v5 =	vld [tilespmem:s31+$0xFFFFFFF0]  }
0xf8: {  	[tilespmem:s9+$0xFFFFFF20] =	vst v6;
	v6 =	vadd.f32 v8, v1;
	v7 =	vld [tilespmem:s31+$0xFFFFFF90]  }
0xf9: {  	v8 =	vld [tilespmem:s31+$0xFFFFFFA0];
	[tilespmem:s9+$0xFFFFFF30] =	vst v4;
	v4 =	vadd.f32 v9, v1  }
0xfa: {  	[tilespmem:s9+$0xFFFFFF40] =	vst v6;
	v6 =	vadd.f32 v10, v1;
	v9 =	vld [tilespmem:s31+$0xFFFFFFB0]  }
0xfb: {  	v10 =	vadd.f32 v11, v1;
	v11 =	vld [tilespmem:s31+$0xFFFFFFC0];
	[tilespmem:s9+$0xFFFFFF50] =	vst v4  }
0xfc: {  	[tilespmem:s9+$0xFFFFFF60] =	vst v6;
	v4 =	vld [tilespmem:s31+$0xFFFFFFD0];
	v5 =	vadd.f32 v5, v2  }
0xfd: {  	[tilespmem:s9+$0xFFFFFF00] =	vst v10;
	v6 =	vadd.f32 v7, v2;
	v7 =	vld [tilespmem:s31+$0xFFFFFFE0]  }
0xfe: {  	v10 =	vld [tilespmem:s31+$0xFFFFFF80];
	v8 =	vadd.f32 v8, v2;
	[tilespmem:s9+$0xFFFFFFF0] =	vst v5  }
0xff: {  	[tilespmem:s9+$0xFFFFFF90] =	vst v6;
	v5 =	vadd.f32 v9, v2;
	v6 =	vld [tilespmem:s31+$0x70]  }
0x100: {  	[tilespmem:s9+$0xFFFFFFA0] =	vst v8;
	v8 =	vadd.f32 v11, v2;
	v9 =	vld [tilespmem:s31+$0x10]  }
0x101: {  	v11 =	vld [tilespmem:s31+$0x20];
	[tilespmem:s9+$0xFFFFFFB0] =	vst v5;
	v4 =	vadd.f32 v4, v2  }
0x102: {  	[tilespmem:s9+$0xFFFFFFC0] =	vst v8;
	v5 =	vld [tilespmem:s31+$0x30];
	v7 =	vadd.f32 v7, v2  }
0x103: {  	v8 =	vadd.f32 v10, v2;
	v10 =	vld [tilespmem:s31+$0x40];
	[tilespmem:s9+$0xFFFFFFD0] =	vst v4  }
0x104: {  	v4 =	vld [tilespmem:s31+$0x50];
	[tilespmem:s9+$0xFFFFFFE0] =	vst v7;
	v6 =	vadd.f32 v6, v3  }
0x105: {  	[tilespmem:s9+$0xFFFFFF80] =	vst v8;
	v7 =	vadd.f32 v9, v3;
	v8 =	vld [tilespmem:s31+$0x60]  }
0x106: {  	v9 =	vld [tilespmem:s31+$0x0];
	v11 =	vadd.f32 v11, v3;
	[tilespmem:s9+$0x70] =	vst v6  }
0x107: {  	[tilespmem:s9+$0x10] =	vst v7;
	v5 =	vadd.f32 v5, v3;
	v7 =	vld [tilespmem:s31+$0xF0]  }
0x108: {  	[tilespmem:s9+$0x20] =	vst v11;
	v6 =	vadd.f32 v10, v3;
	v12 =	vld [tilespmem:s31+$0x90]  }
0x109: {  	v11 =	vld [tilespmem:s31+$0xA0];
	[tilespmem:s9+$0x30] =	vst v5;
	v5 =	vadd.f32 v4, v3  }
0x10a: {  	[tilespmem:s9+$0x40] =	vst v6;
	v4 =	vld [tilespmem:s31+$0xB0];
	v8 =	vadd.f32 v8, v3  }
0x10b: {  	v9 =	vadd.f32 v9, v3;
	v6 =	vld [tilespmem:s31+$0xC0];
	[tilespmem:s9+$0x50] =	vst v5  }
0x10c: {  	v5 =	vld [tilespmem:s31+$0xD0];
	[tilespmem:s9+$0x60] =	vst v8;
	v13 =	vadd.f32 v7, v0  }
0x10d: {  	[tilespmem:s9+$0x0] =	vst v9;
	v7 =	vld [tilespmem:s31+$0xE0];
	v10 =	vadd.f32 v12, v0  }
0x10e: {  	s30 =	simm.s32 $0x0;
	s29 =	simm.s32 $0x8300;
	v8 =	vld [tilespmem:s31+$0x80];
	v9 =	vadd.f32 v11, v0;
	[tilespmem:s9+$0xF0] =	vst v13  }
.LBB2_6:
0x10f: {  	v11 =	vld [tilespmem:s29+$0xFFFFFF70];
	s30 =	sadd.s32 $0x8, s30;
	[tilespmem:s9+$0x90] =	vst v10;
	v4 =	vadd.f32 v4, v0  }
0x110: {  	v10 =	vld [tilespmem:s29+$0xFFFFFF10];
	p0 =	slt.u32 s30, $0xF8;
	[tilespmem:s9+$0xA0] =	vst v9;
	v6 =	vadd.f32 v6, v0  }
0x111: {  	v9 =	vld [tilespmem:s29+$0xFFFFFF20];
	[tilespmem:s9+$0xB0] =	vst v4;
	v4 =	vadd.f32 v5, v0  }
0x112: {  	v5 =	vld [tilespmem:s29+$0xFFFFFF30];
	[tilespmem:s9+$0xC0] =	vst v6;
	v6 =	vadd.f32 v7, v0  }
0x113: {  	v7 =	vld [tilespmem:s29+$0xFFFFFF40];
	v8 =	vadd.f32 v8, v0;
	[tilespmem:s9+$0xD0] =	vst v4  }
0x114: {  	v4 =	vld [tilespmem:s29+$0xFFFFFF50];
	v11 =	vadd.f32 v11, v1;
	[tilespmem:s9+$0xE0] =	vst v6  }
0x115: {  	v6 =	vadd.f32 v10, v1;
	v10 =	vld [tilespmem:s29+$0xFFFFFF60];
	[tilespmem:s9+$0x80] =	vst v8;
	s9 =	sadd.s32 $0x200, s9  }
0x116: {  	v8 =	vld [tilespmem:s29+$0xFFFFFF00];
	v9 =	vadd.f32 v9, v1;
	[tilespmem:s9+$0xFFFFFF70] =	vst v11  }
0x117: {  	[tilespmem:s9+$0xFFFFFF10] =	vst v6;
	v5 =	vadd.f32 v5, v1;
	v6 =	vld [tilespmem:s29+$0xFFFFFFF0]  }
0x118: {  	v11 =	vld [tilespmem:s29+$0xFFFFFF90];
	[tilespmem:s9+$0xFFFFFF20] =	vst v9;
	v7 =	vadd.f32 v7, v1  }
0x119: {  	v9 =	vld [tilespmem:s29+$0xFFFFFFA0];
	[tilespmem:s9+$0xFFFFFF30] =	vst v5;
	v4 =	vadd.f32 v4, v1  }
0x11a: {  	v5 =	vld [tilespmem:s29+$0xFFFFFFB0];
	[tilespmem:s9+$0xFFFFFF40] =	vst v7;
	v7 =	vadd.f32 v10, v1  }
0x11b: {  	v8 =	vadd.f32 v8, v1;
	v10 =	vld [tilespmem:s29+$0xFFFFFFC0];
	[tilespmem:s9+$0xFFFFFF50] =	vst v4  }
0x11c: {  	v4 =	vld [tilespmem:s29+$0xFFFFFFD0];
	[tilespmem:s9+$0xFFFFFF60] =	vst v7;
	v6 =	vadd.f32 v6, v2  }
0x11d: {  	[tilespmem:s9+$0xFFFFFF00] =	vst v8;
	v7 =	vadd.f32 v11, v2;
	v8 =	vld [tilespmem:s29+$0xFFFFFFE0]  }
0x11e: {  	v11 =	vld [tilespmem:s29+$0xFFFFFF80];
	v9 =	vadd.f32 v9, v2;
	[tilespmem:s9+$0xFFFFFFF0] =	vst v6  }
0x11f: {  	[tilespmem:s9+$0xFFFFFF90] =	vst v7;
	v5 =	vadd.f32 v5, v2;
	v6 =	vld [tilespmem:s29+$0x70]  }
0x120: {  	v7 =	vld [tilespmem:s29+$0x10];
	[tilespmem:s9+$0xFFFFFFA0] =	vst v9;
	v9 =	vadd.f32 v10, v2  }
0x121: {  	v10 =	vld [tilespmem:s29+$0x20];
	[tilespmem:s9+$0xFFFFFFB0] =	vst v5;
	v4 =	vadd.f32 v4, v2  }
0x122: {  	v5 =	vld [tilespmem:s29+$0x30];
	[tilespmem:s9+$0xFFFFFFC0] =	vst v9;
	v8 =	vadd.f32 v8, v2  }
0x123: {  	v9 =	vadd.f32 v11, v2;
	v11 =	vld [tilespmem:s29+$0x40];
	[tilespmem:s9+$0xFFFFFFD0] =	vst v4  }
0x124: {  	v4 =	vld [tilespmem:s29+$0x50];
	[tilespmem:s9+$0xFFFFFFE0] =	vst v8;
	v6 =	vadd.f32 v6, v3  }
0x125: {  	[tilespmem:s9+$0xFFFFFF80] =	vst v9;
	v7 =	vadd.f32 v7, v3;
	v8 =	vld [tilespmem:s29+$0x60]  }
0x126: {  	v9 =	vld [tilespmem:s29+$0x0];
	v10 =	vadd.f32 v10, v3;
	[tilespmem:s9+$0x70] =	vst v6  }
0x127: {  	[tilespmem:s9+$0x10] =	vst v7;
	v5 =	vadd.f32 v5, v3;
	v7 =	vld [tilespmem:s29+$0xF0]  }
0x128: {  	v12 =	vld [tilespmem:s29+$0x90];
	[tilespmem:s9+$0x20] =	vst v10;
	v6 =	vadd.f32 v11, v3  }
0x129: {  	v11 =	vld [tilespmem:s29+$0xA0];
	[tilespmem:s9+$0x30] =	vst v5;
	v5 =	vadd.f32 v4, v3  }
.Ltmp2:
0x12a: {  	v4 =	vld [tilespmem:s29+$0xB0];
	[tilespmem:s9+$0x40] =	vst v6;
	v8 =	vadd.f32 v8, v3;
	(pc) =	sbr.rel @p0 .LBB2_6-.Ltmp2, $4  }
0x12b: {  	v9 =	vadd.f32 v9, v3;
	v6 =	vld [tilespmem:s29+$0xC0];
	[tilespmem:s9+$0x50] =	vst v5  }
0x12c: {  	v5 =	vld [tilespmem:s29+$0xD0];
	[tilespmem:s9+$0x60] =	vst v8;
	v13 =	vadd.f32 v7, v0  }
0x12d: {  	[tilespmem:s9+$0x0] =	vst v9;
	v10 =	vadd.f32 v12, v0;
	v7 =	vld [tilespmem:s29+$0xE0]  }
0x12e: {  	v8 =	vld [tilespmem:s29+$0x80];
	v9 =	vadd.f32 v11, v0;
	[tilespmem:s9+$0xF0] =	vst v13;
	s29 =	sadd.s32 $0x200, s29  }
0x12f: {  	[tilespmem:s9+$0x90] =	vst v10;
	v1 =	vadd.f32 v4, v0  }
0x130: {  	[tilespmem:s9+$0xA0] =	vst v9;
	v2 =	vadd.f32 v6, v0  }
0x131: {  	[tilespmem:s9+$0xB0] =	vst v1;
	v61 =	vadd.f32 v5, v0  }
0x132: {  	[tilespmem:s9+$0xC0] =	vst v2;
	v62 =	vadd.f32 v7, v0  }
0x133: {  	v63 =	vadd.f32 v8, v0;
	[tilespmem:s9+$0xD0] =	vst v61  }
0x134: {  	[tilespmem:s9+$0xE0] =	vst v62  }
0x135: {  	[tilespmem:s9+$0x80] =	vst v63  }
0x136: {  	s9 =	rddreg [dreg:$0x10]  }
0x137: {  	[hbm4b:s9+s2] =	stream.strided.scatter [tilespmem:s24], [sflag:$0x6], $0x4000, s8, s2, $0x38;
	[tilespmem:$0x18600] =	vst v63  }
0x138: {  	s29 =	rddreg [dreg:$0xe]  }
0x139: {  	[tilespmem:s13], [sflag:$0x3] =	stream.strided.gather [hbm4b:s29+s2], $0x4000, s8, s2, $0x38;
	[tilespmem:$0x18600] =	vst v63  }
0x13a: {  	s30 =	simm.s32 $0x1;
	s31 =	rddreg [dreg:$0x11]  }
0x13b: {  	[tilespmem:s14], [sflag:$0x9] =	stream.linear.gather [hbm4b:s31+s4], $0x200, $0x38;
	[tilespmem:$0x18600] =	vst v63  }
.LBB2_8:
0x13c: {  	_ =	swait.ge [sflag:s15], $0x4000  }
0x13d: {  	[sflag:s15] =	ssyncset.done $0x0  }
0x13e: {  	[sflag:s15] =	ssyncadd.s32 $0xFFFFC000  }
0x13f: {  	_ =	swait.ge [sflag:s17], $0x200  }
0x140: {  	[sflag:s17] =	ssyncset.done $0x0  }
0x141: {  	[sflag:s17] =	ssyncadd.s32 $0xFFFFFE00  }
0x142: {  	_ =	swait.ge [sflag:s25], $0x4000  }
0x143: {  	[sflag:s25] =	ssyncset.done $0x0  }
0x144: {  	[sflag:s25] =	ssyncadd.s32 $0xFFFFC000  }
0x145: {  	v1 =	vld [tilespmem:$0x18000]  }
0x146: {  	v2 =	vld [tilespmem:$0x18080]  }
0x147: {  	v3 =	vld [tilespmem:$0x18100]  }
0x148: {  	s11 =	simm.s32 $0x100;
	v0 =	vld [tilespmem:$0x18180]  }
0x149: {  	v4 =	vld [tilespmem:s11+$0xFFFFFF70]  }
0x14a: {  	v5 =	vld [tilespmem:s11+$0xFFFFFF10]  }
0x14b: {  	v6 =	vld [tilespmem:s11+$0xFFFFFF20]  }
0x14c: {  	v7 =	vld [tilespmem:s11+$0xFFFFFF30]  }
0x14d: {  	v8 =	vld [tilespmem:s11+$0xFFFFFF40]  }
0x14e: {  	v9 =	vld [tilespmem:s11+$0xFFFFFF50];
	v4 =	vadd.f32 v4, v1  }
0x14f: {  	s9 =	simm.s32 $0xC100;
	v10 =	vld [tilespmem:s11+$0xFFFFFF60];
	v5 =	vadd.f32 v5, v1  }
0x150: {  	v11 =	vld [tilespmem:s11+$0xFFFFFF00];
	v6 =	vadd.f32 v6, v1;
	[tilespmem:s9+$0xFFFFFF70] =	vst v4  }
0x151: {  	[tilespmem:s9+$0xFFFFFF10] =	vst v5;
	v4 =	vadd.f32 v7, v1;
	v5 =	vld [tilespmem:s11+$0xFFFFFFF0]  }
0x152: {  	[tilespmem:s9+$0xFFFFFF20] =	vst v6;
	v6 =	vadd.f32 v8, v1;
	v7 =	vld [tilespmem:s11+$0xFFFFFF90]  }
0x153: {  	v8 =	vld [tilespmem:s11+$0xFFFFFFA0];
	[tilespmem:s9+$0xFFFFFF30] =	vst v4;
	v4 =	vadd.f32 v9, v1  }
0x154: {  	[tilespmem:s9+$0xFFFFFF40] =	vst v6;
	v6 =	vadd.f32 v10, v1;
	v9 =	vld [tilespmem:s11+$0xFFFFFFB0]  }
0x155: {  	v10 =	vadd.f32 v11, v1;
	v11 =	vld [tilespmem:s11+$0xFFFFFFC0];
	[tilespmem:s9+$0xFFFFFF50] =	vst v4  }
0x156: {  	[tilespmem:s9+$0xFFFFFF60] =	vst v6;
	v4 =	vld [tilespmem:s11+$0xFFFFFFD0];
	v5 =	vadd.f32 v5, v2  }
0x157: {  	[tilespmem:s9+$0xFFFFFF00] =	vst v10;
	v6 =	vadd.f32 v7, v2;
	v7 =	vld [tilespmem:s11+$0xFFFFFFE0]  }
0x158: {  	v10 =	vld [tilespmem:s11+$0xFFFFFF80];
	v8 =	vadd.f32 v8, v2;
	[tilespmem:s9+$0xFFFFFFF0] =	vst v5  }
0x159: {  	[tilespmem:s9+$0xFFFFFF90] =	vst v6;
	v5 =	vadd.f32 v9, v2;
	v6 =	vld [tilespmem:s11+$0x70]  }
0x15a: {  	[tilespmem:s9+$0xFFFFFFA0] =	vst v8;
	v8 =	vadd.f32 v11, v2;
	v9 =	vld [tilespmem:s11+$0x10]  }
0x15b: {  	v11 =	vld [tilespmem:s11+$0x20];
	[tilespmem:s9+$0xFFFFFFB0] =	vst v5;
	v4 =	vadd.f32 v4, v2  }
0x15c: {  	[tilespmem:s9+$0xFFFFFFC0] =	vst v8;
	v5 =	vld [tilespmem:s11+$0x30];
	v7 =	vadd.f32 v7, v2  }
0x15d: {  	v8 =	vadd.f32 v10, v2;
	v10 =	vld [tilespmem:s11+$0x40];
	[tilespmem:s9+$0xFFFFFFD0] =	vst v4  }
0x15e: {  	v4 =	vld [tilespmem:s11+$0x50];
	[tilespmem:s9+$0xFFFFFFE0] =	vst v7;
	v6 =	vadd.f32 v6, v3  }
0x15f: {  	[tilespmem:s9+$0xFFFFFF80] =	vst v8;
	v7 =	vadd.f32 v9, v3;
	v8 =	vld [tilespmem:s11+$0x60]  }
0x160: {  	v9 =	vld [tilespmem:s11+$0x0];
	v11 =	vadd.f32 v11, v3;
	[tilespmem:s9+$0x70] =	vst v6  }
0x161: {  	[tilespmem:s9+$0x10] =	vst v7;
	v5 =	vadd.f32 v5, v3;
	v7 =	vld [tilespmem:s11+$0xF0]  }
0x162: {  	[tilespmem:s9+$0x20] =	vst v11;
	v6 =	vadd.f32 v10, v3;
	v12 =	vld [tilespmem:s11+$0x90]  }
0x163: {  	v11 =	vld [tilespmem:s11+$0xA0];
	[tilespmem:s9+$0x30] =	vst v5;
	v5 =	vadd.f32 v4, v3  }
0x164: {  	[tilespmem:s9+$0x40] =	vst v6;
	v4 =	vld [tilespmem:s11+$0xB0];
	v8 =	vadd.f32 v8, v3  }
0x165: {  	v9 =	vadd.f32 v9, v3;
	v6 =	vld [tilespmem:s11+$0xC0];
	[tilespmem:s9+$0x50] =	vst v5  }
0x166: {  	v5 =	vld [tilespmem:s11+$0xD0];
	[tilespmem:s9+$0x60] =	vst v8;
	v13 =	vadd.f32 v7, v0  }
0x167: {  	[tilespmem:s9+$0x0] =	vst v9;
	v7 =	vld [tilespmem:s11+$0xE0];
	v10 =	vadd.f32 v12, v0  }
0x168: {  	s31 =	simm.s32 $0x0;
	s29 =	simm.s32 $0x300;
	v8 =	vld [tilespmem:s11+$0x80];
	v9 =	vadd.f32 v11, v0;
	[tilespmem:s9+$0xF0] =	vst v13  }
.LBB2_9:
0x169: {  	v11 =	vld [tilespmem:s29+$0xFFFFFF70];
	s31 =	sadd.s32 $0x8, s31;
	[tilespmem:s9+$0x90] =	vst v10;
	v4 =	vadd.f32 v4, v0  }
0x16a: {  	v10 =	vld [tilespmem:s29+$0xFFFFFF10];
	p0 =	slt.u32 s31, $0xF8;
	[tilespmem:s9+$0xA0] =	vst v9;
	v6 =	vadd.f32 v6, v0  }
0x16b: {  	v9 =	vld [tilespmem:s29+$0xFFFFFF20];
	[tilespmem:s9+$0xB0] =	vst v4;
	v4 =	vadd.f32 v5, v0  }
0x16c: {  	v5 =	vld [tilespmem:s29+$0xFFFFFF30];
	[tilespmem:s9+$0xC0] =	vst v6;
	v6 =	vadd.f32 v7, v0  }
0x16d: {  	v7 =	vld [tilespmem:s29+$0xFFFFFF40];
	v8 =	vadd.f32 v8, v0;
	[tilespmem:s9+$0xD0] =	vst v4  }
0x16e: {  	v4 =	vld [tilespmem:s29+$0xFFFFFF50];
	v11 =	vadd.f32 v11, v1;
	[tilespmem:s9+$0xE0] =	vst v6  }
0x16f: {  	v6 =	vadd.f32 v10, v1;
	v10 =	vld [tilespmem:s29+$0xFFFFFF60];
	[tilespmem:s9+$0x80] =	vst v8;
	s9 =	sadd.s32 $0x200, s9  }
0x170: {  	v8 =	vld [tilespmem:s29+$0xFFFFFF00];
	v9 =	vadd.f32 v9, v1;
	[tilespmem:s9+$0xFFFFFF70] =	vst v11  }
0x171: {  	[tilespmem:s9+$0xFFFFFF10] =	vst v6;
	v5 =	vadd.f32 v5, v1;
	v6 =	vld [tilespmem:s29+$0xFFFFFFF0]  }
0x172: {  	v11 =	vld [tilespmem:s29+$0xFFFFFF90];
	[tilespmem:s9+$0xFFFFFF20] =	vst v9;
	v7 =	vadd.f32 v7, v1  }
0x173: {  	v9 =	vld [tilespmem:s29+$0xFFFFFFA0];
	[tilespmem:s9+$0xFFFFFF30] =	vst v5;
	v4 =	vadd.f32 v4, v1  }
0x174: {  	v5 =	vld [tilespmem:s29+$0xFFFFFFB0];
	[tilespmem:s9+$0xFFFFFF40] =	vst v7;
	v7 =	vadd.f32 v10, v1  }
0x175: {  	v8 =	vadd.f32 v8, v1;
	v10 =	vld [tilespmem:s29+$0xFFFFFFC0];
	[tilespmem:s9+$0xFFFFFF50] =	vst v4  }
0x176: {  	v4 =	vld [tilespmem:s29+$0xFFFFFFD0];
	[tilespmem:s9+$0xFFFFFF60] =	vst v7;
	v6 =	vadd.f32 v6, v2  }
0x177: {  	[tilespmem:s9+$0xFFFFFF00] =	vst v8;
	v7 =	vadd.f32 v11, v2;
	v8 =	vld [tilespmem:s29+$0xFFFFFFE0]  }
0x178: {  	v11 =	vld [tilespmem:s29+$0xFFFFFF80];
	v9 =	vadd.f32 v9, v2;
	[tilespmem:s9+$0xFFFFFFF0] =	vst v6  }
0x179: {  	[tilespmem:s9+$0xFFFFFF90] =	vst v7;
	v5 =	vadd.f32 v5, v2;
	v6 =	vld [tilespmem:s29+$0x70]  }
0x17a: {  	v7 =	vld [tilespmem:s29+$0x10];
	[tilespmem:s9+$0xFFFFFFA0] =	vst v9;
	v9 =	vadd.f32 v10, v2  }
0x17b: {  	v10 =	vld [tilespmem:s29+$0x20];
	[tilespmem:s9+$0xFFFFFFB0] =	vst v5;
	v4 =	vadd.f32 v4, v2  }
0x17c: {  	v5 =	vld [tilespmem:s29+$0x30];
	[tilespmem:s9+$0xFFFFFFC0] =	vst v9;
	v8 =	vadd.f32 v8, v2  }
0x17d: {  	v9 =	vadd.f32 v11, v2;
	v11 =	vld [tilespmem:s29+$0x40];
	[tilespmem:s9+$0xFFFFFFD0] =	vst v4  }
0x17e: {  	v4 =	vld [tilespmem:s29+$0x50];
	[tilespmem:s9+$0xFFFFFFE0] =	vst v8;
	v6 =	vadd.f32 v6, v3  }
0x17f: {  	[tilespmem:s9+$0xFFFFFF80] =	vst v9;
	v7 =	vadd.f32 v7, v3;
	v8 =	vld [tilespmem:s29+$0x60]  }
0x180: {  	v9 =	vld [tilespmem:s29+$0x0];
	v10 =	vadd.f32 v10, v3;
	[tilespmem:s9+$0x70] =	vst v6  }
0x181: {  	[tilespmem:s9+$0x10] =	vst v7;
	v5 =	vadd.f32 v5, v3;
	v7 =	vld [tilespmem:s29+$0xF0]  }
0x182: {  	v12 =	vld [tilespmem:s29+$0x90];
	[tilespmem:s9+$0x20] =	vst v10;
	v6 =	vadd.f32 v11, v3  }
0x183: {  	v11 =	vld [tilespmem:s29+$0xA0];
	[tilespmem:s9+$0x30] =	vst v5;
	v5 =	vadd.f32 v4, v3  }
.Ltmp3:
0x184: {  	v4 =	vld [tilespmem:s29+$0xB0];
	[tilespmem:s9+$0x40] =	vst v6;
	v8 =	vadd.f32 v8, v3;
	(pc) =	sbr.rel @p0 .LBB2_9-.Ltmp3, $4  }
0x185: {  	v9 =	vadd.f32 v9, v3;
	v6 =	vld [tilespmem:s29+$0xC0];
	[tilespmem:s9+$0x50] =	vst v5  }
0x186: {  	v5 =	vld [tilespmem:s29+$0xD0];
	[tilespmem:s9+$0x60] =	vst v8;
	v13 =	vadd.f32 v7, v0  }
0x187: {  	[tilespmem:s9+$0x0] =	vst v9;
	v10 =	vadd.f32 v12, v0;
	v7 =	vld [tilespmem:s29+$0xE0]  }
0x188: {  	v8 =	vld [tilespmem:s29+$0x80];
	v9 =	vadd.f32 v11, v0;
	[tilespmem:s9+$0xF0] =	vst v13;
	s29 =	sadd.s32 $0x200, s29  }
0x189: {  	[tilespmem:s9+$0x90] =	vst v10;
	v1 =	vadd.f32 v4, v0;
	s31 =	smul.u32 $0x3, s30  }
0x18a: {  	[tilespmem:s9+$0xA0] =	vst v9;
	v2 =	vadd.f32 v6, v0  }
0x18b: {  	[tilespmem:s9+$0xB0] =	vst v1;
	v1 =	vadd.f32 v5, v0;
	s11 =	sadd.s32 s6, s31  }
0x18c: {  	[tilespmem:s9+$0xC0] =	vst v2;
	v2 =	vadd.f32 v7, v0;
	s29 =	sshll.u32 s11, $0x6  }
0x18d: {  	s11 =	sshll.u32 s11, $0xB;
	v0 =	vadd.f32 v8, v0;
	[tilespmem:s9+$0xD0] =	vst v1;
	s29 =	sand.u32 $0x40, s29  }
0x18e: {  	s11 =	sand.u32 $0xFFFF000, s11;
	[tilespmem:s9+$0xE0] =	vst v2;
	s29 =	sadd.s32 s3, s29  }
0x18f: {  	[tilespmem:s9+$0x80] =	vst v0;
	s11 =	sadd.s32 s11, s29;
	s9 =	sadd.s32 $0x3, s31  }
0x190: {  	[hbm4b:s11+s2] =	stream.strided.scatter [tilespmem:s18], [sflag:$0x4], $0x4000, s8, s2, $0x38;
	[tilespmem:$0x18600] =	vst v63  }
0x191: {  	s12 =	sadd.s32 s6, s9  }
0x192: {  	s29 =	sshll.u32 s12, $0x6  }
0x193: {  	s9 =	sshll.u32 s9, $0x6;
	s11 =	sshll.u32 s12, $0xB;
	s12 =	sand.u32 $0x40, s29  }
0x194: {  	s9 =	sand.u32 $0x40, s9;
	s11 =	sand.u32 $0xFFFF000, s11;
	s12 =	sadd.s32 s1, s12  }
0x195: {  	s9 =	sadd.s32 s5, s9;
	s11 =	sadd.s32 s11, s12;
	s12 =	sand.u32 $0xFFFFF80, s29  }
0x196: {  	[tilespmem:s4], [sflag:$0x1] =	stream.strided.gather [hbm4b:s11+s2], $0x4000, s8, s2, $0x38;
	[tilespmem:$0x18600] =	vst v63  }
0x197: {  	s9 =	sadd.s32 s12, s9  }
0x198: {  	[tilespmem:s10], [sflag:$0x7] =	stream.linear.gather [hbm4b:s9+s4], $0x200, $0x38;
	[tilespmem:$0x18600] =	vst v63  }
0x199: {  	_ =	swait.ge [sflag:s19], $0x4000  }
0x19a: {  	[sflag:s19] =	ssyncset.done $0x0  }
0x19b: {  	[sflag:s19] =	ssyncadd.s32 $0xFFFFC000  }
0x19c: {  	_ =	swait.ge [sflag:s20], $0x200  }
0x19d: {  	[sflag:s20] =	ssyncset.done $0x0  }
0x19e: {  	[sflag:s20] =	ssyncadd.s32 $0xFFFFFE00  }
0x19f: {  	_ =	swait.ge [sflag:s26], $0x4000  }
0x1a0: {  	[sflag:s26] =	ssyncset.done $0x0  }
0x1a1: {  	[sflag:s26] =	ssyncadd.s32 $0xFFFFC000  }
0x1a2: {  	v1 =	vld [tilespmem:$0x18200]  }
0x1a3: {  	v2 =	vld [tilespmem:$0x18280]  }
0x1a4: {  	v3 =	vld [tilespmem:$0x18300]  }
0x1a5: {  	s12 =	simm.s32 $0x4100;
	v0 =	vld [tilespmem:$0x18380]  }
0x1a6: {  	v4 =	vld [tilespmem:s12+$0xFFFFFF70]  }
0x1a7: {  	v5 =	vld [tilespmem:s12+$0xFFFFFF10]  }
0x1a8: {  	v6 =	vld [tilespmem:s12+$0xFFFFFF20]  }
0x1a9: {  	v7 =	vld [tilespmem:s12+$0xFFFFFF30]  }
0x1aa: {  	v8 =	vld [tilespmem:s12+$0xFFFFFF40]  }
0x1ab: {  	v9 =	vld [tilespmem:s12+$0xFFFFFF50];
	v4 =	vadd.f32 v4, v1  }
0x1ac: {  	s9 =	simm.s32 $0x10100;
	v10 =	vld [tilespmem:s12+$0xFFFFFF60];
	v5 =	vadd.f32 v5, v1  }
0x1ad: {  	v11 =	vld [tilespmem:s12+$0xFFFFFF00];
	v6 =	vadd.f32 v6, v1;
	[tilespmem:s9+$0xFFFFFF70] =	vst v4  }
0x1ae: {  	[tilespmem:s9+$0xFFFFFF10] =	vst v5;
	v4 =	vadd.f32 v7, v1;
	v5 =	vld [tilespmem:s12+$0xFFFFFFF0]  }
0x1af: {  	[tilespmem:s9+$0xFFFFFF20] =	vst v6;
	v6 =	vadd.f32 v8, v1;
	v7 =	vld [tilespmem:s12+$0xFFFFFF90]  }
0x1b0: {  	v8 =	vld [tilespmem:s12+$0xFFFFFFA0];
	[tilespmem:s9+$0xFFFFFF30] =	vst v4;
	v4 =	vadd.f32 v9, v1  }
0x1b1: {  	[tilespmem:s9+$0xFFFFFF40] =	vst v6;
	v6 =	vadd.f32 v10, v1;
	v9 =	vld [tilespmem:s12+$0xFFFFFFB0]  }
0x1b2: {  	v10 =	vadd.f32 v11, v1;
	v11 =	vld [tilespmem:s12+$0xFFFFFFC0];
	[tilespmem:s9+$0xFFFFFF50] =	vst v4  }
0x1b3: {  	[tilespmem:s9+$0xFFFFFF60] =	vst v6;
	v4 =	vld [tilespmem:s12+$0xFFFFFFD0];
	v5 =	vadd.f32 v5, v2  }
0x1b4: {  	[tilespmem:s9+$0xFFFFFF00] =	vst v10;
	v6 =	vadd.f32 v7, v2;
	v7 =	vld [tilespmem:s12+$0xFFFFFFE0]  }
0x1b5: {  	v10 =	vld [tilespmem:s12+$0xFFFFFF80];
	v8 =	vadd.f32 v8, v2;
	[tilespmem:s9+$0xFFFFFFF0] =	vst v5  }
0x1b6: {  	[tilespmem:s9+$0xFFFFFF90] =	vst v6;
	v5 =	vadd.f32 v9, v2;
	v6 =	vld [tilespmem:s12+$0x70]  }
0x1b7: {  	[tilespmem:s9+$0xFFFFFFA0] =	vst v8;
	v8 =	vadd.f32 v11, v2;
	v9 =	vld [tilespmem:s12+$0x10]  }
0x1b8: {  	v11 =	vld [tilespmem:s12+$0x20];
	[tilespmem:s9+$0xFFFFFFB0] =	vst v5;
	v4 =	vadd.f32 v4, v2  }
0x1b9: {  	[tilespmem:s9+$0xFFFFFFC0] =	vst v8;
	v5 =	vld [tilespmem:s12+$0x30];
	v7 =	vadd.f32 v7, v2  }
0x1ba: {  	v8 =	vadd.f32 v10, v2;
	v10 =	vld [tilespmem:s12+$0x40];
	[tilespmem:s9+$0xFFFFFFD0] =	vst v4  }
0x1bb: {  	v4 =	vld [tilespmem:s12+$0x50];
	[tilespmem:s9+$0xFFFFFFE0] =	vst v7;
	v6 =	vadd.f32 v6, v3  }
0x1bc: {  	[tilespmem:s9+$0xFFFFFF80] =	vst v8;
	v7 =	vadd.f32 v9, v3;
	v8 =	vld [tilespmem:s12+$0x60]  }
0x1bd: {  	v9 =	vld [tilespmem:s12+$0x0];
	v11 =	vadd.f32 v11, v3;
	[tilespmem:s9+$0x70] =	vst v6  }
0x1be: {  	[tilespmem:s9+$0x10] =	vst v7;
	v5 =	vadd.f32 v5, v3;
	v7 =	vld [tilespmem:s12+$0xF0]  }
0x1bf: {  	[tilespmem:s9+$0x20] =	vst v11;
	v6 =	vadd.f32 v10, v3;
	v12 =	vld [tilespmem:s12+$0x90]  }
0x1c0: {  	v11 =	vld [tilespmem:s12+$0xA0];
	[tilespmem:s9+$0x30] =	vst v5;
	v5 =	vadd.f32 v4, v3  }
0x1c1: {  	[tilespmem:s9+$0x40] =	vst v6;
	v4 =	vld [tilespmem:s12+$0xB0];
	v8 =	vadd.f32 v8, v3  }
0x1c2: {  	v9 =	vadd.f32 v9, v3;
	v6 =	vld [tilespmem:s12+$0xC0];
	[tilespmem:s9+$0x50] =	vst v5  }
0x1c3: {  	v5 =	vld [tilespmem:s12+$0xD0];
	[tilespmem:s9+$0x60] =	vst v8;
	v13 =	vadd.f32 v7, v0  }
0x1c4: {  	[tilespmem:s9+$0x0] =	vst v9;
	v7 =	vld [tilespmem:s12+$0xE0];
	v10 =	vadd.f32 v12, v0  }
0x1c5: {  	s29 =	simm.s32 $0x0;
	s11 =	simm.s32 $0x4300;
	v8 =	vld [tilespmem:s12+$0x80];
	v9 =	vadd.f32 v11, v0;
	[tilespmem:s9+$0xF0] =	vst v13  }
.LBB2_11:
0x1c6: {  	v11 =	vld [tilespmem:s11+$0xFFFFFF70];
	s29 =	sadd.s32 $0x8, s29;
	[tilespmem:s9+$0x90] =	vst v10;
	v4 =	vadd.f32 v4, v0  }
0x1c7: {  	v10 =	vld [tilespmem:s11+$0xFFFFFF10];
	p0 =	slt.u32 s29, $0xF8;
	[tilespmem:s9+$0xA0] =	vst v9;
	v6 =	vadd.f32 v6, v0  }
0x1c8: {  	v9 =	vld [tilespmem:s11+$0xFFFFFF20];
	[tilespmem:s9+$0xB0] =	vst v4;
	v4 =	vadd.f32 v5, v0  }
0x1c9: {  	v5 =	vld [tilespmem:s11+$0xFFFFFF30];
	[tilespmem:s9+$0xC0] =	vst v6;
	v6 =	vadd.f32 v7, v0  }
0x1ca: {  	v7 =	vld [tilespmem:s11+$0xFFFFFF40];
	v8 =	vadd.f32 v8, v0;
	[tilespmem:s9+$0xD0] =	vst v4  }
0x1cb: {  	v4 =	vld [tilespmem:s11+$0xFFFFFF50];
	v11 =	vadd.f32 v11, v1;
	[tilespmem:s9+$0xE0] =	vst v6  }
0x1cc: {  	v6 =	vadd.f32 v10, v1;
	v10 =	vld [tilespmem:s11+$0xFFFFFF60];
	[tilespmem:s9+$0x80] =	vst v8;
	s9 =	sadd.s32 $0x200, s9  }
0x1cd: {  	v8 =	vld [tilespmem:s11+$0xFFFFFF00];
	v9 =	vadd.f32 v9, v1;
	[tilespmem:s9+$0xFFFFFF70] =	vst v11  }
0x1ce: {  	[tilespmem:s9+$0xFFFFFF10] =	vst v6;
	v5 =	vadd.f32 v5, v1;
	v6 =	vld [tilespmem:s11+$0xFFFFFFF0]  }
0x1cf: {  	v11 =	vld [tilespmem:s11+$0xFFFFFF90];
	[tilespmem:s9+$0xFFFFFF20] =	vst v9;
	v7 =	vadd.f32 v7, v1  }
0x1d0: {  	v9 =	vld [tilespmem:s11+$0xFFFFFFA0];
	[tilespmem:s9+$0xFFFFFF30] =	vst v5;
	v4 =	vadd.f32 v4, v1  }
0x1d1: {  	v5 =	vld [tilespmem:s11+$0xFFFFFFB0];
	[tilespmem:s9+$0xFFFFFF40] =	vst v7;
	v7 =	vadd.f32 v10, v1  }
0x1d2: {  	v8 =	vadd.f32 v8, v1;
	v10 =	vld [tilespmem:s11+$0xFFFFFFC0];
	[tilespmem:s9+$0xFFFFFF50] =	vst v4  }
0x1d3: {  	v4 =	vld [tilespmem:s11+$0xFFFFFFD0];
	[tilespmem:s9+$0xFFFFFF60] =	vst v7;
	v6 =	vadd.f32 v6, v2  }
0x1d4: {  	[tilespmem:s9+$0xFFFFFF00] =	vst v8;
	v7 =	vadd.f32 v11, v2;
	v8 =	vld [tilespmem:s11+$0xFFFFFFE0]  }
0x1d5: {  	v11 =	vld [tilespmem:s11+$0xFFFFFF80];
	v9 =	vadd.f32 v9, v2;
	[tilespmem:s9+$0xFFFFFFF0] =	vst v6  }
0x1d6: {  	[tilespmem:s9+$0xFFFFFF90] =	vst v7;
	v5 =	vadd.f32 v5, v2;
	v6 =	vld [tilespmem:s11+$0x70]  }
0x1d7: {  	v7 =	vld [tilespmem:s11+$0x10];
	[tilespmem:s9+$0xFFFFFFA0] =	vst v9;
	v9 =	vadd.f32 v10, v2  }
0x1d8: {  	v10 =	vld [tilespmem:s11+$0x20];
	[tilespmem:s9+$0xFFFFFFB0] =	vst v5;
	v4 =	vadd.f32 v4, v2  }
0x1d9: {  	v5 =	vld [tilespmem:s11+$0x30];
	[tilespmem:s9+$0xFFFFFFC0] =	vst v9;
	v8 =	vadd.f32 v8, v2  }
0x1da: {  	v9 =	vadd.f32 v11, v2;
	v11 =	vld [tilespmem:s11+$0x40];
	[tilespmem:s9+$0xFFFFFFD0] =	vst v4  }
0x1db: {  	v4 =	vld [tilespmem:s11+$0x50];
	[tilespmem:s9+$0xFFFFFFE0] =	vst v8;
	v6 =	vadd.f32 v6, v3  }
0x1dc: {  	[tilespmem:s9+$0xFFFFFF80] =	vst v9;
	v7 =	vadd.f32 v7, v3;
	v8 =	vld [tilespmem:s11+$0x60]  }
0x1dd: {  	v9 =	vld [tilespmem:s11+$0x0];
	v10 =	vadd.f32 v10, v3;
	[tilespmem:s9+$0x70] =	vst v6  }
0x1de: {  	[tilespmem:s9+$0x10] =	vst v7;
	v5 =	vadd.f32 v5, v3;
	v7 =	vld [tilespmem:s11+$0xF0]  }
0x1df: {  	v12 =	vld [tilespmem:s11+$0x90];
	[tilespmem:s9+$0x20] =	vst v10;
	v6 =	vadd.f32 v11, v3  }
0x1e0: {  	v11 =	vld [tilespmem:s11+$0xA0];
	[tilespmem:s9+$0x30] =	vst v5;
	v5 =	vadd.f32 v4, v3  }
.Ltmp4:
0x1e1: {  	v4 =	vld [tilespmem:s11+$0xB0];
	[tilespmem:s9+$0x40] =	vst v6;
	v8 =	vadd.f32 v8, v3;
	(pc) =	sbr.rel @p0 .LBB2_11-.Ltmp4, $4  }
0x1e2: {  	v9 =	vadd.f32 v9, v3;
	v6 =	vld [tilespmem:s11+$0xC0];
	[tilespmem:s9+$0x50] =	vst v5  }
0x1e3: {  	v5 =	vld [tilespmem:s11+$0xD0];
	[tilespmem:s9+$0x60] =	vst v8;
	v13 =	vadd.f32 v7, v0  }
0x1e4: {  	[tilespmem:s9+$0x0] =	vst v9;
	v10 =	vadd.f32 v12, v0;
	v7 =	vld [tilespmem:s11+$0xE0]  }
0x1e5: {  	v8 =	vld [tilespmem:s11+$0x80];
	v9 =	vadd.f32 v11, v0;
	[tilespmem:s9+$0xF0] =	vst v13;
	s11 =	sadd.s32 $0x200, s11  }
0x1e6: {  	[tilespmem:s9+$0x90] =	vst v10;
	v1 =	vadd.f32 v4, v0  }
0x1e7: {  	[tilespmem:s9+$0xA0] =	vst v9;
	v2 =	vadd.f32 v6, v0  }
0x1e8: {  	s11 =	sadd.s32 s31, s0;
	[tilespmem:s9+$0xB0] =	vst v1;
	v1 =	vadd.f32 v5, v0  }
0x1e9: {  	s12 =	sshll.u32 s11, $0x6;
	[tilespmem:s9+$0xC0] =	vst v2;
	v2 =	vadd.f32 v7, v0  }
0x1ea: {  	s11 =	sshll.u32 s11, $0xB;
	s12 =	sand.u32 $0x40, s12;
	v0 =	vadd.f32 v8, v0;
	[tilespmem:s9+$0xD0] =	vst v1  }
0x1eb: {  	s11 =	sand.u32 $0xFFFF000, s11;
	s12 =	sadd.s32 s3, s12;
	[tilespmem:s9+$0xE0] =	vst v2  }
0x1ec: {  	s11 =	sadd.s32 s11, s12;
	s12 =	sadd.s32 s31, s16;
	[tilespmem:s9+$0x80] =	vst v0  }
0x1ed: {  	[hbm4b:s11+s2] =	stream.strided.scatter [tilespmem:s21], [sflag:$0x5], $0x4000, s8, s2, $0x38;
	[tilespmem:$0x18600] =	vst v63  }
0x1ee: {  	s11 =	sshll.u32 s12, $0x6  }
0x1ef: {  	s9 =	sshll.u32 s12, $0xB;
	s12 =	sand.u32 $0x40, s11  }
0x1f0: {  	s9 =	sand.u32 $0xFFFF000, s9;
	s12 =	sadd.s32 s1, s12  }
0x1f1: {  	s9 =	sadd.s32 s9, s12;
	s12 =	simm.s32 $0x4000  }
0x1f2: {  	[tilespmem:s12], [sflag:$0x2] =	stream.strided.gather [hbm4b:s9+s2], $0x4000, s8, s2, $0x38;
	[tilespmem:$0x18600] =	vst v63  }
0x1f3: {  	s12 =	sshll.u32 s30, $0x6  }
0x1f4: {  	s9 =	sand.u32 $0x40, s12  }
0x1f5: {  	s11 =	sand.u32 $0xFFFFF80, s11;
	s9 =	sadd.s32 s5, s9  }
0x1f6: {  	s12 =	simm.s32 $0x18200;
	s9 =	sadd.s32 s11, s9  }
0x1f7: {  	[tilespmem:s12], [sflag:$0x8] =	stream.linear.gather [hbm4b:s9+s4], $0x200, $0x38;
	[tilespmem:$0x18600] =	vst v63  }
0x1f8: {  	_ =	swait.ge [sflag:s22], $0x4000  }
0x1f9: {  	[sflag:s22] =	ssyncset.done $0x0  }
0x1fa: {  	[sflag:s22] =	ssyncadd.s32 $0xFFFFC000  }
0x1fb: {  	_ =	swait.ge [sflag:s23], $0x200  }
0x1fc: {  	[sflag:s23] =	ssyncset.done $0x0  }
0x1fd: {  	[sflag:s23] =	ssyncadd.s32 $0xFFFFFE00  }
0x1fe: {  	_ =	swait.ge [sflag:s28], $0x4000  }
0x1ff: {  	[sflag:s28] =	ssyncset.done $0x0  }
0x200: {  	[sflag:s28] =	ssyncadd.s32 $0xFFFFC000  }
0x201: {  	v1 =	vld [tilespmem:$0x18400]  }
0x202: {  	v2 =	vld [tilespmem:$0x18480]  }
0x203: {  	v3 =	vld [tilespmem:$0x18500]  }
0x204: {  	s12 =	simm.s32 $0x8100;
	v0 =	vld [tilespmem:$0x18580]  }
0x205: {  	v4 =	vld [tilespmem:s12+$0xFFFFFF70]  }
0x206: {  	v5 =	vld [tilespmem:s12+$0xFFFFFF10]  }
0x207: {  	v6 =	vld [tilespmem:s12+$0xFFFFFF20]  }
0x208: {  	v7 =	vld [tilespmem:s12+$0xFFFFFF30]  }
0x209: {  	v8 =	vld [tilespmem:s12+$0xFFFFFF40]  }
0x20a: {  	v9 =	vld [tilespmem:s12+$0xFFFFFF50];
	v4 =	vadd.f32 v4, v1  }
0x20b: {  	s9 =	simm.s32 $0x14100;
	v10 =	vld [tilespmem:s12+$0xFFFFFF60];
	v5 =	vadd.f32 v5, v1  }
0x20c: {  	v11 =	vld [tilespmem:s12+$0xFFFFFF00];
	v6 =	vadd.f32 v6, v1;
	[tilespmem:s9+$0xFFFFFF70] =	vst v4  }
0x20d: {  	[tilespmem:s9+$0xFFFFFF10] =	vst v5;
	v4 =	vadd.f32 v7, v1;
	v5 =	vld [tilespmem:s12+$0xFFFFFFF0]  }
0x20e: {  	[tilespmem:s9+$0xFFFFFF20] =	vst v6;
	v6 =	vadd.f32 v8, v1;
	v7 =	vld [tilespmem:s12+$0xFFFFFF90]  }
0x20f: {  	v8 =	vld [tilespmem:s12+$0xFFFFFFA0];
	[tilespmem:s9+$0xFFFFFF30] =	vst v4;
	v4 =	vadd.f32 v9, v1  }
0x210: {  	[tilespmem:s9+$0xFFFFFF40] =	vst v6;
	v6 =	vadd.f32 v10, v1;
	v9 =	vld [tilespmem:s12+$0xFFFFFFB0]  }
0x211: {  	v10 =	vadd.f32 v11, v1;
	v11 =	vld [tilespmem:s12+$0xFFFFFFC0];
	[tilespmem:s9+$0xFFFFFF50] =	vst v4  }
0x212: {  	[tilespmem:s9+$0xFFFFFF60] =	vst v6;
	v4 =	vld [tilespmem:s12+$0xFFFFFFD0];
	v5 =	vadd.f32 v5, v2  }
0x213: {  	[tilespmem:s9+$0xFFFFFF00] =	vst v10;
	v6 =	vadd.f32 v7, v2;
	v7 =	vld [tilespmem:s12+$0xFFFFFFE0]  }
0x214: {  	v10 =	vld [tilespmem:s12+$0xFFFFFF80];
	v8 =	vadd.f32 v8, v2;
	[tilespmem:s9+$0xFFFFFFF0] =	vst v5  }
0x215: {  	[tilespmem:s9+$0xFFFFFF90] =	vst v6;
	v5 =	vadd.f32 v9, v2;
	v6 =	vld [tilespmem:s12+$0x70]  }
0x216: {  	[tilespmem:s9+$0xFFFFFFA0] =	vst v8;
	v8 =	vadd.f32 v11, v2;
	v9 =	vld [tilespmem:s12+$0x10]  }
0x217: {  	v11 =	vld [tilespmem:s12+$0x20];
	[tilespmem:s9+$0xFFFFFFB0] =	vst v5;
	v4 =	vadd.f32 v4, v2  }
0x218: {  	[tilespmem:s9+$0xFFFFFFC0] =	vst v8;
	v5 =	vld [tilespmem:s12+$0x30];
	v7 =	vadd.f32 v7, v2  }
0x219: {  	v8 =	vadd.f32 v10, v2;
	v10 =	vld [tilespmem:s12+$0x40];
	[tilespmem:s9+$0xFFFFFFD0] =	vst v4  }
0x21a: {  	v4 =	vld [tilespmem:s12+$0x50];
	[tilespmem:s9+$0xFFFFFFE0] =	vst v7;
	v6 =	vadd.f32 v6, v3  }
0x21b: {  	[tilespmem:s9+$0xFFFFFF80] =	vst v8;
	v7 =	vadd.f32 v9, v3;
	v8 =	vld [tilespmem:s12+$0x60]  }
0x21c: {  	v9 =	vld [tilespmem:s12+$0x0];
	v11 =	vadd.f32 v11, v3;
	[tilespmem:s9+$0x70] =	vst v6  }
0x21d: {  	[tilespmem:s9+$0x10] =	vst v7;
	v5 =	vadd.f32 v5, v3;
	v7 =	vld [tilespmem:s12+$0xF0]  }
0x21e: {  	[tilespmem:s9+$0x20] =	vst v11;
	v6 =	vadd.f32 v10, v3;
	v12 =	vld [tilespmem:s12+$0x90]  }
0x21f: {  	v11 =	vld [tilespmem:s12+$0xA0];
	[tilespmem:s9+$0x30] =	vst v5;
	v5 =	vadd.f32 v4, v3  }
0x220: {  	[tilespmem:s9+$0x40] =	vst v6;
	v4 =	vld [tilespmem:s12+$0xB0];
	v8 =	vadd.f32 v8, v3  }
0x221: {  	v9 =	vadd.f32 v9, v3;
	v6 =	vld [tilespmem:s12+$0xC0];
	[tilespmem:s9+$0x50] =	vst v5  }
0x222: {  	v5 =	vld [tilespmem:s12+$0xD0];
	[tilespmem:s9+$0x60] =	vst v8;
	v13 =	vadd.f32 v7, v0  }
0x223: {  	[tilespmem:s9+$0x0] =	vst v9;
	v7 =	vld [tilespmem:s12+$0xE0];
	v10 =	vadd.f32 v12, v0  }
0x224: {  	s29 =	simm.s32 $0x0;
	s11 =	simm.s32 $0x8300;
	v8 =	vld [tilespmem:s12+$0x80];
	v9 =	vadd.f32 v11, v0;
	[tilespmem:s9+$0xF0] =	vst v13  }
.LBB2_13:
0x225: {  	v11 =	vld [tilespmem:s11+$0xFFFFFF70];
	s29 =	sadd.s32 $0x8, s29;
	[tilespmem:s9+$0x90] =	vst v10;
	v4 =	vadd.f32 v4, v0  }
0x226: {  	v10 =	vld [tilespmem:s11+$0xFFFFFF10];
	p0 =	slt.u32 s29, $0xF8;
	[tilespmem:s9+$0xA0] =	vst v9;
	v6 =	vadd.f32 v6, v0  }
0x227: {  	v9 =	vld [tilespmem:s11+$0xFFFFFF20];
	[tilespmem:s9+$0xB0] =	vst v4;
	v4 =	vadd.f32 v5, v0  }
0x228: {  	v5 =	vld [tilespmem:s11+$0xFFFFFF30];
	[tilespmem:s9+$0xC0] =	vst v6;
	v6 =	vadd.f32 v7, v0  }
0x229: {  	v7 =	vld [tilespmem:s11+$0xFFFFFF40];
	v8 =	vadd.f32 v8, v0;
	[tilespmem:s9+$0xD0] =	vst v4  }
0x22a: {  	v4 =	vld [tilespmem:s11+$0xFFFFFF50];
	v11 =	vadd.f32 v11, v1;
	[tilespmem:s9+$0xE0] =	vst v6  }
0x22b: {  	v6 =	vadd.f32 v10, v1;
	v10 =	vld [tilespmem:s11+$0xFFFFFF60];
	[tilespmem:s9+$0x80] =	vst v8;
	s9 =	sadd.s32 $0x200, s9  }
0x22c: {  	v8 =	vld [tilespmem:s11+$0xFFFFFF00];
	v9 =	vadd.f32 v9, v1;
	[tilespmem:s9+$0xFFFFFF70] =	vst v11  }
0x22d: {  	[tilespmem:s9+$0xFFFFFF10] =	vst v6;
	v5 =	vadd.f32 v5, v1;
	v6 =	vld [tilespmem:s11+$0xFFFFFFF0]  }
0x22e: {  	v11 =	vld [tilespmem:s11+$0xFFFFFF90];
	[tilespmem:s9+$0xFFFFFF20] =	vst v9;
	v7 =	vadd.f32 v7, v1  }
0x22f: {  	v9 =	vld [tilespmem:s11+$0xFFFFFFA0];
	[tilespmem:s9+$0xFFFFFF30] =	vst v5;
	v4 =	vadd.f32 v4, v1  }
0x230: {  	v5 =	vld [tilespmem:s11+$0xFFFFFFB0];
	[tilespmem:s9+$0xFFFFFF40] =	vst v7;
	v7 =	vadd.f32 v10, v1  }
0x231: {  	v8 =	vadd.f32 v8, v1;
	v10 =	vld [tilespmem:s11+$0xFFFFFFC0];
	[tilespmem:s9+$0xFFFFFF50] =	vst v4  }
0x232: {  	v4 =	vld [tilespmem:s11+$0xFFFFFFD0];
	[tilespmem:s9+$0xFFFFFF60] =	vst v7;
	v6 =	vadd.f32 v6, v2  }
0x233: {  	[tilespmem:s9+$0xFFFFFF00] =	vst v8;
	v7 =	vadd.f32 v11, v2;
	v8 =	vld [tilespmem:s11+$0xFFFFFFE0]  }
0x234: {  	v11 =	vld [tilespmem:s11+$0xFFFFFF80];
	v9 =	vadd.f32 v9, v2;
	[tilespmem:s9+$0xFFFFFFF0] =	vst v6  }
0x235: {  	[tilespmem:s9+$0xFFFFFF90] =	vst v7;
	v5 =	vadd.f32 v5, v2;
	v6 =	vld [tilespmem:s11+$0x70]  }
0x236: {  	v7 =	vld [tilespmem:s11+$0x10];
	[tilespmem:s9+$0xFFFFFFA0] =	vst v9;
	v9 =	vadd.f32 v10, v2  }
0x237: {  	v10 =	vld [tilespmem:s11+$0x20];
	[tilespmem:s9+$0xFFFFFFB0] =	vst v5;
	v4 =	vadd.f32 v4, v2  }
0x238: {  	v5 =	vld [tilespmem:s11+$0x30];
	[tilespmem:s9+$0xFFFFFFC0] =	vst v9;
	v8 =	vadd.f32 v8, v2  }
0x239: {  	v9 =	vadd.f32 v11, v2;
	v11 =	vld [tilespmem:s11+$0x40];
	[tilespmem:s9+$0xFFFFFFD0] =	vst v4  }
0x23a: {  	v4 =	vld [tilespmem:s11+$0x50];
	[tilespmem:s9+$0xFFFFFFE0] =	vst v8;
	v6 =	vadd.f32 v6, v3  }
0x23b: {  	[tilespmem:s9+$0xFFFFFF80] =	vst v9;
	v7 =	vadd.f32 v7, v3;
	v8 =	vld [tilespmem:s11+$0x60]  }
0x23c: {  	v9 =	vld [tilespmem:s11+$0x0];
	v10 =	vadd.f32 v10, v3;
	[tilespmem:s9+$0x70] =	vst v6  }
0x23d: {  	[tilespmem:s9+$0x10] =	vst v7;
	v5 =	vadd.f32 v5, v3;
	v7 =	vld [tilespmem:s11+$0xF0]  }
0x23e: {  	v12 =	vld [tilespmem:s11+$0x90];
	[tilespmem:s9+$0x20] =	vst v10;
	v6 =	vadd.f32 v11, v3  }
0x23f: {  	v11 =	vld [tilespmem:s11+$0xA0];
	[tilespmem:s9+$0x30] =	vst v5;
	v5 =	vadd.f32 v4, v3  }
.Ltmp5:
0x240: {  	v4 =	vld [tilespmem:s11+$0xB0];
	[tilespmem:s9+$0x40] =	vst v6;
	v8 =	vadd.f32 v8, v3;
	(pc) =	sbr.rel @p0 .LBB2_13-.Ltmp5, $4  }
0x241: {  	v9 =	vadd.f32 v9, v3;
	v6 =	vld [tilespmem:s11+$0xC0];
	[tilespmem:s9+$0x50] =	vst v5  }
0x242: {  	v5 =	vld [tilespmem:s11+$0xD0];
	[tilespmem:s9+$0x60] =	vst v8;
	v13 =	vadd.f32 v7, v0  }
0x243: {  	[tilespmem:s9+$0x0] =	vst v9;
	v10 =	vadd.f32 v12, v0;
	v7 =	vld [tilespmem:s11+$0xE0]  }
0x244: {  	v8 =	vld [tilespmem:s11+$0x80];
	v9 =	vadd.f32 v11, v0;
	[tilespmem:s9+$0xF0] =	vst v13;
	s11 =	sadd.s32 $0x200, s11  }
0x245: {  	[tilespmem:s9+$0x90] =	vst v10;
	v1 =	vadd.f32 v4, v0;
	s11 =	sadd.s32 s31, s7  }
0x246: {  	[tilespmem:s9+$0xA0] =	vst v9;
	v2 =	vadd.f32 v6, v0;
	s12 =	sshll.u32 s11, $0x6  }
0x247: {  	s11 =	sshll.u32 s11, $0xB;
	[tilespmem:s9+$0xB0] =	vst v1;
	v61 =	vadd.f32 v5, v0;
	s12 =	sand.u32 $0x40, s12  }
0x248: {  	s11 =	sand.u32 $0xFFFF000, s11;
	[tilespmem:s9+$0xC0] =	vst v2;
	v62 =	vadd.f32 v7, v0;
	s12 =	sadd.s32 s3, s12  }
0x249: {  	v63 =	vadd.f32 v8, v0;
	[tilespmem:s9+$0xD0] =	vst v61;
	s11 =	sadd.s32 s11, s12;
	s12 =	sadd.s32 $0x5, s31  }
0x24a: {  	s30 =	sadd.s32 $0x1, s30;
	[tilespmem:s9+$0xE0] =	vst v62;
	s29 =	sadd.s32 s6, s12  }
0x24b: {  	p0 =	sne.s32 s30, $0x20;
	[tilespmem:s9+$0x80] =	vst v63;
	s31 =	sshll.u32 s29, $0x6;
	s9 =	sshll.u32 s12, $0x6  }
0x24c: {  	[hbm4b:s11+s2] =	stream.strided.scatter [tilespmem:s24], [sflag:$0x6], $0x4000, s8, s2, $0x38;
	[tilespmem:$0x18600] =	vst v63  }
0x24d: {  	s11 =	sshll.u32 s29, $0xB;
	s29 =	sand.u32 $0x40, s31;
	s9 =	sand.u32 $0x40, s9  }
.Ltmp6:
0x24e: {  	s11 =	sand.u32 $0xFFFF000, s11;
	s29 =	sadd.s32 s1, s29;
	(pc) =	sbr.rel @p0 .LBB2_8-.Ltmp6, $4  }
0x24f: {  	s31 =	sand.u32 $0xFFFFF80, s31;
	s9 =	sadd.s32 s5, s9;
	s11 =	sadd.s32 s11, s29  }
0x250: {  	[tilespmem:s13], [sflag:$0x3] =	stream.strided.gather [hbm4b:s11+s2], $0x4000, s8, s2, $0x38;
	[tilespmem:$0x18600] =	vst v63  }
0x251: {  	s9 =	sadd.s32 s31, s9  }
0x252: {  	[tilespmem:s14], [sflag:$0x9] =	stream.linear.gather [hbm4b:s9+s4], $0x200, $0x38;
	[tilespmem:$0x18600] =	vst v63  }
0x253: {  	_ =	swait.ge [sflag:s15], $0x4000  }
0x254: {  	[sflag:s15] =	ssyncset.done $0x0  }
0x255: {  	[sflag:s15] =	ssyncadd.s32 $0xFFFFC000  }
0x256: {  	_ =	swait.ge [sflag:s17], $0x200  }
0x257: {  	[sflag:s17] =	ssyncset.done $0x0  }
0x258: {  	[sflag:s17] =	ssyncadd.s32 $0xFFFFFE00  }
0x259: {  	_ =	swait.ge [sflag:s25], $0x4000  }
0x25a: {  	[sflag:s25] =	ssyncset.done $0x0  }
0x25b: {  	[sflag:s25] =	ssyncadd.s32 $0xFFFFC000  }
0x25c: {  	v1 =	vld [tilespmem:$0x18000]  }
0x25d: {  	v2 =	vld [tilespmem:$0x18080]  }
0x25e: {  	v3 =	vld [tilespmem:$0x18100]  }
0x25f: {  	s11 =	simm.s32 $0x100;
	v0 =	vld [tilespmem:$0x18180]  }
0x260: {  	v4 =	vld [tilespmem:s11+$0xFFFFFF70]  }
0x261: {  	v5 =	vld [tilespmem:s11+$0xFFFFFF10]  }
0x262: {  	v6 =	vld [tilespmem:s11+$0xFFFFFF20]  }
0x263: {  	v7 =	vld [tilespmem:s11+$0xFFFFFF30]  }
0x264: {  	v8 =	vld [tilespmem:s11+$0xFFFFFF40]  }
0x265: {  	v9 =	vld [tilespmem:s11+$0xFFFFFF50];
	v4 =	vadd.f32 v4, v1  }
0x266: {  	s9 =	simm.s32 $0xC100;
	v10 =	vld [tilespmem:s11+$0xFFFFFF60];
	v5 =	vadd.f32 v5, v1  }
0x267: {  	v11 =	vld [tilespmem:s11+$0xFFFFFF00];
	v6 =	vadd.f32 v6, v1;
	[tilespmem:s9+$0xFFFFFF70] =	vst v4  }
0x268: {  	[tilespmem:s9+$0xFFFFFF10] =	vst v5;
	v4 =	vadd.f32 v7, v1;
	v5 =	vld [tilespmem:s11+$0xFFFFFFF0]  }
0x269: {  	[tilespmem:s9+$0xFFFFFF20] =	vst v6;
	v6 =	vadd.f32 v8, v1;
	v7 =	vld [tilespmem:s11+$0xFFFFFF90]  }
0x26a: {  	v8 =	vld [tilespmem:s11+$0xFFFFFFA0];
	[tilespmem:s9+$0xFFFFFF30] =	vst v4;
	v4 =	vadd.f32 v9, v1  }
0x26b: {  	[tilespmem:s9+$0xFFFFFF40] =	vst v6;
	v6 =	vadd.f32 v10, v1;
	v9 =	vld [tilespmem:s11+$0xFFFFFFB0]  }
0x26c: {  	v10 =	vadd.f32 v11, v1;
	v11 =	vld [tilespmem:s11+$0xFFFFFFC0];
	[tilespmem:s9+$0xFFFFFF50] =	vst v4  }
0x26d: {  	[tilespmem:s9+$0xFFFFFF60] =	vst v6;
	v4 =	vld [tilespmem:s11+$0xFFFFFFD0];
	v5 =	vadd.f32 v5, v2  }
0x26e: {  	[tilespmem:s9+$0xFFFFFF00] =	vst v10;
	v6 =	vadd.f32 v7, v2;
	v7 =	vld [tilespmem:s11+$0xFFFFFFE0]  }
0x26f: {  	v10 =	vld [tilespmem:s11+$0xFFFFFF80];
	v8 =	vadd.f32 v8, v2;
	[tilespmem:s9+$0xFFFFFFF0] =	vst v5  }
0x270: {  	[tilespmem:s9+$0xFFFFFF90] =	vst v6;
	v5 =	vadd.f32 v9, v2;
	v6 =	vld [tilespmem:s11+$0x70]  }
0x271: {  	[tilespmem:s9+$0xFFFFFFA0] =	vst v8;
	v8 =	vadd.f32 v11, v2;
	v9 =	vld [tilespmem:s11+$0x10]  }
0x272: {  	v11 =	vld [tilespmem:s11+$0x20];
	[tilespmem:s9+$0xFFFFFFB0] =	vst v5;
	v4 =	vadd.f32 v4, v2  }
0x273: {  	[tilespmem:s9+$0xFFFFFFC0] =	vst v8;
	v5 =	vld [tilespmem:s11+$0x30];
	v7 =	vadd.f32 v7, v2  }
0x274: {  	v8 =	vadd.f32 v10, v2;
	v10 =	vld [tilespmem:s11+$0x40];
	[tilespmem:s9+$0xFFFFFFD0] =	vst v4  }
0x275: {  	v4 =	vld [tilespmem:s11+$0x50];
	[tilespmem:s9+$0xFFFFFFE0] =	vst v7;
	v6 =	vadd.f32 v6, v3  }
0x276: {  	[tilespmem:s9+$0xFFFFFF80] =	vst v8;
	v7 =	vadd.f32 v9, v3;
	v8 =	vld [tilespmem:s11+$0x60]  }
0x277: {  	v9 =	vld [tilespmem:s11+$0x0];
	v11 =	vadd.f32 v11, v3;
	[tilespmem:s9+$0x70] =	vst v6  }
0x278: {  	[tilespmem:s9+$0x10] =	vst v7;
	v5 =	vadd.f32 v5, v3;
	v7 =	vld [tilespmem:s11+$0xF0]  }
0x279: {  	[tilespmem:s9+$0x20] =	vst v11;
	v6 =	vadd.f32 v10, v3;
	v12 =	vld [tilespmem:s11+$0x90]  }
0x27a: {  	v11 =	vld [tilespmem:s11+$0xA0];
	[tilespmem:s9+$0x30] =	vst v5;
	v5 =	vadd.f32 v4, v3  }
0x27b: {  	[tilespmem:s9+$0x40] =	vst v6;
	v4 =	vld [tilespmem:s11+$0xB0];
	v8 =	vadd.f32 v8, v3  }
0x27c: {  	v9 =	vadd.f32 v9, v3;
	v6 =	vld [tilespmem:s11+$0xC0];
	[tilespmem:s9+$0x50] =	vst v5  }
0x27d: {  	v5 =	vld [tilespmem:s11+$0xD0];
	[tilespmem:s9+$0x60] =	vst v8;
	v13 =	vadd.f32 v7, v0  }
0x27e: {  	[tilespmem:s9+$0x0] =	vst v9;
	v7 =	vld [tilespmem:s11+$0xE0];
	v10 =	vadd.f32 v12, v0  }
0x27f: {  	s29 =	simm.s32 $0x0;
	v8 =	vld [tilespmem:s11+$0x80];
	v9 =	vadd.f32 v11, v0;
	s11 =	simm.s32 $0x300;
	[tilespmem:s9+$0xF0] =	vst v13  }
.LBB2_16:
0x280: {  	v11 =	vld [tilespmem:s11+$0xFFFFFF70];
	s29 =	sadd.s32 $0x8, s29;
	[tilespmem:s9+$0x90] =	vst v10;
	v4 =	vadd.f32 v4, v0  }
0x281: {  	v10 =	vld [tilespmem:s11+$0xFFFFFF10];
	p0 =	slt.u32 s29, $0xF8;
	[tilespmem:s9+$0xA0] =	vst v9;
	v6 =	vadd.f32 v6, v0  }
0x282: {  	v9 =	vld [tilespmem:s11+$0xFFFFFF20];
	[tilespmem:s9+$0xB0] =	vst v4;
	v4 =	vadd.f32 v5, v0  }
0x283: {  	v5 =	vld [tilespmem:s11+$0xFFFFFF30];
	[tilespmem:s9+$0xC0] =	vst v6;
	v6 =	vadd.f32 v7, v0  }
0x284: {  	v7 =	vld [tilespmem:s11+$0xFFFFFF40];
	v8 =	vadd.f32 v8, v0;
	[tilespmem:s9+$0xD0] =	vst v4  }
0x285: {  	v4 =	vld [tilespmem:s11+$0xFFFFFF50];
	v11 =	vadd.f32 v11, v1;
	[tilespmem:s9+$0xE0] =	vst v6  }
0x286: {  	v6 =	vadd.f32 v10, v1;
	v10 =	vld [tilespmem:s11+$0xFFFFFF60];
	[tilespmem:s9+$0x80] =	vst v8;
	s9 =	sadd.s32 $0x200, s9  }
0x287: {  	v8 =	vld [tilespmem:s11+$0xFFFFFF00];
	v9 =	vadd.f32 v9, v1;
	[tilespmem:s9+$0xFFFFFF70] =	vst v11  }
0x288: {  	[tilespmem:s9+$0xFFFFFF10] =	vst v6;
	v5 =	vadd.f32 v5, v1;
	v6 =	vld [tilespmem:s11+$0xFFFFFFF0]  }
0x289: {  	v11 =	vld [tilespmem:s11+$0xFFFFFF90];
	[tilespmem:s9+$0xFFFFFF20] =	vst v9;
	v7 =	vadd.f32 v7, v1  }
0x28a: {  	v9 =	vld [tilespmem:s11+$0xFFFFFFA0];
	[tilespmem:s9+$0xFFFFFF30] =	vst v5;
	v4 =	vadd.f32 v4, v1  }
0x28b: {  	v5 =	vld [tilespmem:s11+$0xFFFFFFB0];
	[tilespmem:s9+$0xFFFFFF40] =	vst v7;
	v7 =	vadd.f32 v10, v1  }
0x28c: {  	v8 =	vadd.f32 v8, v1;
	v10 =	vld [tilespmem:s11+$0xFFFFFFC0];
	[tilespmem:s9+$0xFFFFFF50] =	vst v4  }
0x28d: {  	v4 =	vld [tilespmem:s11+$0xFFFFFFD0];
	[tilespmem:s9+$0xFFFFFF60] =	vst v7;
	v6 =	vadd.f32 v6, v2  }
0x28e: {  	[tilespmem:s9+$0xFFFFFF00] =	vst v8;
	v7 =	vadd.f32 v11, v2;
	v8 =	vld [tilespmem:s11+$0xFFFFFFE0]  }
0x28f: {  	v11 =	vld [tilespmem:s11+$0xFFFFFF80];
	v9 =	vadd.f32 v9, v2;
	[tilespmem:s9+$0xFFFFFFF0] =	vst v6  }
0x290: {  	[tilespmem:s9+$0xFFFFFF90] =	vst v7;
	v5 =	vadd.f32 v5, v2;
	v6 =	vld [tilespmem:s11+$0x70]  }
0x291: {  	v7 =	vld [tilespmem:s11+$0x10];
	[tilespmem:s9+$0xFFFFFFA0] =	vst v9;
	v9 =	vadd.f32 v10, v2  }
0x292: {  	v10 =	vld [tilespmem:s11+$0x20];
	[tilespmem:s9+$0xFFFFFFB0] =	vst v5;
	v4 =	vadd.f32 v4, v2  }
0x293: {  	v5 =	vld [tilespmem:s11+$0x30];
	[tilespmem:s9+$0xFFFFFFC0] =	vst v9;
	v8 =	vadd.f32 v8, v2  }
0x294: {  	v9 =	vadd.f32 v11, v2;
	v11 =	vld [tilespmem:s11+$0x40];
	[tilespmem:s9+$0xFFFFFFD0] =	vst v4  }
0x295: {  	v4 =	vld [tilespmem:s11+$0x50];
	[tilespmem:s9+$0xFFFFFFE0] =	vst v8;
	v6 =	vadd.f32 v6, v3  }
0x296: {  	[tilespmem:s9+$0xFFFFFF80] =	vst v9;
	v7 =	vadd.f32 v7, v3;
	v8 =	vld [tilespmem:s11+$0x60]  }
0x297: {  	v9 =	vld [tilespmem:s11+$0x0];
	v10 =	vadd.f32 v10, v3;
	[tilespmem:s9+$0x70] =	vst v6  }
0x298: {  	[tilespmem:s9+$0x10] =	vst v7;
	v5 =	vadd.f32 v5, v3;
	v7 =	vld [tilespmem:s11+$0xF0]  }
0x299: {  	v12 =	vld [tilespmem:s11+$0x90];
	[tilespmem:s9+$0x20] =	vst v10;
	v6 =	vadd.f32 v11, v3  }
0x29a: {  	v11 =	vld [tilespmem:s11+$0xA0];
	[tilespmem:s9+$0x30] =	vst v5;
	v5 =	vadd.f32 v4, v3  }
.Ltmp7:
0x29b: {  	v4 =	vld [tilespmem:s11+$0xB0];
	[tilespmem:s9+$0x40] =	vst v6;
	v8 =	vadd.f32 v8, v3;
	(pc) =	sbr.rel @p0 .LBB2_16-.Ltmp7, $4  }
0x29c: {  	v9 =	vadd.f32 v9, v3;
	v6 =	vld [tilespmem:s11+$0xC0];
	[tilespmem:s9+$0x50] =	vst v5  }
0x29d: {  	v5 =	vld [tilespmem:s11+$0xD0];
	[tilespmem:s9+$0x60] =	vst v8;
	v13 =	vadd.f32 v7, v0  }
0x29e: {  	[tilespmem:s9+$0x0] =	vst v9;
	v10 =	vadd.f32 v12, v0;
	v7 =	vld [tilespmem:s11+$0xE0]  }
0x29f: {  	v8 =	vld [tilespmem:s11+$0x80];
	v9 =	vadd.f32 v11, v0;
	[tilespmem:s9+$0xF0] =	vst v13;
	s11 =	sadd.s32 $0x200, s11  }
0x2a0: {  	[tilespmem:s9+$0x90] =	vst v10;
	v1 =	vadd.f32 v4, v0  }
0x2a1: {  	[tilespmem:s9+$0xA0] =	vst v9;
	v2 =	vadd.f32 v6, v0  }
0x2a2: {  	[tilespmem:s9+$0xB0] =	vst v1;
	v1 =	vadd.f32 v5, v0  }
0x2a3: {  	[tilespmem:s9+$0xC0] =	vst v2;
	v2 =	vadd.f32 v7, v0  }
0x2a4: {  	v0 =	vadd.f32 v8, v0;
	[tilespmem:s9+$0xD0] =	vst v1  }
0x2a5: {  	[tilespmem:s9+$0xE0] =	vst v2  }
0x2a6: {  	[tilespmem:s9+$0x80] =	vst v0  }
0x2a7: {  	s9 =	rddreg [dreg:$0x12]  }
0x2a8: {  	[hbm4b:s9+s2] =	stream.strided.scatter [tilespmem:s18], [sflag:$0x4], $0x4000, s8, s2, $0x38;
	[tilespmem:$0x18600] =	vst v63  }
0x2a9: {  	s30 =	rddreg [dreg:$0x16]  }
0x2aa: {  	[tilespmem:s4], [sflag:$0x1] =	stream.strided.gather [hbm4b:s30+s2], $0x4000, s8, s2, $0x38;
	[tilespmem:$0x18600] =	vst v63  }
0x2ab: {  	s31 =	rddreg [dreg:$0x13]  }
0x2ac: {  	[tilespmem:s10], [sflag:$0x7] =	stream.linear.gather [hbm4b:s31+s4], $0x200, $0x38;
	[tilespmem:$0x18600] =	vst v63  }
0x2ad: {  	_ =	swait.ge [sflag:s19], $0x4000  }
0x2ae: {  	[sflag:s19] =	ssyncset.done $0x0  }
0x2af: {  	[sflag:s19] =	ssyncadd.s32 $0xFFFFC000  }
0x2b0: {  	_ =	swait.ge [sflag:s20], $0x200  }
0x2b1: {  	[sflag:s20] =	ssyncset.done $0x0  }
0x2b2: {  	[sflag:s20] =	ssyncadd.s32 $0xFFFFFE00  }
0x2b3: {  	_ =	swait.ge [sflag:s26], $0x4000  }
0x2b4: {  	[sflag:s26] =	ssyncset.done $0x0  }
0x2b5: {  	[sflag:s26] =	ssyncadd.s32 $0xFFFFC000  }
0x2b6: {  	v1 =	vld [tilespmem:$0x18200]  }
0x2b7: {  	v2 =	vld [tilespmem:$0x18280]  }
0x2b8: {  	v3 =	vld [tilespmem:$0x18300]  }
0x2b9: {  	s11 =	simm.s32 $0x4100;
	v0 =	vld [tilespmem:$0x18380]  }
0x2ba: {  	v4 =	vld [tilespmem:s11+$0xFFFFFF70]  }
0x2bb: {  	v5 =	vld [tilespmem:s11+$0xFFFFFF10]  }
0x2bc: {  	v6 =	vld [tilespmem:s11+$0xFFFFFF20]  }
0x2bd: {  	v7 =	vld [tilespmem:s11+$0xFFFFFF30]  }
0x2be: {  	v8 =	vld [tilespmem:s11+$0xFFFFFF40]  }
0x2bf: {  	v9 =	vld [tilespmem:s11+$0xFFFFFF50];
	v4 =	vadd.f32 v4, v1  }
0x2c0: {  	s9 =	simm.s32 $0x10100;
	v10 =	vld [tilespmem:s11+$0xFFFFFF60];
	v5 =	vadd.f32 v5, v1  }
0x2c1: {  	v11 =	vld [tilespmem:s11+$0xFFFFFF00];
	v6 =	vadd.f32 v6, v1;
	[tilespmem:s9+$0xFFFFFF70] =	vst v4  }
0x2c2: {  	[tilespmem:s9+$0xFFFFFF10] =	vst v5;
	v4 =	vadd.f32 v7, v1;
	v5 =	vld [tilespmem:s11+$0xFFFFFFF0]  }
0x2c3: {  	[tilespmem:s9+$0xFFFFFF20] =	vst v6;
	v6 =	vadd.f32 v8, v1;
	v7 =	vld [tilespmem:s11+$0xFFFFFF90]  }
0x2c4: {  	v8 =	vld [tilespmem:s11+$0xFFFFFFA0];
	[tilespmem:s9+$0xFFFFFF30] =	vst v4;
	v4 =	vadd.f32 v9, v1  }
0x2c5: {  	[tilespmem:s9+$0xFFFFFF40] =	vst v6;
	v6 =	vadd.f32 v10, v1;
	v9 =	vld [tilespmem:s11+$0xFFFFFFB0]  }
0x2c6: {  	v10 =	vadd.f32 v11, v1;
	v11 =	vld [tilespmem:s11+$0xFFFFFFC0];
	[tilespmem:s9+$0xFFFFFF50] =	vst v4  }
0x2c7: {  	[tilespmem:s9+$0xFFFFFF60] =	vst v6;
	v4 =	vld [tilespmem:s11+$0xFFFFFFD0];
	v5 =	vadd.f32 v5, v2  }
0x2c8: {  	[tilespmem:s9+$0xFFFFFF00] =	vst v10;
	v6 =	vadd.f32 v7, v2;
	v7 =	vld [tilespmem:s11+$0xFFFFFFE0]  }
0x2c9: {  	v10 =	vld [tilespmem:s11+$0xFFFFFF80];
	v8 =	vadd.f32 v8, v2;
	[tilespmem:s9+$0xFFFFFFF0] =	vst v5  }
0x2ca: {  	[tilespmem:s9+$0xFFFFFF90] =	vst v6;
	v5 =	vadd.f32 v9, v2;
	v6 =	vld [tilespmem:s11+$0x70]  }
0x2cb: {  	[tilespmem:s9+$0xFFFFFFA0] =	vst v8;
	v8 =	vadd.f32 v11, v2;
	v9 =	vld [tilespmem:s11+$0x10]  }
0x2cc: {  	v11 =	vld [tilespmem:s11+$0x20];
	[tilespmem:s9+$0xFFFFFFB0] =	vst v5;
	v4 =	vadd.f32 v4, v2  }
0x2cd: {  	[tilespmem:s9+$0xFFFFFFC0] =	vst v8;
	v5 =	vld [tilespmem:s11+$0x30];
	v7 =	vadd.f32 v7, v2  }
0x2ce: {  	v8 =	vadd.f32 v10, v2;
	v10 =	vld [tilespmem:s11+$0x40];
	[tilespmem:s9+$0xFFFFFFD0] =	vst v4  }
0x2cf: {  	v4 =	vld [tilespmem:s11+$0x50];
	[tilespmem:s9+$0xFFFFFFE0] =	vst v7;
	v6 =	vadd.f32 v6, v3  }
0x2d0: {  	[tilespmem:s9+$0xFFFFFF80] =	vst v8;
	v7 =	vadd.f32 v9, v3;
	v8 =	vld [tilespmem:s11+$0x60]  }
0x2d1: {  	v9 =	vld [tilespmem:s11+$0x0];
	v11 =	vadd.f32 v11, v3;
	[tilespmem:s9+$0x70] =	vst v6  }
0x2d2: {  	[tilespmem:s9+$0x10] =	vst v7;
	v5 =	vadd.f32 v5, v3;
	v7 =	vld [tilespmem:s11+$0xF0]  }
0x2d3: {  	[tilespmem:s9+$0x20] =	vst v11;
	v6 =	vadd.f32 v10, v3;
	v12 =	vld [tilespmem:s11+$0x90]  }
0x2d4: {  	v11 =	vld [tilespmem:s11+$0xA0];
	[tilespmem:s9+$0x30] =	vst v5;
	v5 =	vadd.f32 v4, v3  }
0x2d5: {  	[tilespmem:s9+$0x40] =	vst v6;
	v4 =	vld [tilespmem:s11+$0xB0];
	v8 =	vadd.f32 v8, v3  }
0x2d6: {  	v9 =	vadd.f32 v9, v3;
	v6 =	vld [tilespmem:s11+$0xC0];
	[tilespmem:s9+$0x50] =	vst v5  }
0x2d7: {  	v5 =	vld [tilespmem:s11+$0xD0];
	[tilespmem:s9+$0x60] =	vst v8;
	v13 =	vadd.f32 v7, v0  }
0x2d8: {  	[tilespmem:s9+$0x0] =	vst v9;
	v7 =	vld [tilespmem:s11+$0xE0];
	v10 =	vadd.f32 v12, v0  }
0x2d9: {  	s29 =	simm.s32 $0x0;
	v8 =	vld [tilespmem:s11+$0x80];
	v9 =	vadd.f32 v11, v0;
	s11 =	simm.s32 $0x4300;
	[tilespmem:s9+$0xF0] =	vst v13  }
.LBB2_18:
0x2da: {  	v11 =	vld [tilespmem:s11+$0xFFFFFF70];
	s29 =	sadd.s32 $0x8, s29;
	[tilespmem:s9+$0x90] =	vst v10;
	v4 =	vadd.f32 v4, v0  }
0x2db: {  	v10 =	vld [tilespmem:s11+$0xFFFFFF10];
	p0 =	slt.u32 s29, $0xF8;
	[tilespmem:s9+$0xA0] =	vst v9;
	v6 =	vadd.f32 v6, v0  }
0x2dc: {  	v9 =	vld [tilespmem:s11+$0xFFFFFF20];
	[tilespmem:s9+$0xB0] =	vst v4;
	v4 =	vadd.f32 v5, v0  }
0x2dd: {  	v5 =	vld [tilespmem:s11+$0xFFFFFF30];
	[tilespmem:s9+$0xC0] =	vst v6;
	v6 =	vadd.f32 v7, v0  }
0x2de: {  	v7 =	vld [tilespmem:s11+$0xFFFFFF40];
	v8 =	vadd.f32 v8, v0;
	[tilespmem:s9+$0xD0] =	vst v4  }
0x2df: {  	v4 =	vld [tilespmem:s11+$0xFFFFFF50];
	v11 =	vadd.f32 v11, v1;
	[tilespmem:s9+$0xE0] =	vst v6  }
0x2e0: {  	v6 =	vadd.f32 v10, v1;
	v10 =	vld [tilespmem:s11+$0xFFFFFF60];
	[tilespmem:s9+$0x80] =	vst v8;
	s9 =	sadd.s32 $0x200, s9  }
0x2e1: {  	v8 =	vld [tilespmem:s11+$0xFFFFFF00];
	v9 =	vadd.f32 v9, v1;
	[tilespmem:s9+$0xFFFFFF70] =	vst v11  }
0x2e2: {  	[tilespmem:s9+$0xFFFFFF10] =	vst v6;
	v5 =	vadd.f32 v5, v1;
	v6 =	vld [tilespmem:s11+$0xFFFFFFF0]  }
0x2e3: {  	v11 =	vld [tilespmem:s11+$0xFFFFFF90];
	[tilespmem:s9+$0xFFFFFF20] =	vst v9;
	v7 =	vadd.f32 v7, v1  }
0x2e4: {  	v9 =	vld [tilespmem:s11+$0xFFFFFFA0];
	[tilespmem:s9+$0xFFFFFF30] =	vst v5;
	v4 =	vadd.f32 v4, v1  }
0x2e5: {  	v5 =	vld [tilespmem:s11+$0xFFFFFFB0];
	[tilespmem:s9+$0xFFFFFF40] =	vst v7;
	v7 =	vadd.f32 v10, v1  }
0x2e6: {  	v8 =	vadd.f32 v8, v1;
	v10 =	vld [tilespmem:s11+$0xFFFFFFC0];
	[tilespmem:s9+$0xFFFFFF50] =	vst v4  }
0x2e7: {  	v4 =	vld [tilespmem:s11+$0xFFFFFFD0];
	[tilespmem:s9+$0xFFFFFF60] =	vst v7;
	v6 =	vadd.f32 v6, v2  }
0x2e8: {  	[tilespmem:s9+$0xFFFFFF00] =	vst v8;
	v7 =	vadd.f32 v11, v2;
	v8 =	vld [tilespmem:s11+$0xFFFFFFE0]  }
0x2e9: {  	v11 =	vld [tilespmem:s11+$0xFFFFFF80];
	v9 =	vadd.f32 v9, v2;
	[tilespmem:s9+$0xFFFFFFF0] =	vst v6  }
0x2ea: {  	[tilespmem:s9+$0xFFFFFF90] =	vst v7;
	v5 =	vadd.f32 v5, v2;
	v6 =	vld [tilespmem:s11+$0x70]  }
0x2eb: {  	v7 =	vld [tilespmem:s11+$0x10];
	[tilespmem:s9+$0xFFFFFFA0] =	vst v9;
	v9 =	vadd.f32 v10, v2  }
0x2ec: {  	v10 =	vld [tilespmem:s11+$0x20];
	[tilespmem:s9+$0xFFFFFFB0] =	vst v5;
	v4 =	vadd.f32 v4, v2  }
0x2ed: {  	v5 =	vld [tilespmem:s11+$0x30];
	[tilespmem:s9+$0xFFFFFFC0] =	vst v9;
	v8 =	vadd.f32 v8, v2  }
0x2ee: {  	v9 =	vadd.f32 v11, v2;
	v11 =	vld [tilespmem:s11+$0x40];
	[tilespmem:s9+$0xFFFFFFD0] =	vst v4  }
0x2ef: {  	v4 =	vld [tilespmem:s11+$0x50];
	[tilespmem:s9+$0xFFFFFFE0] =	vst v8;
	v6 =	vadd.f32 v6, v3  }
0x2f0: {  	[tilespmem:s9+$0xFFFFFF80] =	vst v9;
	v7 =	vadd.f32 v7, v3;
	v8 =	vld [tilespmem:s11+$0x60]  }
0x2f1: {  	v9 =	vld [tilespmem:s11+$0x0];
	v10 =	vadd.f32 v10, v3;
	[tilespmem:s9+$0x70] =	vst v6  }
0x2f2: {  	[tilespmem:s9+$0x10] =	vst v7;
	v5 =	vadd.f32 v5, v3;
	v7 =	vld [tilespmem:s11+$0xF0]  }
0x2f3: {  	v12 =	vld [tilespmem:s11+$0x90];
	[tilespmem:s9+$0x20] =	vst v10;
	v6 =	vadd.f32 v11, v3  }
0x2f4: {  	v11 =	vld [tilespmem:s11+$0xA0];
	[tilespmem:s9+$0x30] =	vst v5;
	v5 =	vadd.f32 v4, v3  }
.Ltmp8:
0x2f5: {  	v4 =	vld [tilespmem:s11+$0xB0];
	[tilespmem:s9+$0x40] =	vst v6;
	v8 =	vadd.f32 v8, v3;
	(pc) =	sbr.rel @p0 .LBB2_18-.Ltmp8, $4  }
0x2f6: {  	v9 =	vadd.f32 v9, v3;
	v6 =	vld [tilespmem:s11+$0xC0];
	[tilespmem:s9+$0x50] =	vst v5  }
0x2f7: {  	v5 =	vld [tilespmem:s11+$0xD0];
	[tilespmem:s9+$0x60] =	vst v8;
	v13 =	vadd.f32 v7, v0  }
0x2f8: {  	[tilespmem:s9+$0x0] =	vst v9;
	v10 =	vadd.f32 v12, v0;
	v7 =	vld [tilespmem:s11+$0xE0]  }
0x2f9: {  	v8 =	vld [tilespmem:s11+$0x80];
	v9 =	vadd.f32 v11, v0;
	[tilespmem:s9+$0xF0] =	vst v13;
	s11 =	sadd.s32 $0x200, s11  }
0x2fa: {  	[tilespmem:s9+$0x90] =	vst v10;
	v1 =	vadd.f32 v4, v0  }
0x2fb: {  	[tilespmem:s9+$0xA0] =	vst v9;
	v2 =	vadd.f32 v6, v0  }
0x2fc: {  	[tilespmem:s9+$0xB0] =	vst v1;
	v1 =	vadd.f32 v5, v0  }
0x2fd: {  	[tilespmem:s9+$0xC0] =	vst v2;
	v2 =	vadd.f32 v7, v0  }
0x2fe: {  	v0 =	vadd.f32 v8, v0;
	[tilespmem:s9+$0xD0] =	vst v1  }
0x2ff: {  	[tilespmem:s9+$0xE0] =	vst v2  }
0x300: {  	[tilespmem:s9+$0x80] =	vst v0  }
0x301: {  	s9 =	rddreg [dreg:$0x14]  }
0x302: {  	[hbm4b:s9+s2] =	stream.strided.scatter [tilespmem:s21], [sflag:$0x5], $0x4000, s8, s2, $0x38;
	[tilespmem:$0x18600] =	vst v63  }
0x303: {  	_ =	swait.ge [sflag:s22], $0x4000  }
0x304: {  	[sflag:s22] =	ssyncset.done $0x0  }
0x305: {  	[sflag:s22] =	ssyncadd.s32 $0xFFFFC000  }
0x306: {  	_ =	swait.ge [sflag:s23], $0x200  }
0x307: {  	[sflag:s23] =	ssyncset.done $0x0  }
0x308: {  	[sflag:s23] =	ssyncadd.s32 $0xFFFFFE00  }
0x309: {  	_ =	swait.ge [sflag:s28], $0x4000  }
0x30a: {  	[sflag:s28] =	ssyncset.done $0x0  }
0x30b: {  	[sflag:s28] =	ssyncadd.s32 $0xFFFFC000  }
0x30c: {  	v1 =	vld [tilespmem:$0x18400]  }
0x30d: {  	v2 =	vld [tilespmem:$0x18480]  }
0x30e: {  	v3 =	vld [tilespmem:$0x18500]  }
0x30f: {  	s11 =	simm.s32 $0x8100;
	v0 =	vld [tilespmem:$0x18580]  }
0x310: {  	v4 =	vld [tilespmem:s11+$0xFFFFFF70]  }
0x311: {  	v5 =	vld [tilespmem:s11+$0xFFFFFF10]  }
0x312: {  	v6 =	vld [tilespmem:s11+$0xFFFFFF20]  }
0x313: {  	v7 =	vld [tilespmem:s11+$0xFFFFFF30]  }
0x314: {  	v8 =	vld [tilespmem:s11+$0xFFFFFF40]  }
0x315: {  	v9 =	vld [tilespmem:s11+$0xFFFFFF50];
	v4 =	vadd.f32 v4, v1  }
0x316: {  	s9 =	simm.s32 $0x14100;
	v10 =	vld [tilespmem:s11+$0xFFFFFF60];
	v5 =	vadd.f32 v5, v1  }
0x317: {  	v11 =	vld [tilespmem:s11+$0xFFFFFF00];
	v6 =	vadd.f32 v6, v1;
	[tilespmem:s9+$0xFFFFFF70] =	vst v4  }
0x318: {  	[tilespmem:s9+$0xFFFFFF10] =	vst v5;
	v4 =	vadd.f32 v7, v1;
	v5 =	vld [tilespmem:s11+$0xFFFFFFF0]  }
0x319: {  	[tilespmem:s9+$0xFFFFFF20] =	vst v6;
	v6 =	vadd.f32 v8, v1;
	v7 =	vld [tilespmem:s11+$0xFFFFFF90]  }
0x31a: {  	v8 =	vld [tilespmem:s11+$0xFFFFFFA0];
	[tilespmem:s9+$0xFFFFFF30] =	vst v4;
	v4 =	vadd.f32 v9, v1  }
0x31b: {  	[tilespmem:s9+$0xFFFFFF40] =	vst v6;
	v6 =	vadd.f32 v10, v1;
	v9 =	vld [tilespmem:s11+$0xFFFFFFB0]  }
0x31c: {  	v10 =	vadd.f32 v11, v1;
	v11 =	vld [tilespmem:s11+$0xFFFFFFC0];
	[tilespmem:s9+$0xFFFFFF50] =	vst v4  }
0x31d: {  	[tilespmem:s9+$0xFFFFFF60] =	vst v6;
	v4 =	vld [tilespmem:s11+$0xFFFFFFD0];
	v5 =	vadd.f32 v5, v2  }
0x31e: {  	[tilespmem:s9+$0xFFFFFF00] =	vst v10;
	v6 =	vadd.f32 v7, v2;
	v7 =	vld [tilespmem:s11+$0xFFFFFFE0]  }
0x31f: {  	v10 =	vld [tilespmem:s11+$0xFFFFFF80];
	v8 =	vadd.f32 v8, v2;
	[tilespmem:s9+$0xFFFFFFF0] =	vst v5  }
0x320: {  	[tilespmem:s9+$0xFFFFFF90] =	vst v6;
	v5 =	vadd.f32 v9, v2;
	v6 =	vld [tilespmem:s11+$0x70]  }
0x321: {  	[tilespmem:s9+$0xFFFFFFA0] =	vst v8;
	v8 =	vadd.f32 v11, v2;
	v9 =	vld [tilespmem:s11+$0x10]  }
0x322: {  	v11 =	vld [tilespmem:s11+$0x20];
	[tilespmem:s9+$0xFFFFFFB0] =	vst v5;
	v4 =	vadd.f32 v4, v2  }
0x323: {  	[tilespmem:s9+$0xFFFFFFC0] =	vst v8;
	v5 =	vld [tilespmem:s11+$0x30];
	v7 =	vadd.f32 v7, v2  }
0x324: {  	v8 =	vadd.f32 v10, v2;
	v10 =	vld [tilespmem:s11+$0x40];
	[tilespmem:s9+$0xFFFFFFD0] =	vst v4  }
0x325: {  	v4 =	vld [tilespmem:s11+$0x50];
	[tilespmem:s9+$0xFFFFFFE0] =	vst v7;
	v6 =	vadd.f32 v6, v3  }
0x326: {  	[tilespmem:s9+$0xFFFFFF80] =	vst v8;
	v7 =	vadd.f32 v9, v3;
	v8 =	vld [tilespmem:s11+$0x60]  }
0x327: {  	v9 =	vld [tilespmem:s11+$0x0];
	v11 =	vadd.f32 v11, v3;
	[tilespmem:s9+$0x70] =	vst v6  }
0x328: {  	[tilespmem:s9+$0x10] =	vst v7;
	v5 =	vadd.f32 v5, v3;
	v7 =	vld [tilespmem:s11+$0xF0]  }
0x329: {  	[tilespmem:s9+$0x20] =	vst v11;
	v6 =	vadd.f32 v10, v3;
	v12 =	vld [tilespmem:s11+$0x90]  }
0x32a: {  	v11 =	vld [tilespmem:s11+$0xA0];
	[tilespmem:s9+$0x30] =	vst v5;
	v5 =	vadd.f32 v4, v3  }
0x32b: {  	[tilespmem:s9+$0x40] =	vst v6;
	v4 =	vld [tilespmem:s11+$0xB0];
	v8 =	vadd.f32 v8, v3  }
0x32c: {  	v9 =	vadd.f32 v9, v3;
	v6 =	vld [tilespmem:s11+$0xC0];
	[tilespmem:s9+$0x50] =	vst v5  }
0x32d: {  	v5 =	vld [tilespmem:s11+$0xD0];
	[tilespmem:s9+$0x60] =	vst v8;
	v13 =	vadd.f32 v7, v0  }
0x32e: {  	[tilespmem:s9+$0x0] =	vst v9;
	v7 =	vld [tilespmem:s11+$0xE0];
	v10 =	vadd.f32 v12, v0  }
0x32f: {  	s29 =	simm.s32 $0x0;
	v8 =	vld [tilespmem:s11+$0x80];
	v9 =	vadd.f32 v11, v0;
	s11 =	simm.s32 $0x8300;
	[tilespmem:s9+$0xF0] =	vst v13  }
.LBB2_20:
0x330: {  	v11 =	vld [tilespmem:s11+$0xFFFFFF70];
	s29 =	sadd.s32 $0x8, s29;
	[tilespmem:s9+$0x90] =	vst v10;
	v4 =	vadd.f32 v4, v0  }
0x331: {  	v10 =	vld [tilespmem:s11+$0xFFFFFF10];
	p0 =	slt.u32 s29, $0xF8;
	[tilespmem:s9+$0xA0] =	vst v9;
	v6 =	vadd.f32 v6, v0  }
0x332: {  	v9 =	vld [tilespmem:s11+$0xFFFFFF20];
	[tilespmem:s9+$0xB0] =	vst v4;
	v4 =	vadd.f32 v5, v0  }
0x333: {  	v5 =	vld [tilespmem:s11+$0xFFFFFF30];
	[tilespmem:s9+$0xC0] =	vst v6;
	v6 =	vadd.f32 v7, v0  }
0x334: {  	v7 =	vld [tilespmem:s11+$0xFFFFFF40];
	v8 =	vadd.f32 v8, v0;
	[tilespmem:s9+$0xD0] =	vst v4  }
0x335: {  	v4 =	vld [tilespmem:s11+$0xFFFFFF50];
	v11 =	vadd.f32 v11, v1;
	[tilespmem:s9+$0xE0] =	vst v6  }
0x336: {  	v6 =	vadd.f32 v10, v1;
	v10 =	vld [tilespmem:s11+$0xFFFFFF60];
	[tilespmem:s9+$0x80] =	vst v8;
	s9 =	sadd.s32 $0x200, s9  }
0x337: {  	v8 =	vld [tilespmem:s11+$0xFFFFFF00];
	v9 =	vadd.f32 v9, v1;
	[tilespmem:s9+$0xFFFFFF70] =	vst v11  }
0x338: {  	[tilespmem:s9+$0xFFFFFF10] =	vst v6;
	v5 =	vadd.f32 v5, v1;
	v6 =	vld [tilespmem:s11+$0xFFFFFFF0]  }
0x339: {  	v11 =	vld [tilespmem:s11+$0xFFFFFF90];
	[tilespmem:s9+$0xFFFFFF20] =	vst v9;
	v7 =	vadd.f32 v7, v1  }
0x33a: {  	v9 =	vld [tilespmem:s11+$0xFFFFFFA0];
	[tilespmem:s9+$0xFFFFFF30] =	vst v5;
	v4 =	vadd.f32 v4, v1  }
0x33b: {  	v5 =	vld [tilespmem:s11+$0xFFFFFFB0];
	[tilespmem:s9+$0xFFFFFF40] =	vst v7;
	v7 =	vadd.f32 v10, v1  }
0x33c: {  	v8 =	vadd.f32 v8, v1;
	v10 =	vld [tilespmem:s11+$0xFFFFFFC0];
	[tilespmem:s9+$0xFFFFFF50] =	vst v4  }
0x33d: {  	v4 =	vld [tilespmem:s11+$0xFFFFFFD0];
	[tilespmem:s9+$0xFFFFFF60] =	vst v7;
	v6 =	vadd.f32 v6, v2  }
0x33e: {  	[tilespmem:s9+$0xFFFFFF00] =	vst v8;
	v7 =	vadd.f32 v11, v2;
	v8 =	vld [tilespmem:s11+$0xFFFFFFE0]  }
0x33f: {  	v11 =	vld [tilespmem:s11+$0xFFFFFF80];
	v9 =	vadd.f32 v9, v2;
	[tilespmem:s9+$0xFFFFFFF0] =	vst v6  }
0x340: {  	[tilespmem:s9+$0xFFFFFF90] =	vst v7;
	v5 =	vadd.f32 v5, v2;
	v6 =	vld [tilespmem:s11+$0x70]  }
0x341: {  	v7 =	vld [tilespmem:s11+$0x10];
	[tilespmem:s9+$0xFFFFFFA0] =	vst v9;
	v9 =	vadd.f32 v10, v2  }
0x342: {  	v10 =	vld [tilespmem:s11+$0x20];
	[tilespmem:s9+$0xFFFFFFB0] =	vst v5;
	v4 =	vadd.f32 v4, v2  }
0x343: {  	v5 =	vld [tilespmem:s11+$0x30];
	[tilespmem:s9+$0xFFFFFFC0] =	vst v9;
	v8 =	vadd.f32 v8, v2  }
0x344: {  	v9 =	vadd.f32 v11, v2;
	v11 =	vld [tilespmem:s11+$0x40];
	[tilespmem:s9+$0xFFFFFFD0] =	vst v4  }
0x345: {  	v4 =	vld [tilespmem:s11+$0x50];
	[tilespmem:s9+$0xFFFFFFE0] =	vst v8;
	v6 =	vadd.f32 v6, v3  }
0x346: {  	[tilespmem:s9+$0xFFFFFF80] =	vst v9;
	v7 =	vadd.f32 v7, v3;
	v8 =	vld [tilespmem:s11+$0x60]  }
0x347: {  	v9 =	vld [tilespmem:s11+$0x0];
	v10 =	vadd.f32 v10, v3;
	[tilespmem:s9+$0x70] =	vst v6  }
0x348: {  	[tilespmem:s9+$0x10] =	vst v7;
	v5 =	vadd.f32 v5, v3;
	v7 =	vld [tilespmem:s11+$0xF0]  }
0x349: {  	v12 =	vld [tilespmem:s11+$0x90];
	[tilespmem:s9+$0x20] =	vst v10;
	v6 =	vadd.f32 v11, v3  }
0x34a: {  	v11 =	vld [tilespmem:s11+$0xA0];
	[tilespmem:s9+$0x30] =	vst v5;
	v5 =	vadd.f32 v4, v3  }
.Ltmp9:
0x34b: {  	v4 =	vld [tilespmem:s11+$0xB0];
	[tilespmem:s9+$0x40] =	vst v6;
	v8 =	vadd.f32 v8, v3;
	(pc) =	sbr.rel @p0 .LBB2_20-.Ltmp9, $4  }
0x34c: {  	v9 =	vadd.f32 v9, v3;
	v6 =	vld [tilespmem:s11+$0xC0];
	[tilespmem:s9+$0x50] =	vst v5  }
0x34d: {  	v5 =	vld [tilespmem:s11+$0xD0];
	[tilespmem:s9+$0x60] =	vst v8;
	v13 =	vadd.f32 v7, v0  }
0x34e: {  	[tilespmem:s9+$0x0] =	vst v9;
	v10 =	vadd.f32 v12, v0;
	v7 =	vld [tilespmem:s11+$0xE0]  }
0x34f: {  	v8 =	vld [tilespmem:s11+$0x80];
	v9 =	vadd.f32 v11, v0;
	[tilespmem:s9+$0xF0] =	vst v13;
	s11 =	sadd.s32 $0x200, s11  }
0x350: {  	[tilespmem:s9+$0x90] =	vst v10;
	v1 =	vadd.f32 v4, v0  }
0x351: {  	[tilespmem:s9+$0xA0] =	vst v9;
	v2 =	vadd.f32 v6, v0  }
0x352: {  	[tilespmem:s9+$0xB0] =	vst v1;
	v1 =	vadd.f32 v5, v0  }
0x353: {  	[tilespmem:s9+$0xC0] =	vst v2;
	v2 =	vadd.f32 v7, v0  }
0x354: {  	v0 =	vadd.f32 v8, v0;
	[tilespmem:s9+$0xD0] =	vst v1  }
0x355: {  	[tilespmem:s9+$0xE0] =	vst v2  }
0x356: {  	[tilespmem:s9+$0x80] =	vst v0  }
0x357: {  	s9 =	rddreg [dreg:$0x15]  }
0x358: {  	[hbm4b:s9+s2] =	stream.strided.scatter [tilespmem:s24], [sflag:$0x6], $0x4000, s8, s2, $0x38;
	[tilespmem:$0x18600] =	vst v63  }
0x359: {  	_ =	swait.ge [sflag:s15], $0x4000  }
0x35a: {  	[sflag:s15] =	ssyncset.done $0x0  }
0x35b: {  	[sflag:s15] =	ssyncadd.s32 $0xFFFFC000  }
0x35c: {  	_ =	swait.ge [sflag:s17], $0x200  }
0x35d: {  	[sflag:s17] =	ssyncset.done $0x0  }
0x35e: {  	[sflag:s17] =	ssyncadd.s32 $0xFFFFFE00  }
0x35f: {  	_ =	swait.ge [sflag:s25], $0x4000  }
0x360: {  	[sflag:s25] =	ssyncset.done $0x0  }
0x361: {  	[sflag:s25] =	ssyncadd.s32 $0xFFFFC000  }
0x362: {  	v1 =	vld [tilespmem:$0x18000]  }
0x363: {  	v2 =	vld [tilespmem:$0x18080]  }
0x364: {  	v3 =	vld [tilespmem:$0x18100]  }
0x365: {  	s11 =	simm.s32 $0x100;
	v0 =	vld [tilespmem:$0x18180]  }
0x366: {  	v4 =	vld [tilespmem:s11+$0xFFFFFF70]  }
0x367: {  	v5 =	vld [tilespmem:s11+$0xFFFFFF10]  }
0x368: {  	v6 =	vld [tilespmem:s11+$0xFFFFFF20]  }
0x369: {  	v7 =	vld [tilespmem:s11+$0xFFFFFF30]  }
0x36a: {  	v8 =	vld [tilespmem:s11+$0xFFFFFF40]  }
0x36b: {  	v9 =	vld [tilespmem:s11+$0xFFFFFF50];
	v4 =	vadd.f32 v4, v1  }
0x36c: {  	s9 =	simm.s32 $0xC100;
	v10 =	vld [tilespmem:s11+$0xFFFFFF60];
	v5 =	vadd.f32 v5, v1  }
0x36d: {  	v11 =	vld [tilespmem:s11+$0xFFFFFF00];
	v6 =	vadd.f32 v6, v1;
	[tilespmem:s9+$0xFFFFFF70] =	vst v4  }
0x36e: {  	[tilespmem:s9+$0xFFFFFF10] =	vst v5;
	v4 =	vadd.f32 v7, v1;
	v5 =	vld [tilespmem:s11+$0xFFFFFFF0]  }
0x36f: {  	[tilespmem:s9+$0xFFFFFF20] =	vst v6;
	v6 =	vadd.f32 v8, v1;
	v7 =	vld [tilespmem:s11+$0xFFFFFF90]  }
0x370: {  	v8 =	vld [tilespmem:s11+$0xFFFFFFA0];
	[tilespmem:s9+$0xFFFFFF30] =	vst v4;
	v4 =	vadd.f32 v9, v1  }
0x371: {  	[tilespmem:s9+$0xFFFFFF40] =	vst v6;
	v6 =	vadd.f32 v10, v1;
	v9 =	vld [tilespmem:s11+$0xFFFFFFB0]  }
0x372: {  	v10 =	vadd.f32 v11, v1;
	v11 =	vld [tilespmem:s11+$0xFFFFFFC0];
	[tilespmem:s9+$0xFFFFFF50] =	vst v4  }
0x373: {  	[tilespmem:s9+$0xFFFFFF60] =	vst v6;
	v4 =	vld [tilespmem:s11+$0xFFFFFFD0];
	v5 =	vadd.f32 v5, v2  }
0x374: {  	[tilespmem:s9+$0xFFFFFF00] =	vst v10;
	v6 =	vadd.f32 v7, v2;
	v7 =	vld [tilespmem:s11+$0xFFFFFFE0]  }
0x375: {  	v10 =	vld [tilespmem:s11+$0xFFFFFF80];
	v8 =	vadd.f32 v8, v2;
	[tilespmem:s9+$0xFFFFFFF0] =	vst v5  }
0x376: {  	[tilespmem:s9+$0xFFFFFF90] =	vst v6;
	v5 =	vadd.f32 v9, v2;
	v6 =	vld [tilespmem:s11+$0x70]  }
0x377: {  	[tilespmem:s9+$0xFFFFFFA0] =	vst v8;
	v8 =	vadd.f32 v11, v2;
	v9 =	vld [tilespmem:s11+$0x10]  }
0x378: {  	v11 =	vld [tilespmem:s11+$0x20];
	[tilespmem:s9+$0xFFFFFFB0] =	vst v5;
	v4 =	vadd.f32 v4, v2  }
0x379: {  	[tilespmem:s9+$0xFFFFFFC0] =	vst v8;
	v5 =	vld [tilespmem:s11+$0x30];
	v7 =	vadd.f32 v7, v2  }
0x37a: {  	v8 =	vadd.f32 v10, v2;
	v10 =	vld [tilespmem:s11+$0x40];
	[tilespmem:s9+$0xFFFFFFD0] =	vst v4  }
0x37b: {  	v4 =	vld [tilespmem:s11+$0x50];
	[tilespmem:s9+$0xFFFFFFE0] =	vst v7;
	v6 =	vadd.f32 v6, v3  }
0x37c: {  	[tilespmem:s9+$0xFFFFFF80] =	vst v8;
	v7 =	vadd.f32 v9, v3;
	v8 =	vld [tilespmem:s11+$0x60]  }
0x37d: {  	v9 =	vld [tilespmem:s11+$0x0];
	v11 =	vadd.f32 v11, v3;
	[tilespmem:s9+$0x70] =	vst v6  }
0x37e: {  	[tilespmem:s9+$0x10] =	vst v7;
	v5 =	vadd.f32 v5, v3;
	v7 =	vld [tilespmem:s11+$0xF0]  }
0x37f: {  	[tilespmem:s9+$0x20] =	vst v11;
	v6 =	vadd.f32 v10, v3;
	v12 =	vld [tilespmem:s11+$0x90]  }
0x380: {  	v11 =	vld [tilespmem:s11+$0xA0];
	[tilespmem:s9+$0x30] =	vst v5;
	v5 =	vadd.f32 v4, v3  }
0x381: {  	[tilespmem:s9+$0x40] =	vst v6;
	v4 =	vld [tilespmem:s11+$0xB0];
	v8 =	vadd.f32 v8, v3  }
0x382: {  	v9 =	vadd.f32 v9, v3;
	v6 =	vld [tilespmem:s11+$0xC0];
	[tilespmem:s9+$0x50] =	vst v5  }
0x383: {  	v5 =	vld [tilespmem:s11+$0xD0];
	[tilespmem:s9+$0x60] =	vst v8;
	v13 =	vadd.f32 v7, v0  }
0x384: {  	[tilespmem:s9+$0x0] =	vst v9;
	v7 =	vld [tilespmem:s11+$0xE0];
	v10 =	vadd.f32 v12, v0  }
0x385: {  	s29 =	simm.s32 $0x0;
	v8 =	vld [tilespmem:s11+$0x80];
	v9 =	vadd.f32 v11, v0;
	s11 =	simm.s32 $0x300;
	[tilespmem:s9+$0xF0] =	vst v13  }
.LBB2_22:
0x386: {  	v11 =	vld [tilespmem:s11+$0xFFFFFF70];
	s29 =	sadd.s32 $0x8, s29;
	[tilespmem:s9+$0x90] =	vst v10;
	v4 =	vadd.f32 v4, v0  }
0x387: {  	v10 =	vld [tilespmem:s11+$0xFFFFFF10];
	p0 =	slt.u32 s29, $0xF8;
	[tilespmem:s9+$0xA0] =	vst v9;
	v6 =	vadd.f32 v6, v0  }
0x388: {  	v9 =	vld [tilespmem:s11+$0xFFFFFF20];
	[tilespmem:s9+$0xB0] =	vst v4;
	v4 =	vadd.f32 v5, v0  }
0x389: {  	v5 =	vld [tilespmem:s11+$0xFFFFFF30];
	[tilespmem:s9+$0xC0] =	vst v6;
	v6 =	vadd.f32 v7, v0  }
0x38a: {  	v7 =	vld [tilespmem:s11+$0xFFFFFF40];
	v8 =	vadd.f32 v8, v0;
	[tilespmem:s9+$0xD0] =	vst v4  }
0x38b: {  	v4 =	vld [tilespmem:s11+$0xFFFFFF50];
	v11 =	vadd.f32 v11, v1;
	[tilespmem:s9+$0xE0] =	vst v6  }
0x38c: {  	v6 =	vadd.f32 v10, v1;
	v10 =	vld [tilespmem:s11+$0xFFFFFF60];
	[tilespmem:s9+$0x80] =	vst v8;
	s9 =	sadd.s32 $0x200, s9  }
0x38d: {  	v8 =	vld [tilespmem:s11+$0xFFFFFF00];
	v9 =	vadd.f32 v9, v1;
	[tilespmem:s9+$0xFFFFFF70] =	vst v11  }
0x38e: {  	[tilespmem:s9+$0xFFFFFF10] =	vst v6;
	v5 =	vadd.f32 v5, v1;
	v6 =	vld [tilespmem:s11+$0xFFFFFFF0]  }
0x38f: {  	v11 =	vld [tilespmem:s11+$0xFFFFFF90];
	[tilespmem:s9+$0xFFFFFF20] =	vst v9;
	v7 =	vadd.f32 v7, v1  }
0x390: {  	v9 =	vld [tilespmem:s11+$0xFFFFFFA0];
	[tilespmem:s9+$0xFFFFFF30] =	vst v5;
	v4 =	vadd.f32 v4, v1  }
0x391: {  	v5 =	vld [tilespmem:s11+$0xFFFFFFB0];
	[tilespmem:s9+$0xFFFFFF40] =	vst v7;
	v7 =	vadd.f32 v10, v1  }
0x392: {  	v8 =	vadd.f32 v8, v1;
	v10 =	vld [tilespmem:s11+$0xFFFFFFC0];
	[tilespmem:s9+$0xFFFFFF50] =	vst v4  }
0x393: {  	v4 =	vld [tilespmem:s11+$0xFFFFFFD0];
	[tilespmem:s9+$0xFFFFFF60] =	vst v7;
	v6 =	vadd.f32 v6, v2  }
0x394: {  	[tilespmem:s9+$0xFFFFFF00] =	vst v8;
	v7 =	vadd.f32 v11, v2;
	v8 =	vld [tilespmem:s11+$0xFFFFFFE0]  }
0x395: {  	v11 =	vld [tilespmem:s11+$0xFFFFFF80];
	v9 =	vadd.f32 v9, v2;
	[tilespmem:s9+$0xFFFFFFF0] =	vst v6  }
0x396: {  	[tilespmem:s9+$0xFFFFFF90] =	vst v7;
	v5 =	vadd.f32 v5, v2;
	v6 =	vld [tilespmem:s11+$0x70]  }
0x397: {  	v7 =	vld [tilespmem:s11+$0x10];
	[tilespmem:s9+$0xFFFFFFA0] =	vst v9;
	v9 =	vadd.f32 v10, v2  }
0x398: {  	v10 =	vld [tilespmem:s11+$0x20];
	[tilespmem:s9+$0xFFFFFFB0] =	vst v5;
	v4 =	vadd.f32 v4, v2  }
0x399: {  	v5 =	vld [tilespmem:s11+$0x30];
	[tilespmem:s9+$0xFFFFFFC0] =	vst v9;
	v8 =	vadd.f32 v8, v2  }
0x39a: {  	v9 =	vadd.f32 v11, v2;
	v11 =	vld [tilespmem:s11+$0x40];
	[tilespmem:s9+$0xFFFFFFD0] =	vst v4  }
0x39b: {  	v4 =	vld [tilespmem:s11+$0x50];
	[tilespmem:s9+$0xFFFFFFE0] =	vst v8;
	v6 =	vadd.f32 v6, v3  }
0x39c: {  	[tilespmem:s9+$0xFFFFFF80] =	vst v9;
	v7 =	vadd.f32 v7, v3;
	v8 =	vld [tilespmem:s11+$0x60]  }
0x39d: {  	v9 =	vld [tilespmem:s11+$0x0];
	v10 =	vadd.f32 v10, v3;
	[tilespmem:s9+$0x70] =	vst v6  }
0x39e: {  	[tilespmem:s9+$0x10] =	vst v7;
	v5 =	vadd.f32 v5, v3;
	v7 =	vld [tilespmem:s11+$0xF0]  }
0x39f: {  	v12 =	vld [tilespmem:s11+$0x90];
	[tilespmem:s9+$0x20] =	vst v10;
	v6 =	vadd.f32 v11, v3  }
0x3a0: {  	v11 =	vld [tilespmem:s11+$0xA0];
	[tilespmem:s9+$0x30] =	vst v5;
	v5 =	vadd.f32 v4, v3  }
.Ltmp10:
0x3a1: {  	v4 =	vld [tilespmem:s11+$0xB0];
	[tilespmem:s9+$0x40] =	vst v6;
	v8 =	vadd.f32 v8, v3;
	(pc) =	sbr.rel @p0 .LBB2_22-.Ltmp10, $4  }
0x3a2: {  	v9 =	vadd.f32 v9, v3;
	v6 =	vld [tilespmem:s11+$0xC0];
	[tilespmem:s9+$0x50] =	vst v5  }
0x3a3: {  	v5 =	vld [tilespmem:s11+$0xD0];
	[tilespmem:s9+$0x60] =	vst v8;
	v13 =	vadd.f32 v7, v0  }
0x3a4: {  	[tilespmem:s9+$0x0] =	vst v9;
	v10 =	vadd.f32 v12, v0;
	v7 =	vld [tilespmem:s11+$0xE0]  }
0x3a5: {  	v8 =	vld [tilespmem:s11+$0x80];
	v9 =	vadd.f32 v11, v0;
	[tilespmem:s9+$0xF0] =	vst v13;
	s11 =	sadd.s32 $0x200, s11  }
0x3a6: {  	[tilespmem:s9+$0x90] =	vst v10;
	v1 =	vadd.f32 v4, v0  }
0x3a7: {  	[tilespmem:s9+$0xA0] =	vst v9;
	v2 =	vadd.f32 v6, v0  }
0x3a8: {  	[tilespmem:s9+$0xB0] =	vst v1;
	v61 =	vadd.f32 v5, v0  }
0x3a9: {  	[tilespmem:s9+$0xC0] =	vst v2;
	v62 =	vadd.f32 v7, v0  }
0x3aa: {  	v63 =	vadd.f32 v8, v0;
	[tilespmem:s9+$0xD0] =	vst v61  }
0x3ab: {  	[tilespmem:s9+$0xE0] =	vst v62  }
0x3ac: {  	[tilespmem:s9+$0x80] =	vst v63  }
0x3ad: {  	s9 =	rddreg [dreg:$0x17]  }
0x3ae: {  	[hbm4b:s9+s2] =	stream.strided.scatter [tilespmem:s18], [sflag:$0x4], $0x4000, s8, s2, $0x38;
	[tilespmem:$0x18600] =	vst v63  }
0x3af: {  	_ =	swait.ge [sflag:s25], $0x4000  }
0x3b0: {  	[sflag:s25] =	ssyncset.done $0x0  }
0x3b1: {  	[sflag:s25] =	ssyncadd.s32 $0xFFFFC000  }
0x3b2: {  	_ =	swait.ge [sflag:s26], $0x4000  }
0x3b3: {  	[sflag:s26] =	ssyncset.done $0x0  }
0x3b4: {  	[sflag:s26] =	ssyncadd.s32 $0xFFFFC000  }
0x3b5: {  	_ =	swait.ge [sflag:s28], $0x4000  }
0x3b6: {  	s11 =	rddreg [dreg:$0x1a]  }
0x3b7: {  	s31 =	rddreg [dreg:$0x18];
	s11 =	sadd.s32 $0x1, s11  }
0x3b8: {  	p0 =	sne.s32 s11, s31  }
.Ltmp11:
0x3b9: {  	_ = 	snop;
	(pc) =	sbr.rel @p0 .LBB2_1-.Ltmp11, $3  }
0x3ba: {  	_ =	sdelay $0x1  }
0x3bb: {  	[sflag:s28] =	ssyncset.done $0x0  }
0x3bc: {  	[sflag:s28] =	ssyncadd.s32 $0xFFFFC000  }
0x3bd: {  	_ =	sfence.sel $0x180000  }
0x3be: {  	[bflag:$0x0] =	sbarrier.arrive $0xFFFF  }
0x3bf: {  	_ =	strace $0x90000047  }
0x3c0: {  	s0 =	stileid.u32;
	[bflag:$0x2] =	sbarrier.arrive $0xFFFF  }
0x3c1: {  	p0 =	sne.s32 s0, $0x0;
	s0 =	rddreg [dreg:$0x3]  }
0x3c2: {  	s0 =	sadd.s32 @!p0 $0x100000, s0  }
0x3c3: {  	[sflag:s0] =	ssyncadd.tile.s32 @!p0 $0x1;
	_ =	shalt  }
.Lfunc_end2:
_tile_overlayer_lowered:
.L_overlay_start_2:
0x3c4: {  	(tag) =	ssettag $0x2  }
0x3c5: {  	s0 =	rddreg [dreg:$0x0];
	s2 =	stileid.u32  }
0x3c6: {  	s1 =	rddreg [dreg:$0x1];
	p0 =	sne.s32 s2, $0x0  }
0x3c7: {  	s3 =	rddreg [dreg:$0x2];
	[bflag:$0x3] =	sbarrier.arrive $0xFFFF;
	s2 =	simm.s32 @!p0 $0x1C0A  }
0x3c8: {  	[timem:s3], [sflag:s2] =	dma.local @!p0 [hbm:s0], s1  }
0x3c9: {  	s0 =	simm.s32 @!p0 $0xA  }
0x3ca: {  	_ =	swait.ge @!p0 [sflag:s0], s1  }
0x3cb: {  	s1 =	ssub.s32 @!p0 $0x0, s1;
	[sflag:s0] =	ssyncset.done @!p0 $0x0  }
0x3cc: {  	[sflag:s0] =	ssyncadd.s32 @!p0 s1  }
0x3cd: {  	[bflag:$0x3] =	sbarrier.arrive $0xFFFF  }
0x3ce: {  	_ =	shalt  }

</sc_bundles>
